<compile_context>
chip_gen: v7x
topology: tpu7x:2x2x1
jax: 0.10.2.dev20260603
libtpu: 0.0.44.dev20260713+nightly
codegen_flags: <defaults>
</compile_context>

<pallas_src>
import functools

import jax
import jax.numpy as jnp
from jax import lax
from jax.experimental import pallas as pl
from jax.experimental.pallas import tpu as pltpu
from jax.experimental.pallas import tpu_sc as plsc

_EMB = 16
_NC, _NS = 2, 16
_NW = _NC * _NS
_CHUNK = 1000
_UNROLL = 8


def _sc_fill(E):
    R = E // _NW
    n_dma = R // _CHUNK
    mesh = plsc.VectorSubcoreMesh(core_axis_name="c", subcore_axis_name="s")

    @functools.partial(
        pl.kernel,
        mesh=mesh,
        out_type=jax.ShapeDtypeStruct((E, _EMB), jnp.float32),
        scratch_types=[
            pltpu.VMEM((1, _EMB), jnp.float32),
            pltpu.VMEM((_CHUNK, _EMB), jnp.float32),
            pltpu.SemaphoreType.DMA,
        ],
    )
    def body(emb_hbm, out_hbm, emb_v, buf, sem):
        wid = lax.axis_index("s") * _NC + lax.axis_index("c")
        base = wid * R
        pltpu.sync_copy(emb_hbm, emb_v)
        row = emb_v[0, :]

        def fill(i, carry):
            for j in range(_UNROLL):
                buf[i * _UNROLL + j, :] = row
            return carry

        lax.fori_loop(0, _CHUNK // _UNROLL, fill, 0)

        copies = [
            pltpu.async_copy(
                buf, out_hbm.at[pl.ds(base + k * _CHUNK, _CHUNK)], sem
            )
            for k in range(n_dma)
        ]
        for c in copies:
            c.wait()

    return body


def kernel(edge_index, emb_table):
    E = edge_index.shape[1]
    if E % (_NW * _CHUNK) == 0:
        return _sc_fill(E)(emb_table)
    block = E
    for b in range(min(65_536, E), 0, -1):
        if E % b == 0:
            block = b
            break
    return pl.pallas_call(
        lambda emb_ref, out_ref: out_ref.__setitem__(
            (slice(None), slice(None)),
            jnp.broadcast_to(emb_ref[0:1, :], out_ref.shape),
        ),
        grid=(E // block,),
        in_specs=[pl.BlockSpec((1, _EMB), lambda i: (0, 0))],
        out_specs=pl.BlockSpec((block, _EMB), lambda i: (i, 0)),
        out_shape=jax.ShapeDtypeStruct((E, _EMB), jnp.float32),
    )(emb_table)

# --- scband reference (transcript-rebuilt; emitter-appended) ---
"""Pipeline reference for scband-dummy-edge-encoder-15126874817095 (READ-ONLY COPY).

The authoritative reference and input builder live on the scoring server;
editing this copy changes nothing except your own understanding.
"""

import jax, jax.numpy as jnp
import numpy as np

EMB_DIM = 16
N_NODES = 100000
N_EDGES = 3200000

def setup_inputs(seed: int = 0) -> dict:
    key = jax.random.key(seed)
    k1, k2 = jax.random.split(key)
    edge_index = jax.random.randint(k1, (2, N_EDGES), 0, N_NODES, dtype=jnp.int64 if jax.config.read('jax_enable_x64') else jnp.int32)
    # Embedding table with num_embeddings=1 (DummyEdge), emb_dim=EMB_DIM
    emb_table = jax.random.normal(k2, (1, EMB_DIM), dtype=jnp.float32)
    return {"edge_index": edge_index, "emb_table": emb_table}

def reference(edge_index, emb_table):
    # forward: dummy_attr = edge_index.new_zeros(E); edge_attr = encoder(dummy_attr)
    E = edge_index.shape[1]
    dummy_attr = jnp.zeros((E,), dtype=jnp.int32)
    edge_attr = jnp.take(emb_table, dummy_attr, axis=0)  # [E, EMB_DIM]
    return edge_attr

if __name__ == "__main__":
    import jax
    _d = setup_inputs()
    print(jax.jit(kernel)(*tuple(_d.values())))

</pallas_src>

<mosaic_0001>
#map = affine_map<(d0, d1) -> (0, 0)>
module attributes {stable_mosaic.version = 14 : i64} {
  func.func @body(%arg0: i32, %arg1: i32, %arg2: memref<1x16xf32, #tpu.memory_space<hbm>>, %arg3: memref<3200000x16xf32, #tpu.memory_space<hbm>>, %arg4: memref<1x16xf32, #tpu.memory_space<vmem>>, %arg5: memref<1000x16xf32, #tpu.memory_space<vmem>>, %arg6: memref<!tpu.dma_semaphore, #tpu.memory_space<semaphore_mem>>) attributes {dimension_semantics = [#tpu.dimension_semantics<core_parallel>, #tpu.dimension_semantics<subcore_parallel>], iteration_bounds = array<i64: 2, 16>, scalar_prefetch = 0 : i64, scratch_operands = 3 : i64, tpu.core_type = #tpu.core_type<sc_vector_subcore>, window_params = [{transform_indices = #map}, {transform_indices = #map}]} {
    %mul3A = arith.constant 2 : i32
    %mul3A_0 = arith.muli %arg1, %mul3A : i32
    %add3A = arith.addi %mul3A_0, %arg0 : i32
    %mul3A_1 = arith.constant 100000 : i32
    %mul3A_2 = arith.muli %add3A, %mul3A_1 : i32
    "tpu.region"() ({
      %run_scoped3A = tpu.sem_alloc : memref<!tpu.dma_semaphore, #tpu.memory_space<semaphore_mem>>
      tpu.enqueue_dma source(%arg2 : memref<1x16xf32, #tpu.memory_space<hbm>>) target(%arg4 : memref<1x16xf32, #tpu.memory_space<vmem>>) target_semaphore(%run_scoped3A : memref<!tpu.dma_semaphore, #tpu.memory_space<semaphore_mem>>)
      tpu.wait_dma2 semaphore(%run_scoped3A : memref<!tpu.dma_semaphore, #tpu.memory_space<semaphore_mem>>) src(%arg2 : memref<1x16xf32, #tpu.memory_space<hbm>>) dst(%arg4 : memref<1x16xf32, #tpu.memory_space<vmem>>)
      tpu.yield
    }) : () -> ()
    %get3A = arith.constant 0 : i32
    %get3A_3 = arith.index_cast %get3A : i32 to index
    %get3A_4 = arith.constant 0 : index
    %get3A_5 = tpu.vector_load %arg4[%get3A_3, %get3A_4] {strides = array<i32>} : memref<1x16xf32, #tpu.memory_space<vmem>>, vector<1x16xf32>,
    %get3A_6 = vector.shape_cast %get3A_5 : vector<1x16xf32> to vector<16xf32>
    %scan3A = arith.constant 0 : i32
    %scan3A_7 = arith.constant 0 : i32
    %scan3A_8 = arith.constant 125 : i32
    %scan3A_9 = arith.addi %scan3A_7, %scan3A_8 : i32
    %scan3A_10 = arith.constant 1 : i32
    scf.for %scan3A_1010 = %scan3A_7 to %scan3A_9 step %scan3A_10  : i32 {
      %mul3A_1011 = arith.constant 8 : i32
      %mul3A_1012 = arith.muli %scan3A_1010, %mul3A_1011 : i32
      %add3A_1013 = arith.constant 0 : i32
      %add3A_1014 = arith.addi %mul3A_1012, %add3A_1013 : i32
      %swap3A = arith.index_cast %add3A_1014 : i32 to index
      %swap3A_1015 = arith.constant 0 : index
      %swap3A_1016 = tpu.vector_load %arg5[%swap3A, %swap3A_1015] {strides = array<i32>} : memref<1000x16xf32, #tpu.memory_space<vmem>>, vector<1x16xf32>,
      %swap3A_1017 = vector.shape_cast %swap3A_1016 : vector<1x16xf32> to vector<16xf32>
      %swap3A_1018 = vector.shape_cast %get3A_6 : vector<16xf32> to vector<1x16xf32>
      tpu.vector_store %arg5[%swap3A, %swap3A_1015], %swap3A_1018 {strides = array<i32>} : memref<1000x16xf32, #tpu.memory_space<vmem>>, vector<1x16xf32>,
      %mul3A_1019 = arith.constant 8 : i32
      %mul3A_1020 = arith.muli %scan3A_1010, %mul3A_1019 : i32
      %add3A_1021 = arith.constant 1 : i32
      %add3A_1022 = arith.addi %mul3A_1020, %add3A_1021 : i32
      %swap3A_1023 = arith.index_cast %add3A_1022 : i32 to index
      %swap3A_1024 = arith.constant 0 : index
      %swap3A_1025 = tpu.vector_load %arg5[%swap3A_1023, %swap3A_1024] {strides = array<i32>} : memref<1000x16xf32, #tpu.memory_space<vmem>>, vector<1x16xf32>,
      %swap3A_1026 = vector.shape_cast %swap3A_1025 : vector<1x16xf32> to vector<16xf32>
      %swap3A_1027 = vector.shape_cast %get3A_6 : vector<16xf32> to vector<1x16xf32>
      tpu.vector_store %arg5[%swap3A_1023, %swap3A_1024], %swap3A_1027 {strides = array<i32>} : memref<1000x16xf32, #tpu.memory_space<vmem>>, vector<1x16xf32>,
      %mul3A_1028 = arith.constant 8 : i32
      %mul3A_1029 = arith.muli %scan3A_1010, %mul3A_1028 : i32
      %add3A_1030 = arith.constant 2 : i32
      %add3A_1031 = arith.addi %mul3A_1029, %add3A_1030 : i32
      %swap3A_1032 = arith.index_cast %add3A_1031 : i32 to index
      %swap3A_1033 = arith.constant 0 : index
      %swap3A_1034 = tpu.vector_load %arg5[%swap3A_1032, %swap3A_1033] {strides = array<i32>} : memref<1000x16xf32, #tpu.memory_space<vmem>>, vector<1x16xf32>,
      %swap3A_1035 = vector.shape_cast %swap3A_1034 : vector<1x16xf32> to vector<16xf32>
      %swap3A_1036 = vector.shape_cast %get3A_6 : vector<16xf32> to vector<1x16xf32>
      tpu.vector_store %arg5[%swap3A_1032, %swap3A_1033], %swap3A_1036 {strides = array<i32>} : memref<1000x16xf32, #tpu.memory_space<vmem>>, vector<1x16xf32>,
      %mul3A_1037 = arith.constant 8 : i32
      %mul3A_1038 = arith.muli %scan3A_1010, %mul3A_1037 : i32
      %add3A_1039 = arith.constant 3 : i32
      %add3A_1040 = arith.addi %mul3A_1038, %add3A_1039 : i32
      %swap3A_1041 = arith.index_cast %add3A_1040 : i32 to index
      %swap3A_1042 = arith.constant 0 : index
      %swap3A_1043 = tpu.vector_load %arg5[%swap3A_1041, %swap3A_1042] {strides = array<i32>} : memref<1000x16xf32, #tpu.memory_space<vmem>>, vector<1x16xf32>,
      %swap3A_1044 = vector.shape_cast %swap3A_1043 : vector<1x16xf32> to vector<16xf32>
      %swap3A_1045 = vector.shape_cast %get3A_6 : vector<16xf32> to vector<1x16xf32>
      tpu.vector_store %arg5[%swap3A_1041, %swap3A_1042], %swap3A_1045 {strides = array<i32>} : memref<1000x16xf32, #tpu.memory_space<vmem>>, vector<1x16xf32>,
      %mul3A_1046 = arith.constant 8 : i32
      %mul3A_1047 = arith.muli %scan3A_1010, %mul3A_1046 : i32
      %add3A_1048 = arith.constant 4 : i32
      %add3A_1049 = arith.addi %mul3A_1047, %add3A_1048 : i32
      %swap3A_1050 = arith.index_cast %add3A_1049 : i32 to index
      %swap3A_1051 = arith.constant 0 : index
      %swap3A_1052 = tpu.vector_load %arg5[%swap3A_1050, %swap3A_1051] {strides = array<i32>} : memref<1000x16xf32, #tpu.memory_space<vmem>>, vector<1x16xf32>,
      %swap3A_1053 = vector.shape_cast %swap3A_1052 : vector<1x16xf32> to vector<16xf32>
      %swap3A_1054 = vector.shape_cast %get3A_6 : vector<16xf32> to vector<1x16xf32>
      tpu.vector_store %arg5[%swap3A_1050, %swap3A_1051], %swap3A_1054 {strides = array<i32>} : memref<1000x16xf32, #tpu.memory_space<vmem>>, vector<1x16xf32>,
      %mul3A_1055 = arith.constant 8 : i32
      %mul3A_1056 = arith.muli %scan3A_1010, %mul3A_1055 : i32
      %add3A_1057 = arith.constant 5 : i32
      %add3A_1058 = arith.addi %mul3A_1056, %add3A_1057 : i32
      %swap3A_1059 = arith.index_cast %add3A_1058 : i32 to index
      %swap3A_1060 = arith.constant 0 : index
      %swap3A_1061 = tpu.vector_load %arg5[%swap3A_1059, %swap3A_1060] {strides = array<i32>} : memref<1000x16xf32, #tpu.memory_space<vmem>>, vector<1x16xf32>,
      %swap3A_1062 = vector.shape_cast %swap3A_1061 : vector<1x16xf32> to vector<16xf32>
      %swap3A_1063 = vector.shape_cast %get3A_6 : vector<16xf32> to vector<1x16xf32>
      tpu.vector_store %arg5[%swap3A_1059, %swap3A_1060], %swap3A_1063 {strides = array<i32>} : memref<1000x16xf32, #tpu.memory_space<vmem>>, vector<1x16xf32>,
      %mul3A_1064 = arith.constant 8 : i32
      %mul3A_1065 = arith.muli %scan3A_1010, %mul3A_1064 : i32
      %add3A_1066 = arith.constant 6 : i32
      %add3A_1067 = arith.addi %mul3A_1065, %add3A_1066 : i32
      %swap3A_1068 = arith.index_cast %add3A_1067 : i32 to index
      %swap3A_1069 = arith.constant 0 : index
      %swap3A_1070 = tpu.vector_load %arg5[%swap3A_1068, %swap3A_1069] {strides = array<i32>} : memref<1000x16xf32, #tpu.memory_space<vmem>>, vector<1x16xf32>,
      %swap3A_1071 = vector.shape_cast %swap3A_1070 : vector<1x16xf32> to vector<16xf32>
      %swap3A_1072 = vector.shape_cast %get3A_6 : vector<16xf32> to vector<1x16xf32>
      tpu.vector_store %arg5[%swap3A_1068, %swap3A_1069], %swap3A_1072 {strides = array<i32>} : memref<1000x16xf32, #tpu.memory_space<vmem>>, vector<1x16xf32>,
      %mul3A_1073 = arith.constant 8 : i32
      %mul3A_1074 = arith.muli %scan3A_1010, %mul3A_1073 : i32
      %add3A_1075 = arith.constant 7 : i32
      %add3A_1076 = arith.addi %mul3A_1074, %add3A_1075 : i32
      %swap3A_1077 = arith.index_cast %add3A_1076 : i32 to index
      %swap3A_1078 = arith.constant 0 : index
      %swap3A_1079 = tpu.vector_load %arg5[%swap3A_1077, %swap3A_1078] {strides = array<i32>} : memref<1000x16xf32, #tpu.memory_space<vmem>>, vector<1x16xf32>,
      %swap3A_1080 = vector.shape_cast %swap3A_1079 : vector<1x16xf32> to vector<16xf32>
      %swap3A_1081 = vector.shape_cast %get3A_6 : vector<16xf32> to vector<1x16xf32>
      tpu.vector_store %arg5[%swap3A_1077, %swap3A_1078], %swap3A_1081 {strides = array<i32>} : memref<1000x16xf32, #tpu.memory_space<vmem>>, vector<1x16xf32>,
    }
    %scan3A_11 = arith.constant 125 : i32
    %add3A_12 = arith.constant 0 : i32
    %add3A_13 = arith.addi %mul3A_2, %add3A_12 : i32
    %dma_start3A = arith.constant 0 : i32
    %dma_start3A_14 = tpu.memref_slice %arg3[%add3A_13, %dma_start3A] : memref<3200000x16xf32, #tpu.memory_space<hbm>> -> memref<1000x16xf32, #tpu.memory_space<hbm>>
    %dma_start3A_15 = arith.constant 0 : i32
    %dma_start3A_16 = tpu.memref_slice %arg3[%add3A_13, %dma_start3A_15] : memref<3200000x16xf32, #tpu.memory_space<hbm>> -> memref<1000x16xf32, #tpu.memory_space<hbm>>
    tpu.enqueue_dma source(%arg5 : memref<1000x16xf32, #tpu.memory_space<vmem>>) target(%dma_start3A_16 : memref<1000x16xf32, #tpu.memory_space<hbm>>) target_semaphore(%arg6 : memref<!tpu.dma_semaphore, #tpu.memory_space<semaphore_mem>>)
    %add3A_17 = arith.constant 1000 : i32
    %add3A_18 = arith.addi %mul3A_2, %add3A_17 : i32
    %dma_start3A_19 = arith.constant 0 : i32
    %dma_start3A_20 = tpu.memref_slice %arg3[%add3A_18, %dma_start3A_19] : memref<3200000x16xf32, #tpu.memory_space<hbm>> -> memref<1000x16xf32, #tpu.memory_space<hbm>>
    %dma_start3A_21 = arith.constant 0 : i32
    %dma_start3A_22 = tpu.memref_slice %arg3[%add3A_18, %dma_start3A_21] : memref<3200000x16xf32, #tpu.memory_space<hbm>> -> memref<1000x16xf32, #tpu.memory_space<hbm>>
    tpu.enqueue_dma source(%arg5 : memref<1000x16xf32, #tpu.memory_space<vmem>>) target(%dma_start3A_22 : memref<1000x16xf32, #tpu.memory_space<hbm>>) target_semaphore(%arg6 : memref<!tpu.dma_semaphore, #tpu.memory_space<semaphore_mem>>)
    %add3A_23 = arith.constant 2000 : i32
    %add3A_24 = arith.addi %mul3A_2, %add3A_23 : i32
    %dma_start3A_25 = arith.constant 0 : i32
    %dma_start3A_26 = tpu.memref_slice %arg3[%add3A_24, %dma_start3A_25] : memref<3200000x16xf32, #tpu.memory_space<hbm>> -> memref<1000x16xf32, #tpu.memory_space<hbm>>
    %dma_start3A_27 = arith.constant 0 : i32
    %dma_start3A_28 = tpu.memref_slice %arg3[%add3A_24, %dma_start3A_27] : memref<3200000x16xf32, #tpu.memory_space<hbm>> -> memref<1000x16xf32, #tpu.memory_space<hbm>>
    tpu.enqueue_dma source(%arg5 : memref<1000x16xf32, #tpu.memory_space<vmem>>) target(%dma_start3A_28 : memref<1000x16xf32, #tpu.memory_space<hbm>>) target_semaphore(%arg6 : memref<!tpu.dma_semaphore, #tpu.memory_space<semaphore_mem>>)
    %add3A_29 = arith.constant 3000 : i32
    %add3A_30 = arith.addi %mul3A_2, %add3A_29 : i32
    %dma_start3A_31 = arith.constant 0 : i32
    %dma_start3A_32 = tpu.memref_slice %arg3[%add3A_30, %dma_start3A_31] : memref<3200000x16xf32, #tpu.memory_space<hbm>> -> memref<1000x16xf32, #tpu.memory_space<hbm>>
    %dma_start3A_33 = arith.constant 0 : i32
    %dma_start3A_34 = tpu.memref_slice %arg3[%add3A_30, %dma_start3A_33] : memref<3200000x16xf32, #tpu.memory_space<hbm>> -> memref<1000x16xf32, #tpu.memory_space<hbm>>
    tpu.enqueue_dma source(%arg5 : memref<1000x16xf32, #tpu.memory_space<vmem>>) target(%dma_start3A_34 : memref<1000x16xf32, #tpu.memory_space<hbm>>) target_semaphore(%arg6 : memref<!tpu.dma_semaphore, #tpu.memory_space<semaphore_mem>>)
    %add3A_35 = arith.constant 4000 : i32
    %add3A_36 = arith.addi %mul3A_2, %add3A_35 : i32
    %dma_start3A_37 = arith.constant 0 : i32
    %dma_start3A_38 = tpu.memref_slice %arg3[%add3A_36, %dma_start3A_37] : memref<3200000x16xf32, #tpu.memory_space<hbm>> -> memref<1000x16xf32, #tpu.memory_space<hbm>>
    %dma_start3A_39 = arith.constant 0 : i32
    %dma_start3A_40 = tpu.memref_slice %arg3[%add3A_36, %dma_start3A_39] : memref<3200000x16xf32, #tpu.memory_space<hbm>> -> memref<1000x16xf32, #tpu.memory_space<hbm>>
    tpu.enqueue_dma source(%arg5 : memref<1000x16xf32, #tpu.memory_space<vmem>>) target(%dma_start3A_40 : memref<1000x16xf32, #tpu.memory_space<hbm>>) target_semaphore(%arg6 : memref<!tpu.dma_semaphore, #tpu.memory_space<semaphore_mem>>)
    %add3A_41 = arith.constant 5000 : i32
    %add3A_42 = arith.addi %mul3A_2, %add3A_41 : i32
    %dma_start3A_43 = arith.constant 0 : i32
    %dma_start3A_44 = tpu.memref_slice %arg3[%add3A_42, %dma_start3A_43] : memref<3200000x16xf32, #tpu.memory_space<hbm>> -> memref<1000x16xf32, #tpu.memory_space<hbm>>
    %dma_start3A_45 = arith.constant 0 : i32
    %dma_start3A_46 = tpu.memref_slice %arg3[%add3A_42, %dma_start3A_45] : memref<3200000x16xf32, #tpu.memory_space<hbm>> -> memref<1000x16xf32, #tpu.memory_space<hbm>>
    tpu.enqueue_dma source(%arg5 : memref<1000x16xf32, #tpu.memory_space<vmem>>) target(%dma_start3A_46 : memref<1000x16xf32, #tpu.memory_space<hbm>>) target_semaphore(%arg6 : memref<!tpu.dma_semaphore, #tpu.memory_space<semaphore_mem>>)
    %add3A_47 = arith.constant 6000 : i32
    %add3A_48 = arith.addi %mul3A_2, %add3A_47 : i32
    %dma_start3A_49 = arith.constant 0 : i32
    %dma_start3A_50 = tpu.memref_slice %arg3[%add3A_48, %dma_start3A_49] : memref<3200000x16xf32, #tpu.memory_space<hbm>> -> memref<1000x16xf32, #tpu.memory_space<hbm>>
    %dma_start3A_51 = arith.constant 0 : i32
    %dma_start3A_52 = tpu.memref_slice %arg3[%add3A_48, %dma_start3A_51] : memref<3200000x16xf32, #tpu.memory_space<hbm>> -> memref<1000x16xf32, #tpu.memory_space<hbm>>
    tpu.enqueue_dma source(%arg5 : memref<1000x16xf32, #tpu.memory_space<vmem>>) target(%dma_start3A_52 : memref<1000x16xf32, #tpu.memory_space<hbm>>) target_semaphore(%arg6 : memref<!tpu.dma_semaphore, #tpu.memory_space<semaphore_mem>>)
    %add3A_53 = arith.constant 7000 : i32
    %add3A_54 = arith.addi %mul3A_2, %add3A_53 : i32
    %dma_start3A_55 = arith.constant 0 : i32
    %dma_start3A_56 = tpu.memref_slice %arg3[%add3A_54, %dma_start3A_55] : memref<3200000x16xf32, #tpu.memory_space<hbm>> -> memref<1000x16xf32, #tpu.memory_space<hbm>>
    %dma_start3A_57 = arith.constant 0 : i32
    %dma_start3A_58 = tpu.memref_slice %arg3[%add3A_54, %dma_start3A_57] : memref<3200000x16xf32, #tpu.memory_space<hbm>> -> memref<1000x16xf32, #tpu.memory_space<hbm>>
    tpu.enqueue_dma source(%arg5 : memref<1000x16xf32, #tpu.memory_space<vmem>>) target(%dma_start3A_58 : memref<1000x16xf32, #tpu.memory_space<hbm>>) target_semaphore(%arg6 : memref<!tpu.dma_semaphore, #tpu.memory_space<semaphore_mem>>)
    %add3A_59 = arith.constant 8000 : i32
    %add3A_60 = arith.addi %mul3A_2, %add3A_59 : i32
    %dma_start3A_61 = arith.constant 0 : i32
    %dma_start3A_62 = tpu.memref_slice %arg3[%add3A_60, %dma_start3A_61] : memref<3200000x16xf32, #tpu.memory_space<hbm>> -> memref<1000x16xf32, #tpu.memory_space<hbm>>
    %dma_start3A_63 = arith.constant 0 : i32
    %dma_start3A_64 = tpu.memref_slice %arg3[%add3A_60, %dma_start3A_63] : memref<3200000x16xf32, #tpu.memory_space<hbm>> -> memref<1000x16xf32, #tpu.memory_space<hbm>>
    tpu.enqueue_dma source(%arg5 : memref<1000x16xf32, #tpu.memory_space<vmem>>) target(%dma_start3A_64 : memref<1000x16xf32, #tpu.memory_space<hbm>>) target_semaphore(%arg6 : memref<!tpu.dma_semaphore, #tpu.memory_space<semaphore_mem>>)
    %add3A_65 = arith.constant 9000 : i32
    %add3A_66 = arith.addi %mul3A_2, %add3A_65 : i32
    %dma_start3A_67 = arith.constant 0 : i32
    %dma_start3A_68 = tpu.memref_slice %arg3[%add3A_66, %dma_start3A_67] : memref<3200000x16xf32, #tpu.memory_space<hbm>> -> memref<1000x16xf32, #tpu.memory_space<hbm>>
    %dma_start3A_69 = arith.constant 0 : i32
    %dma_start3A_70 = tpu.memref_slice %arg3[%add3A_66, %dma_start3A_69] : memref<3200000x16xf32, #tpu.memory_space<hbm>> -> memref<1000x16xf32, #tpu.memory_space<hbm>>
    tpu.enqueue_dma source(%arg5 : memref<1000x16xf32, #tpu.memory_space<vmem>>) target(%dma_start3A_70 : memref<1000x16xf32, #tpu.memory_space<hbm>>) target_semaphore(%arg6 : memref<!tpu.dma_semaphore, #tpu.memory_space<semaphore_mem>>)
    %add3A_71 = arith.constant 10000 : i32
    %add3A_72 = arith.addi %mul3A_2, %add3A_71 : i32
    %dma_start3A_73 = arith.constant 0 : i32
    %dma_start3A_74 = tpu.memref_slice %arg3[%add3A_72, %dma_start3A_73] : memref<3200000x16xf32, #tpu.memory_space<hbm>> -> memref<1000x16xf32, #tpu.memory_space<hbm>>
    %dma_start3A_75 = arith.constant 0 : i32
    %dma_start3A_76 = tpu.memref_slice %arg3[%add3A_72, %dma_start3A_75] : memref<3200000x16xf32, #tpu.memory_space<hbm>> -> memref<1000x16xf32, #tpu.memory_space<hbm>>
    tpu.enqueue_dma source(%arg5 : memref<1000x16xf32, #tpu.memory_space<vmem>>) target(%dma_start3A_76 : memref<1000x16xf32, #tpu.memory_space<hbm>>) target_semaphore(%arg6 : memref<!tpu.dma_semaphore, #tpu.memory_space<semaphore_mem>>)
    %add3A_77 = arith.constant 11000 : i32
    %add3A_78 = arith.addi %mul3A_2, %add3A_77 : i32
    %dma_start3A_79 = arith.constant 0 : i32
    %dma_start3A_80 = tpu.memref_slice %arg3[%add3A_78, %dma_start3A_79] : memref<3200000x16xf32, #tpu.memory_space<hbm>> -> memref<1000x16xf32, #tpu.memory_space<hbm>>
    %dma_start3A_81 = arith.constant 0 : i32
    %dma_start3A_82 = tpu.memref_slice %arg3[%add3A_78, %dma_start3A_81] : memref<3200000x16xf32, #tpu.memory_space<hbm>> -> memref<1000x16xf32, #tpu.memory_space<hbm>>
    tpu.enqueue_dma source(%arg5 : memref<1000x16xf32, #tpu.memory_space<vmem>>) target(%dma_start3A_82 : memref<1000x16xf32, #tpu.memory_space<hbm>>) target_semaphore(%arg6 : memref<!tpu.dma_semaphore, #tpu.memory_space<semaphore_mem>>)
    %add3A_83 = arith.constant 12000 : i32
    %add3A_84 = arith.addi %mul3A_2, %add3A_83 : i32
    %dma_start3A_85 = arith.constant 0 : i32
    %dma_start3A_86 = tpu.memref_slice %arg3[%add3A_84, %dma_start3A_85] : memref<3200000x16xf32, #tpu.memory_space<hbm>> -> memref<1000x16xf32, #tpu.memory_space<hbm>>
    %dma_start3A_87 = arith.constant 0 : i32
    %dma_start3A_88 = tpu.memref_slice %arg3[%add3A_84, %dma_start3A_87] : memref<3200000x16xf32, #tpu.memory_space<hbm>> -> memref<1000x16xf32, #tpu.memory_space<hbm>>
    tpu.enqueue_dma source(%arg5 : memref<1000x16xf32, #tpu.memory_space<vmem>>) target(%dma_start3A_88 : memref<1000x16xf32, #tpu.memory_space<hbm>>) target_semaphore(%arg6 : memref<!tpu.dma_semaphore, #tpu.memory_space<semaphore_mem>>)
    %add3A_89 = arith.constant 13000 : i32
    %add3A_90 = arith.addi %mul3A_2, %add3A_89 : i32
    %dma_start3A_91 = arith.constant 0 : i32
    %dma_start3A_92 = tpu.memref_slice %arg3[%add3A_90, %dma_start3A_91] : memref<3200000x16xf32, #tpu.memory_space<hbm>> -> memref<1000x16xf32, #tpu.memory_space<hbm>>
    %dma_start3A_93 = arith.constant 0 : i32
    %dma_start3A_94 = tpu.memref_slice %arg3[%add3A_90, %dma_start3A_93] : memref<3200000x16xf32, #tpu.memory_space<hbm>> -> memref<1000x16xf32, #tpu.memory_space<hbm>>
    tpu.enqueue_dma source(%arg5 : memref<1000x16xf32, #tpu.memory_space<vmem>>) target(%dma_start3A_94 : memref<1000x16xf32, #tpu.memory_space<hbm>>) target_semaphore(%arg6 : memref<!tpu.dma_semaphore, #tpu.memory_space<semaphore_mem>>)
    %add3A_95 = arith.constant 14000 : i32
    %add3A_96 = arith.addi %mul3A_2, %add3A_95 : i32
    %dma_start3A_97 = arith.constant 0 : i32
    %dma_start3A_98 = tpu.memref_slice %arg3[%add3A_96, %dma_start3A_97] : memref<3200000x16xf32, #tpu.memory_space<hbm>> -> memref<1000x16xf32, #tpu.memory_space<hbm>>
    %dma_start3A_99 = arith.constant 0 : i32
    %dma_start3A_100 = tpu.memref_slice %arg3[%add3A_96, %dma_start3A_99] : memref<3200000x16xf32, #tpu.memory_space<hbm>> -> memref<1000x16xf32, #tpu.memory_space<hbm>>
    tpu.enqueue_dma source(%arg5 : memref<1000x16xf32, #tpu.memory_space<vmem>>) target(%dma_start3A_100 : memref<1000x16xf32, #tpu.memory_space<hbm>>) target_semaphore(%arg6 : memref<!tpu.dma_semaphore, #tpu.memory_space<semaphore_mem>>)
    %add3A_101 = arith.constant 15000 : i32
    %add3A_102 = arith.addi %mul3A_2, %add3A_101 : i32
    %dma_start3A_103 = arith.constant 0 : i32
    %dma_start3A_104 = tpu.memref_slice %arg3[%add3A_102, %dma_start3A_103] : memref<3200000x16xf32, #tpu.memory_space<hbm>> -> memref<1000x16xf32, #tpu.memory_space<hbm>>
    %dma_start3A_105 = arith.constant 0 : i32
    %dma_start3A_106 = tpu.memref_slice %arg3[%add3A_102, %dma_start3A_105] : memref<3200000x16xf32, #tpu.memory_space<hbm>> -> memref<1000x16xf32, #tpu.memory_space<hbm>>
    tpu.enqueue_dma source(%arg5 : memref<1000x16xf32, #tpu.memory_space<vmem>>) target(%dma_start3A_106 : memref<1000x16xf32, #tpu.memory_space<hbm>>) target_semaphore(%arg6 : memref<!tpu.dma_semaphore, #tpu.memory_space<semaphore_mem>>)
    %add3A_107 = arith.constant 16000 : i32
    %add3A_108 = arith.addi %mul3A_2, %add3A_107 : i32
    %dma_start3A_109 = arith.constant 0 : i32
    %dma_start3A_110 = tpu.memref_slice %arg3[%add3A_108, %dma_start3A_109] : memref<3200000x16xf32, #tpu.memory_space<hbm>> -> memref<1000x16xf32, #tpu.memory_space<hbm>>
    %dma_start3A_111 = arith.constant 0 : i32
    %dma_start3A_112 = tpu.memref_slice %arg3[%add3A_108, %dma_start3A_111] : memref<3200000x16xf32, #tpu.memory_space<hbm>> -> memref<1000x16xf32, #tpu.memory_space<hbm>>
    tpu.enqueue_dma source(%arg5 : memref<1000x16xf32, #tpu.memory_space<vmem>>) target(%dma_start3A_112 : memref<1000x16xf32, #tpu.memory_space<hbm>>) target_semaphore(%arg6 : memref<!tpu.dma_semaphore, #tpu.memory_space<semaphore_mem>>)
    %add3A_113 = arith.constant 17000 : i32
    %add3A_114 = arith.addi %mul3A_2, %add3A_113 : i32
    %dma_start3A_115 = arith.constant 0 : i32
    %dma_start3A_116 = tpu.memref_slice %arg3[%add3A_114, %dma_start3A_115] : memref<3200000x16xf32, #tpu.memory_space<hbm>> -> memref<1000x16xf32, #tpu.memory_space<hbm>>
    %dma_start3A_117 = arith.constant 0 : i32
    %dma_start3A_118 = tpu.memref_slice %arg3[%add3A_114, %dma_start3A_117] : memref<3200000x16xf32, #tpu.memory_space<hbm>> -> memref<1000x16xf32, #tpu.memory_space<hbm>>
    tpu.enqueue_dma source(%arg5 : memref<1000x16xf32, #tpu.memory_space<vmem>>) target(%dma_start3A_118 : memref<1000x16xf32, #tpu.memory_space<hbm>>) target_semaphore(%arg6 : memref<!tpu.dma_semaphore, #tpu.memory_space<semaphore_mem>>)
    %add3A_119 = arith.constant 18000 : i32
    %add3A_120 = arith.addi %mul3A_2, %add3A_119 : i32
    %dma_start3A_121 = arith.constant 0 : i32
    %dma_start3A_122 = tpu.memref_slice %arg3[%add3A_120, %dma_start3A_121] : memref<3200000x16xf32, #tpu.memory_space<hbm>> -> memref<1000x16xf32, #tpu.memory_space<hbm>>
    %dma_start3A_123 = arith.constant 0 : i32
    %dma_start3A_124 = tpu.memref_slice %arg3[%add3A_120, %dma_start3A_123] : memref<3200000x16xf32, #tpu.memory_space<hbm>> -> memref<1000x16xf32, #tpu.memory_space<hbm>>
    tpu.enqueue_dma source(%arg5 : memref<1000x16xf32, #tpu.memory_space<vmem>>) target(%dma_start3A_124 : memref<1000x16xf32, #tpu.memory_space<hbm>>) target_semaphore(%arg6 : memref<!tpu.dma_semaphore, #tpu.memory_space<semaphore_mem>>)
    %add3A_125 = arith.constant 19000 : i32
    %add3A_126 = arith.addi %mul3A_2, %add3A_125 : i32
    %dma_start3A_127 = arith.constant 0 : i32
    %dma_start3A_128 = tpu.memref_slice %arg3[%add3A_126, %dma_start3A_127] : memref<3200000x16xf32, #tpu.memory_space<hbm>> -> memref<1000x16xf32, #tpu.memory_space<hbm>>
    %dma_start3A_129 = arith.constant 0 : i32
    %dma_start3A_130 = tpu.memref_slice %arg3[%add3A_126, %dma_start3A_129] : memref<3200000x16xf32, #tpu.memory_space<hbm>> -> memref<1000x16xf32, #tpu.memory_space<hbm>>
    tpu.enqueue_dma source(%arg5 : memref<1000x16xf32, #tpu.memory_space<vmem>>) target(%dma_start3A_130 : memref<1000x16xf32, #tpu.memory_space<hbm>>) target_semaphore(%arg6 : memref<!tpu.dma_semaphore, #tpu.memory_space<semaphore_mem>>)
    %add3A_131 = arith.constant 20000 : i32
    %add3A_132 = arith.addi %mul3A_2, %add3A_131 : i32
    %dma_start3A_133 = arith.constant 0 : i32
    %dma_start3A_134 = tpu.memref_slice %arg3[%add3A_132, %dma_start3A_133] : memref<3200000x16xf32, #tpu.memory_space<hbm>> -> memref<1000x16xf32, #tpu.memory_space<hbm>>
    %dma_start3A_135 = arith.constant 0 : i32
    %dma_start3A_136 = tpu.memref_slice %arg3[%add3A_132, %dma_start3A_135] : memref<3200000x16xf32, #tpu.memory_space<hbm>> -> memref<1000x16xf32, #tpu.memory_space<hbm>>
    tpu.enqueue_dma source(%arg5 : memref<1000x16xf32, #tpu.memory_space<vmem>>) target(%dma_start3A_136 : memref<1000x16xf32, #tpu.memory_space<hbm>>) target_semaphore(%arg6 : memref<!tpu.dma_semaphore, #tpu.memory_space<semaphore_mem>>)
    %add3A_137 = arith.constant 21000 : i32
    %add3A_138 = arith.addi %mul3A_2, %add3A_137 : i32
    %dma_start3A_139 = arith.constant 0 : i32
    %dma_start3A_140 = tpu.memref_slice %arg3[%add3A_138, %dma_start3A_139] : memref<3200000x16xf32, #tpu.memory_space<hbm>> -> memref<1000x16xf32, #tpu.memory_space<hbm>>
    %dma_start3A_141 = arith.constant 0 : i32
    %dma_start3A_142 = tpu.memref_slice %arg3[%add3A_138, %dma_start3A_141] : memref<3200000x16xf32, #tpu.memory_space<hbm>> -> memref<1000x16xf32, #tpu.memory_space<hbm>>
    tpu.enqueue_dma source(%arg5 : memref<1000x16xf32, #tpu.memory_space<vmem>>) target(%dma_start3A_142 : memref<1000x16xf32, #tpu.memory_space<hbm>>) target_semaphore(%arg6 : memref<!tpu.dma_semaphore, #tpu.memory_space<semaphore_mem>>)
    %add3A_143 = arith.constant 22000 : i32
    %add3A_144 = arith.addi %mul3A_2, %add3A_143 : i32
    %dma_start3A_145 = arith.constant 0 : i32
    %dma_start3A_146 = tpu.memref_slice %arg3[%add3A_144, %dma_start3A_145] : memref<3200000x16xf32, #tpu.memory_space<hbm>> -> memref<1000x16xf32, #tpu.memory_space<hbm>>
    %dma_start3A_147 = arith.constant 0 : i32
    %dma_start3A_148 = tpu.memref_slice %arg3[%add3A_144, %dma_start3A_147] : memref<3200000x16xf32, #tpu.memory_space<hbm>> -> memref<1000x16xf32, #tpu.memory_space<hbm>>
    tpu.enqueue_dma source(%arg5 : memref<1000x16xf32, #tpu.memory_space<vmem>>) target(%dma_start3A_148 : memref<1000x16xf32, #tpu.memory_space<hbm>>) target_semaphore(%arg6 : memref<!tpu.dma_semaphore, #tpu.memory_space<semaphore_mem>>)
    %add3A_149 = arith.constant 23000 : i32
    %add3A_150 = arith.addi %mul3A_2, %add3A_149 : i32
    %dma_start3A_151 = arith.constant 0 : i32
    %dma_start3A_152 = tpu.memref_slice %arg3[%add3A_150, %dma_start3A_151] : memref<3200000x16xf32, #tpu.memory_space<hbm>> -> memref<1000x16xf32, #tpu.memory_space<hbm>>
    %dma_start3A_153 = arith.constant 0 : i32
    %dma_start3A_154 = tpu.memref_slice %arg3[%add3A_150, %dma_start3A_153] : memref<3200000x16xf32, #tpu.memory_space<hbm>> -> memref<1000x16xf32, #tpu.memory_space<hbm>>
    tpu.enqueue_dma source(%arg5 : memref<1000x16xf32, #tpu.memory_space<vmem>>) target(%dma_start3A_154 : memref<1000x16xf32, #tpu.memory_space<hbm>>) target_semaphore(%arg6 : memref<!tpu.dma_semaphore, #tpu.memory_space<semaphore_mem>>)
    %add3A_155 = arith.constant 24000 : i32
    %add3A_156 = arith.addi %mul3A_2, %add3A_155 : i32
    %dma_start3A_157 = arith.constant 0 : i32
    %dma_start3A_158 = tpu.memref_slice %arg3[%add3A_156, %dma_start3A_157] : memref<3200000x16xf32, #tpu.memory_space<hbm>> -> memref<1000x16xf32, #tpu.memory_space<hbm>>
    %dma_start3A_159 = arith.constant 0 : i32
    %dma_start3A_160 = tpu.memref_slice %arg3[%add3A_156, %dma_start3A_159] : memref<3200000x16xf32, #tpu.memory_space<hbm>> -> memref<1000x16xf32, #tpu.memory_space<hbm>>
    tpu.enqueue_dma source(%arg5 : memref<1000x16xf32, #tpu.memory_space<vmem>>) target(%dma_start3A_160 : memref<1000x16xf32, #tpu.memory_space<hbm>>) target_semaphore(%arg6 : memref<!tpu.dma_semaphore, #tpu.memory_space<semaphore_mem>>)
    %add3A_161 = arith.constant 25000 : i32
    %add3A_162 = arith.addi %mul3A_2, %add3A_161 : i32
    %dma_start3A_163 = arith.constant 0 : i32
    %dma_start3A_164 = tpu.memref_slice %arg3[%add3A_162, %dma_start3A_163] : memref<3200000x16xf32, #tpu.memory_space<hbm>> -> memref<1000x16xf32, #tpu.memory_space<hbm>>
    %dma_start3A_165 = arith.constant 0 : i32
    %dma_start3A_166 = tpu.memref_slice %arg3[%add3A_162, %dma_start3A_165] : memref<3200000x16xf32, #tpu.memory_space<hbm>> -> memref<1000x16xf32, #tpu.memory_space<hbm>>
    tpu.enqueue_dma source(%arg5 : memref<1000x16xf32, #tpu.memory_space<vmem>>) target(%dma_start3A_166 : memref<1000x16xf32, #tpu.memory_space<hbm>>) target_semaphore(%arg6 : memref<!tpu.dma_semaphore, #tpu.memory_space<semaphore_mem>>)
    %add3A_167 = arith.constant 26000 : i32
    %add3A_168 = arith.addi %mul3A_2, %add3A_167 : i32
    %dma_start3A_169 = arith.constant 0 : i32
    %dma_start3A_170 = tpu.memref_slice %arg3[%add3A_168, %dma_start3A_169] : memref<3200000x16xf32, #tpu.memory_space<hbm>> -> memref<1000x16xf32, #tpu.memory_space<hbm>>
    %dma_start3A_171 = arith.constant 0 : i32
    %dma_start3A_172 = tpu.memref_slice %arg3[%add3A_168, %dma_start3A_171] : memref<3200000x16xf32, #tpu.memory_space<hbm>> -> memref<1000x16xf32, #tpu.memory_space<hbm>>
    tpu.enqueue_dma source(%arg5 : memref<1000x16xf32, #tpu.memory_space<vmem>>) target(%dma_start3A_172 : memref<1000x16xf32, #tpu.memory_space<hbm>>) target_semaphore(%arg6 : memref<!tpu.dma_semaphore, #tpu.memory_space<semaphore_mem>>)
    %add3A_173 = arith.constant 27000 : i32
    %add3A_174 = arith.addi %mul3A_2, %add3A_173 : i32
    %dma_start3A_175 = arith.constant 0 : i32
    %dma_start3A_176 = tpu.memref_slice %arg3[%add3A_174, %dma_start3A_175] : memref<3200000x16xf32, #tpu.memory_space<hbm>> -> memref<1000x16xf32, #tpu.memory_space<hbm>>
    %dma_start3A_177 = arith.constant 0 : i32
    %dma_start3A_178 = tpu.memref_slice %arg3[%add3A_174, %dma_start3A_177] : memref<3200000x16xf32, #tpu.memory_space<hbm>> -> memref<1000x16xf32, #tpu.memory_space<hbm>>
    tpu.enqueue_dma source(%arg5 : memref<1000x16xf32, #tpu.memory_space<vmem>>) target(%dma_start3A_178 : memref<1000x16xf32, #tpu.memory_space<hbm>>) target_semaphore(%arg6 : memref<!tpu.dma_semaphore, #tpu.memory_space<semaphore_mem>>)
    %add3A_179 = arith.constant 28000 : i32
    %add3A_180 = arith.addi %mul3A_2, %add3A_179 : i32
    %dma_start3A_181 = arith.constant 0 : i32
    %dma_start3A_182 = tpu.memref_slice %arg3[%add3A_180, %dma_start3A_181] : memref<3200000x16xf32, #tpu.memory_space<hbm>> -> memref<1000x16xf32, #tpu.memory_space<hbm>>
    %dma_start3A_183 = arith.constant 0 : i32
    %dma_start3A_184 = tpu.memref_slice %arg3[%add3A_180, %dma_start3A_183] : memref<3200000x16xf32, #tpu.memory_space<hbm>> -> memref<1000x16xf32, #tpu.memory_space<hbm>>
    tpu.enqueue_dma source(%arg5 : memref<1000x16xf32, #tpu.memory_space<vmem>>) target(%dma_start3A_184 : memref<1000x16xf32, #tpu.memory_space<hbm>>) target_semaphore(%arg6 : memref<!tpu.dma_semaphore, #tpu.memory_space<semaphore_mem>>)
    %add3A_185 = arith.constant 29000 : i32
    %add3A_186 = arith.addi %mul3A_2, %add3A_185 : i32
    %dma_start3A_187 = arith.constant 0 : i32
    %dma_start3A_188 = tpu.memref_slice %arg3[%add3A_186, %dma_start3A_187] : memref<3200000x16xf32, #tpu.memory_space<hbm>> -> memref<1000x16xf32, #tpu.memory_space<hbm>>
    %dma_start3A_189 = arith.constant 0 : i32
    %dma_start3A_190 = tpu.memref_slice %arg3[%add3A_186, %dma_start3A_189] : memref<3200000x16xf32, #tpu.memory_space<hbm>> -> memref<1000x16xf32, #tpu.memory_space<hbm>>
    tpu.enqueue_dma source(%arg5 : memref<1000x16xf32, #tpu.memory_space<vmem>>) target(%dma_start3A_190 : memref<1000x16xf32, #tpu.memory_space<hbm>>) target_semaphore(%arg6 : memref<!tpu.dma_semaphore, #tpu.memory_space<semaphore_mem>>)
    %add3A_191 = arith.constant 30000 : i32
    %add3A_192 = arith.addi %mul3A_2, %add3A_191 : i32
    %dma_start3A_193 = arith.constant 0 : i32
    %dma_start3A_194 = tpu.memref_slice %arg3[%add3A_192, %dma_start3A_193] : memref<3200000x16xf32, #tpu.memory_space<hbm>> -> memref<1000x16xf32, #tpu.memory_space<hbm>>
    %dma_start3A_195 = arith.constant 0 : i32
    %dma_start3A_196 = tpu.memref_slice %arg3[%add3A_192, %dma_start3A_195] : memref<3200000x16xf32, #tpu.memory_space<hbm>> -> memref<1000x16xf32, #tpu.memory_space<hbm>>
    tpu.enqueue_dma source(%arg5 : memref<1000x16xf32, #tpu.memory_space<vmem>>) target(%dma_start3A_196 : memref<1000x16xf32, #tpu.memory_space<hbm>>) target_semaphore(%arg6 : memref<!tpu.dma_semaphore, #tpu.memory_space<semaphore_mem>>)
    %add3A_197 = arith.constant 31000 : i32
    %add3A_198 = arith.addi %mul3A_2, %add3A_197 : i32
    %dma_start3A_199 = arith.constant 0 : i32
    %dma_start3A_200 = tpu.memref_slice %arg3[%add3A_198, %dma_start3A_199] : memref<3200000x16xf32, #tpu.memory_space<hbm>> -> memref<1000x16xf32, #tpu.memory_space<hbm>>
    %dma_start3A_201 = arith.constant 0 : i32
    %dma_start3A_202 = tpu.memref_slice %arg3[%add3A_198, %dma_start3A_201] : memref<3200000x16xf32, #tpu.memory_space<hbm>> -> memref<1000x16xf32, #tpu.memory_space<hbm>>
    tpu.enqueue_dma source(%arg5 : memref<1000x16xf32, #tpu.memory_space<vmem>>) target(%dma_start3A_202 : memref<1000x16xf32, #tpu.memory_space<hbm>>) target_semaphore(%arg6 : memref<!tpu.dma_semaphore, #tpu.memory_space<semaphore_mem>>)
    %add3A_203 = arith.constant 32000 : i32
    %add3A_204 = arith.addi %mul3A_2, %add3A_203 : i32
    %dma_start3A_205 = arith.constant 0 : i32
    %dma_start3A_206 = tpu.memref_slice %arg3[%add3A_204, %dma_start3A_205] : memref<3200000x16xf32, #tpu.memory_space<hbm>> -> memref<1000x16xf32, #tpu.memory_space<hbm>>
    %dma_start3A_207 = arith.constant 0 : i32
    %dma_start3A_208 = tpu.memref_slice %arg3[%add3A_204, %dma_start3A_207] : memref<3200000x16xf32, #tpu.memory_space<hbm>> -> memref<1000x16xf32, #tpu.memory_space<hbm>>
    tpu.enqueue_dma source(%arg5 : memref<1000x16xf32, #tpu.memory_space<vmem>>) target(%dma_start3A_208 : memref<1000x16xf32, #tpu.memory_space<hbm>>) target_semaphore(%arg6 : memref<!tpu.dma_semaphore, #tpu.memory_space<semaphore_mem>>)
    %add3A_209 = arith.constant 33000 : i32
    %add3A_210 = arith.addi %mul3A_2, %add3A_209 : i32
    %dma_start3A_211 = arith.constant 0 : i32
    %dma_start3A_212 = tpu.memref_slice %arg3[%add3A_210, %dma_start3A_211] : memref<3200000x16xf32, #tpu.memory_space<hbm>> -> memref<1000x16xf32, #tpu.memory_space<hbm>>
    %dma_start3A_213 = arith.constant 0 : i32
    %dma_start3A_214 = tpu.memref_slice %arg3[%add3A_210, %dma_start3A_213] : memref<3200000x16xf32, #tpu.memory_space<hbm>> -> memref<1000x16xf32, #tpu.memory_space<hbm>>
    tpu.enqueue_dma source(%arg5 : memref<1000x16xf32, #tpu.memory_space<vmem>>) target(%dma_start3A_214 : memref<1000x16xf32, #tpu.memory_space<hbm>>) target_semaphore(%arg6 : memref<!tpu.dma_semaphore, #tpu.memory_space<semaphore_mem>>)
    %add3A_215 = arith.constant 34000 : i32
    %add3A_216 = arith.addi %mul3A_2, %add3A_215 : i32
    %dma_start3A_217 = arith.constant 0 : i32
    %dma_start3A_218 = tpu.memref_slice %arg3[%add3A_216, %dma_start3A_217] : memref<3200000x16xf32, #tpu.memory_space<hbm>> -> memref<1000x16xf32, #tpu.memory_space<hbm>>
    %dma_start3A_219 = arith.constant 0 : i32
    %dma_start3A_220 = tpu.memref_slice %arg3[%add3A_216, %dma_start3A_219] : memref<3200000x16xf32, #tpu.memory_space<hbm>> -> memref<1000x16xf32, #tpu.memory_space<hbm>>
    tpu.enqueue_dma source(%arg5 : memref<1000x16xf32, #tpu.memory_space<vmem>>) target(%dma_start3A_220 : memref<1000x16xf32, #tpu.memory_space<hbm>>) target_semaphore(%arg6 : memref<!tpu.dma_semaphore, #tpu.memory_space<semaphore_mem>>)
    %add3A_221 = arith.constant 35000 : i32
    %add3A_222 = arith.addi %mul3A_2, %add3A_221 : i32
    %dma_start3A_223 = arith.constant 0 : i32
    %dma_start3A_224 = tpu.memref_slice %arg3[%add3A_222, %dma_start3A_223] : memref<3200000x16xf32, #tpu.memory_space<hbm>> -> memref<1000x16xf32, #tpu.memory_space<hbm>>
    %dma_start3A_225 = arith.constant 0 : i32
    %dma_start3A_226 = tpu.memref_slice %arg3[%add3A_222, %dma_start3A_225] : memref<3200000x16xf32, #tpu.memory_space<hbm>> -> memref<1000x16xf32, #tpu.memory_space<hbm>>
    tpu.enqueue_dma source(%arg5 : memref<1000x16xf32, #tpu.memory_space<vmem>>) target(%dma_start3A_226 : memref<1000x16xf32, #tpu.memory_space<hbm>>) target_semaphore(%arg6 : memref<!tpu.dma_semaphore, #tpu.memory_space<semaphore_mem>>)
    %add3A_227 = arith.constant 36000 : i32
    %add3A_228 = arith.addi %mul3A_2, %add3A_227 : i32
    %dma_start3A_229 = arith.constant 0 : i32
    %dma_start3A_230 = tpu.memref_slice %arg3[%add3A_228, %dma_start3A_229] : memref<3200000x16xf32, #tpu.memory_space<hbm>> -> memref<1000x16xf32, #tpu.memory_space<hbm>>
    %dma_start3A_231 = arith.constant 0 : i32
    %dma_start3A_232 = tpu.memref_slice %arg3[%add3A_228, %dma_start3A_231] : memref<3200000x16xf32, #tpu.memory_space<hbm>> -> memref<1000x16xf32, #tpu.memory_space<hbm>>
    tpu.enqueue_dma source(%arg5 : memref<1000x16xf32, #tpu.memory_space<vmem>>) target(%dma_start3A_232 : memref<1000x16xf32, #tpu.memory_space<hbm>>) target_semaphore(%arg6 : memref<!tpu.dma_semaphore, #tpu.memory_space<semaphore_mem>>)
    %add3A_233 = arith.constant 37000 : i32
    %add3A_234 = arith.addi %mul3A_2, %add3A_233 : i32
    %dma_start3A_235 = arith.constant 0 : i32
    %dma_start3A_236 = tpu.memref_slice %arg3[%add3A_234, %dma_start3A_235] : memref<3200000x16xf32, #tpu.memory_space<hbm>> -> memref<1000x16xf32, #tpu.memory_space<hbm>>
    %dma_start3A_237 = arith.constant 0 : i32
    %dma_start3A_238 = tpu.memref_slice %arg3[%add3A_234, %dma_start3A_237] : memref<3200000x16xf32, #tpu.memory_space<hbm>> -> memref<1000x16xf32, #tpu.memory_space<hbm>>
    tpu.enqueue_dma source(%arg5 : memref<1000x16xf32, #tpu.memory_space<vmem>>) target(%dma_start3A_238 : memref<1000x16xf32, #tpu.memory_space<hbm>>) target_semaphore(%arg6 : memref<!tpu.dma_semaphore, #tpu.memory_space<semaphore_mem>>)
    %add3A_239 = arith.constant 38000 : i32
    %add3A_240 = arith.addi %mul3A_2, %add3A_239 : i32
    %dma_start3A_241 = arith.constant 0 : i32
    %dma_start3A_242 = tpu.memref_slice %arg3[%add3A_240, %dma_start3A_241] : memref<3200000x16xf32, #tpu.memory_space<hbm>> -> memref<1000x16xf32, #tpu.memory_space<hbm>>
    %dma_start3A_243 = arith.constant 0 : i32
    %dma_start3A_244 = tpu.memref_slice %arg3[%add3A_240, %dma_start3A_243] : memref<3200000x16xf32, #tpu.memory_space<hbm>> -> memref<1000x16xf32, #tpu.memory_space<hbm>>
    tpu.enqueue_dma source(%arg5 : memref<1000x16xf32, #tpu.memory_space<vmem>>) target(%dma_start3A_244 : memref<1000x16xf32, #tpu.memory_space<hbm>>) target_semaphore(%arg6 : memref<!tpu.dma_semaphore, #tpu.memory_space<semaphore_mem>>)
    %add3A_245 = arith.constant 39000 : i32
    %add3A_246 = arith.addi %mul3A_2, %add3A_245 : i32
    %dma_start3A_247 = arith.constant 0 : i32
    %dma_start3A_248 = tpu.memref_slice %arg3[%add3A_246, %dma_start3A_247] : memref<3200000x16xf32, #tpu.memory_space<hbm>> -> memref<1000x16xf32, #tpu.memory_space<hbm>>
    %dma_start3A_249 = arith.constant 0 : i32
    %dma_start3A_250 = tpu.memref_slice %arg3[%add3A_246, %dma_start3A_249] : memref<3200000x16xf32, #tpu.memory_space<hbm>> -> memref<1000x16xf32, #tpu.memory_space<hbm>>
    tpu.enqueue_dma source(%arg5 : memref<1000x16xf32, #tpu.memory_space<vmem>>) target(%dma_start3A_250 : memref<1000x16xf32, #tpu.memory_space<hbm>>) target_semaphore(%arg6 : memref<!tpu.dma_semaphore, #tpu.memory_space<semaphore_mem>>)
    %add3A_251 = arith.constant 40000 : i32
    %add3A_252 = arith.addi %mul3A_2, %add3A_251 : i32
    %dma_start3A_253 = arith.constant 0 : i32
    %dma_start3A_254 = tpu.memref_slice %arg3[%add3A_252, %dma_start3A_253] : memref<3200000x16xf32, #tpu.memory_space<hbm>> -> memref<1000x16xf32, #tpu.memory_space<hbm>>
    %dma_start3A_255 = arith.constant 0 : i32
    %dma_start3A_256 = tpu.memref_slice %arg3[%add3A_252, %dma_start3A_255] : memref<3200000x16xf32, #tpu.memory_space<hbm>> -> memref<1000x16xf32, #tpu.memory_space<hbm>>
    tpu.enqueue_dma source(%arg5 : memref<1000x16xf32, #tpu.memory_space<vmem>>) target(%dma_start3A_256 : memref<1000x16xf32, #tpu.memory_space<hbm>>) target_semaphore(%arg6 : memref<!tpu.dma_semaphore, #tpu.memory_space<semaphore_mem>>)
    %add3A_257 = arith.constant 41000 : i32
    %add3A_258 = arith.addi %mul3A_2, %add3A_257 : i32
    %dma_start3A_259 = arith.constant 0 : i32
    %dma_start3A_260 = tpu.memref_slice %arg3[%add3A_258, %dma_start3A_259] : memref<3200000x16xf32, #tpu.memory_space<hbm>> -> memref<1000x16xf32, #tpu.memory_space<hbm>>
    %dma_start3A_261 = arith.constant 0 : i32
    %dma_start3A_262 = tpu.memref_slice %arg3[%add3A_258, %dma_start3A_261] : memref<3200000x16xf32, #tpu.memory_space<hbm>> -> memref<1000x16xf32, #tpu.memory_space<hbm>>
    tpu.enqueue_dma source(%arg5 : memref<1000x16xf32, #tpu.memory_space<vmem>>) target(%dma_start3A_262 : memref<1000x16xf32, #tpu.memory_space<hbm>>) target_semaphore(%arg6 : memref<!tpu.dma_semaphore, #tpu.memory_space<semaphore_mem>>)
    %add3A_263 = arith.constant 42000 : i32
    %add3A_264 = arith.addi %mul3A_2, %add3A_263 : i32
    %dma_start3A_265 = arith.constant 0 : i32
    %dma_start3A_266 = tpu.memref_slice %arg3[%add3A_264, %dma_start3A_265] : memref<3200000x16xf32, #tpu.memory_space<hbm>> -> memref<1000x16xf32, #tpu.memory_space<hbm>>
    %dma_start3A_267 = arith.constant 0 : i32
    %dma_start3A_268 = tpu.memref_slice %arg3[%add3A_264, %dma_start3A_267] : memref<3200000x16xf32, #tpu.memory_space<hbm>> -> memref<1000x16xf32, #tpu.memory_space<hbm>>
    tpu.enqueue_dma source(%arg5 : memref<1000x16xf32, #tpu.memory_space<vmem>>) target(%dma_start3A_268 : memref<1000x16xf32, #tpu.memory_space<hbm>>) target_semaphore(%arg6 : memref<!tpu.dma_semaphore, #tpu.memory_space<semaphore_mem>>)
    %add3A_269 = arith.constant 43000 : i32
    %add3A_270 = arith.addi %mul3A_2, %add3A_269 : i32
    %dma_start3A_271 = arith.constant 0 : i32
    %dma_start3A_272 = tpu.memref_slice %arg3[%add3A_270, %dma_start3A_271] : memref<3200000x16xf32, #tpu.memory_space<hbm>> -> memref<1000x16xf32, #tpu.memory_space<hbm>>
    %dma_start3A_273 = arith.constant 0 : i32
    %dma_start3A_274 = tpu.memref_slice %arg3[%add3A_270, %dma_start3A_273] : memref<3200000x16xf32, #tpu.memory_space<hbm>> -> memref<1000x16xf32, #tpu.memory_space<hbm>>
    tpu.enqueue_dma source(%arg5 : memref<1000x16xf32, #tpu.memory_space<vmem>>) target(%dma_start3A_274 : memref<1000x16xf32, #tpu.memory_space<hbm>>) target_semaphore(%arg6 : memref<!tpu.dma_semaphore, #tpu.memory_space<semaphore_mem>>)
    %add3A_275 = arith.constant 44000 : i32
    %add3A_276 = arith.addi %mul3A_2, %add3A_275 : i32
    %dma_start3A_277 = arith.constant 0 : i32
    %dma_start3A_278 = tpu.memref_slice %arg3[%add3A_276, %dma_start3A_277] : memref<3200000x16xf32, #tpu.memory_space<hbm>> -> memref<1000x16xf32, #tpu.memory_space<hbm>>
    %dma_start3A_279 = arith.constant 0 : i32
    %dma_start3A_280 = tpu.memref_slice %arg3[%add3A_276, %dma_start3A_279] : memref<3200000x16xf32, #tpu.memory_space<hbm>> -> memref<1000x16xf32, #tpu.memory_space<hbm>>
    tpu.enqueue_dma source(%arg5 : memref<1000x16xf32, #tpu.memory_space<vmem>>) target(%dma_start3A_280 : memref<1000x16xf32, #tpu.memory_space<hbm>>) target_semaphore(%arg6 : memref<!tpu.dma_semaphore, #tpu.memory_space<semaphore_mem>>)
    %add3A_281 = arith.constant 45000 : i32
    %add3A_282 = arith.addi %mul3A_2, %add3A_281 : i32
    %dma_start3A_283 = arith.constant 0 : i32
    %dma_start3A_284 = tpu.memref_slice %arg3[%add3A_282, %dma_start3A_283] : memref<3200000x16xf32, #tpu.memory_space<hbm>> -> memref<1000x16xf32, #tpu.memory_space<hbm>>
    %dma_start3A_285 = arith.constant 0 : i32
    %dma_start3A_286 = tpu.memref_slice %arg3[%add3A_282, %dma_start3A_285] : memref<3200000x16xf32, #tpu.memory_space<hbm>> -> memref<1000x16xf32, #tpu.memory_space<hbm>>
    tpu.enqueue_dma source(%arg5 : memref<1000x16xf32, #tpu.memory_space<vmem>>) target(%dma_start3A_286 : memref<1000x16xf32, #tpu.memory_space<hbm>>) target_semaphore(%arg6 : memref<!tpu.dma_semaphore, #tpu.memory_space<semaphore_mem>>)
    %add3A_287 = arith.constant 46000 : i32
    %add3A_288 = arith.addi %mul3A_2, %add3A_287 : i32
    %dma_start3A_289 = arith.constant 0 : i32
    %dma_start3A_290 = tpu.memref_slice %arg3[%add3A_288, %dma_start3A_289] : memref<3200000x16xf32, #tpu.memory_space<hbm>> -> memref<1000x16xf32, #tpu.memory_space<hbm>>
    %dma_start3A_291 = arith.constant 0 : i32
    %dma_start3A_292 = tpu.memref_slice %arg3[%add3A_288, %dma_start3A_291] : memref<3200000x16xf32, #tpu.memory_space<hbm>> -> memref<1000x16xf32, #tpu.memory_space<hbm>>
    tpu.enqueue_dma source(%arg5 : memref<1000x16xf32, #tpu.memory_space<vmem>>) target(%dma_start3A_292 : memref<1000x16xf32, #tpu.memory_space<hbm>>) target_semaphore(%arg6 : memref<!tpu.dma_semaphore, #tpu.memory_space<semaphore_mem>>)
    %add3A_293 = arith.constant 47000 : i32
    %add3A_294 = arith.addi %mul3A_2, %add3A_293 : i32
    %dma_start3A_295 = arith.constant 0 : i32
    %dma_start3A_296 = tpu.memref_slice %arg3[%add3A_294, %dma_start3A_295] : memref<3200000x16xf32, #tpu.memory_space<hbm>> -> memref<1000x16xf32, #tpu.memory_space<hbm>>
    %dma_start3A_297 = arith.constant 0 : i32
    %dma_start3A_298 = tpu.memref_slice %arg3[%add3A_294, %dma_start3A_297] : memref<3200000x16xf32, #tpu.memory_space<hbm>> -> memref<1000x16xf32, #tpu.memory_space<hbm>>
    tpu.enqueue_dma source(%arg5 : memref<1000x16xf32, #tpu.memory_space<vmem>>) target(%dma_start3A_298 : memref<1000x16xf32, #tpu.memory_space<hbm>>) target_semaphore(%arg6 : memref<!tpu.dma_semaphore, #tpu.memory_space<semaphore_mem>>)
    %add3A_299 = arith.constant 48000 : i32
    %add3A_300 = arith.addi %mul3A_2, %add3A_299 : i32
    %dma_start3A_301 = arith.constant 0 : i32
    %dma_start3A_302 = tpu.memref_slice %arg3[%add3A_300, %dma_start3A_301] : memref<3200000x16xf32, #tpu.memory_space<hbm>> -> memref<1000x16xf32, #tpu.memory_space<hbm>>
    %dma_start3A_303 = arith.constant 0 : i32
    %dma_start3A_304 = tpu.memref_slice %arg3[%add3A_300, %dma_start3A_303] : memref<3200000x16xf32, #tpu.memory_space<hbm>> -> memref<1000x16xf32, #tpu.memory_space<hbm>>
    tpu.enqueue_dma source(%arg5 : memref<1000x16xf32, #tpu.memory_space<vmem>>) target(%dma_start3A_304 : memref<1000x16xf32, #tpu.memory_space<hbm>>) target_semaphore(%arg6 : memref<!tpu.dma_semaphore, #tpu.memory_space<semaphore_mem>>)
    %add3A_305 = arith.constant 49000 : i32
    %add3A_306 = arith.addi %mul3A_2, %add3A_305 : i32
    %dma_start3A_307 = arith.constant 0 : i32
    %dma_start3A_308 = tpu.memref_slice %arg3[%add3A_306, %dma_start3A_307] : memref<3200000x16xf32, #tpu.memory_space<hbm>> -> memref<1000x16xf32, #tpu.memory_space<hbm>>
    %dma_start3A_309 = arith.constant 0 : i32
    %dma_start3A_310 = tpu.memref_slice %arg3[%add3A_306, %dma_start3A_309] : memref<3200000x16xf32, #tpu.memory_space<hbm>> -> memref<1000x16xf32, #tpu.memory_space<hbm>>
    tpu.enqueue_dma source(%arg5 : memref<1000x16xf32, #tpu.memory_space<vmem>>) target(%dma_start3A_310 : memref<1000x16xf32, #tpu.memory_space<hbm>>) target_semaphore(%arg6 : memref<!tpu.dma_semaphore, #tpu.memory_space<semaphore_mem>>)
    %add3A_311 = arith.constant 50000 : i32
    %add3A_312 = arith.addi %mul3A_2, %add3A_311 : i32
    %dma_start3A_313 = arith.constant 0 : i32
    %dma_start3A_314 = tpu.memref_slice %arg3[%add3A_312, %dma_start3A_313] : memref<3200000x16xf32, #tpu.memory_space<hbm>> -> memref<1000x16xf32, #tpu.memory_space<hbm>>
    %dma_start3A_315 = arith.constant 0 : i32
    %dma_start3A_316 = tpu.memref_slice %arg3[%add3A_312, %dma_start3A_315] : memref<3200000x16xf32, #tpu.memory_space<hbm>> -> memref<1000x16xf32, #tpu.memory_space<hbm>>
    tpu.enqueue_dma source(%arg5 : memref<1000x16xf32, #tpu.memory_space<vmem>>) target(%dma_start3A_316 : memref<1000x16xf32, #tpu.memory_space<hbm>>) target_semaphore(%arg6 : memref<!tpu.dma_semaphore, #tpu.memory_space<semaphore_mem>>)
    %add3A_317 = arith.constant 51000 : i32
    %add3A_318 = arith.addi %mul3A_2, %add3A_317 : i32
    %dma_start3A_319 = arith.constant 0 : i32
    %dma_start3A_320 = tpu.memref_slice %arg3[%add3A_318, %dma_start3A_319] : memref<3200000x16xf32, #tpu.memory_space<hbm>> -> memref<1000x16xf32, #tpu.memory_space<hbm>>
    %dma_start3A_321 = arith.constant 0 : i32
    %dma_start3A_322 = tpu.memref_slice %arg3[%add3A_318, %dma_start3A_321] : memref<3200000x16xf32, #tpu.memory_space<hbm>> -> memref<1000x16xf32, #tpu.memory_space<hbm>>
    tpu.enqueue_dma source(%arg5 : memref<1000x16xf32, #tpu.memory_space<vmem>>) target(%dma_start3A_322 : memref<1000x16xf32, #tpu.memory_space<hbm>>) target_semaphore(%arg6 : memref<!tpu.dma_semaphore, #tpu.memory_space<semaphore_mem>>)
    %add3A_323 = arith.constant 52000 : i32
    %add3A_324 = arith.addi %mul3A_2, %add3A_323 : i32
    %dma_start3A_325 = arith.constant 0 : i32
    %dma_start3A_326 = tpu.memref_slice %arg3[%add3A_324, %dma_start3A_325] : memref<3200000x16xf32, #tpu.memory_space<hbm>> -> memref<1000x16xf32, #tpu.memory_space<hbm>>
    %dma_start3A_327 = arith.constant 0 : i32
    %dma_start3A_328 = tpu.memref_slice %arg3[%add3A_324, %dma_start3A_327] : memref<3200000x16xf32, #tpu.memory_space<hbm>> -> memref<1000x16xf32, #tpu.memory_space<hbm>>
    tpu.enqueue_dma source(%arg5 : memref<1000x16xf32, #tpu.memory_space<vmem>>) target(%dma_start3A_328 : memref<1000x16xf32, #tpu.memory_space<hbm>>) target_semaphore(%arg6 : memref<!tpu.dma_semaphore, #tpu.memory_space<semaphore_mem>>)
    %add3A_329 = arith.constant 53000 : i32
    %add3A_330 = arith.addi %mul3A_2, %add3A_329 : i32
    %dma_start3A_331 = arith.constant 0 : i32
    %dma_start3A_332 = tpu.memref_slice %arg3[%add3A_330, %dma_start3A_331] : memref<3200000x16xf32, #tpu.memory_space<hbm>> -> memref<1000x16xf32, #tpu.memory_space<hbm>>
    %dma_start3A_333 = arith.constant 0 : i32
    %dma_start3A_334 = tpu.memref_slice %arg3[%add3A_330, %dma_start3A_333] : memref<3200000x16xf32, #tpu.memory_space<hbm>> -> memref<1000x16xf32, #tpu.memory_space<hbm>>
    tpu.enqueue_dma source(%arg5 : memref<1000x16xf32, #tpu.memory_space<vmem>>) target(%dma_start3A_334 : memref<1000x16xf32, #tpu.memory_space<hbm>>) target_semaphore(%arg6 : memref<!tpu.dma_semaphore, #tpu.memory_space<semaphore_mem>>)
    %add3A_335 = arith.constant 54000 : i32
    %add3A_336 = arith.addi %mul3A_2, %add3A_335 : i32
    %dma_start3A_337 = arith.constant 0 : i32
    %dma_start3A_338 = tpu.memref_slice %arg3[%add3A_336, %dma_start3A_337] : memref<3200000x16xf32, #tpu.memory_space<hbm>> -> memref<1000x16xf32, #tpu.memory_space<hbm>>
    %dma_start3A_339 = arith.constant 0 : i32
    %dma_start3A_340 = tpu.memref_slice %arg3[%add3A_336, %dma_start3A_339] : memref<3200000x16xf32, #tpu.memory_space<hbm>> -> memref<1000x16xf32, #tpu.memory_space<hbm>>
    tpu.enqueue_dma source(%arg5 : memref<1000x16xf32, #tpu.memory_space<vmem>>) target(%dma_start3A_340 : memref<1000x16xf32, #tpu.memory_space<hbm>>) target_semaphore(%arg6 : memref<!tpu.dma_semaphore, #tpu.memory_space<semaphore_mem>>)
    %add3A_341 = arith.constant 55000 : i32
    %add3A_342 = arith.addi %mul3A_2, %add3A_341 : i32
    %dma_start3A_343 = arith.constant 0 : i32
    %dma_start3A_344 = tpu.memref_slice %arg3[%add3A_342, %dma_start3A_343] : memref<3200000x16xf32, #tpu.memory_space<hbm>> -> memref<1000x16xf32, #tpu.memory_space<hbm>>
    %dma_start3A_345 = arith.constant 0 : i32
    %dma_start3A_346 = tpu.memref_slice %arg3[%add3A_342, %dma_start3A_345] : memref<3200000x16xf32, #tpu.memory_space<hbm>> -> memref<1000x16xf32, #tpu.memory_space<hbm>>
    tpu.enqueue_dma source(%arg5 : memref<1000x16xf32, #tpu.memory_space<vmem>>) target(%dma_start3A_346 : memref<1000x16xf32, #tpu.memory_space<hbm>>) target_semaphore(%arg6 : memref<!tpu.dma_semaphore, #tpu.memory_space<semaphore_mem>>)
    %add3A_347 = arith.constant 56000 : i32
    %add3A_348 = arith.addi %mul3A_2, %add3A_347 : i32
    %dma_start3A_349 = arith.constant 0 : i32
    %dma_start3A_350 = tpu.memref_slice %arg3[%add3A_348, %dma_start3A_349] : memref<3200000x16xf32, #tpu.memory_space<hbm>> -> memref<1000x16xf32, #tpu.memory_space<hbm>>
    %dma_start3A_351 = arith.constant 0 : i32
    %dma_start3A_352 = tpu.memref_slice %arg3[%add3A_348, %dma_start3A_351] : memref<3200000x16xf32, #tpu.memory_space<hbm>> -> memref<1000x16xf32, #tpu.memory_space<hbm>>
    tpu.enqueue_dma source(%arg5 : memref<1000x16xf32, #tpu.memory_space<vmem>>) target(%dma_start3A_352 : memref<1000x16xf32, #tpu.memory_space<hbm>>) target_semaphore(%arg6 : memref<!tpu.dma_semaphore, #tpu.memory_space<semaphore_mem>>)
    %add3A_353 = arith.constant 57000 : i32
    %add3A_354 = arith.addi %mul3A_2, %add3A_353 : i32
    %dma_start3A_355 = arith.constant 0 : i32
    %dma_start3A_356 = tpu.memref_slice %arg3[%add3A_354, %dma_start3A_355] : memref<3200000x16xf32, #tpu.memory_space<hbm>> -> memref<1000x16xf32, #tpu.memory_space<hbm>>
    %dma_start3A_357 = arith.constant 0 : i32
    %dma_start3A_358 = tpu.memref_slice %arg3[%add3A_354, %dma_start3A_357] : memref<3200000x16xf32, #tpu.memory_space<hbm>> -> memref<1000x16xf32, #tpu.memory_space<hbm>>
    tpu.enqueue_dma source(%arg5 : memref<1000x16xf32, #tpu.memory_space<vmem>>) target(%dma_start3A_358 : memref<1000x16xf32, #tpu.memory_space<hbm>>) target_semaphore(%arg6 : memref<!tpu.dma_semaphore, #tpu.memory_space<semaphore_mem>>)
    %add3A_359 = arith.constant 58000 : i32
    %add3A_360 = arith.addi %mul3A_2, %add3A_359 : i32
    %dma_start3A_361 = arith.constant 0 : i32
    %dma_start3A_362 = tpu.memref_slice %arg3[%add3A_360, %dma_start3A_361] : memref<3200000x16xf32, #tpu.memory_space<hbm>> -> memref<1000x16xf32, #tpu.memory_space<hbm>>
    %dma_start3A_363 = arith.constant 0 : i32
    %dma_start3A_364 = tpu.memref_slice %arg3[%add3A_360, %dma_start3A_363] : memref<3200000x16xf32, #tpu.memory_space<hbm>> -> memref<1000x16xf32, #tpu.memory_space<hbm>>
    tpu.enqueue_dma source(%arg5 : memref<1000x16xf32, #tpu.memory_space<vmem>>) target(%dma_start3A_364 : memref<1000x16xf32, #tpu.memory_space<hbm>>) target_semaphore(%arg6 : memref<!tpu.dma_semaphore, #tpu.memory_space<semaphore_mem>>)
    %add3A_365 = arith.constant 59000 : i32
    %add3A_366 = arith.addi %mul3A_2, %add3A_365 : i32
    %dma_start3A_367 = arith.constant 0 : i32
    %dma_start3A_368 = tpu.memref_slice %arg3[%add3A_366, %dma_start3A_367] : memref<3200000x16xf32, #tpu.memory_space<hbm>> -> memref<1000x16xf32, #tpu.memory_space<hbm>>
    %dma_start3A_369 = arith.constant 0 : i32
    %dma_start3A_370 = tpu.memref_slice %arg3[%add3A_366, %dma_start3A_369] : memref<3200000x16xf32, #tpu.memory_space<hbm>> -> memref<1000x16xf32, #tpu.memory_space<hbm>>
    tpu.enqueue_dma source(%arg5 : memref<1000x16xf32, #tpu.memory_space<vmem>>) target(%dma_start3A_370 : memref<1000x16xf32, #tpu.memory_space<hbm>>) target_semaphore(%arg6 : memref<!tpu.dma_semaphore, #tpu.memory_space<semaphore_mem>>)
    %add3A_371 = arith.constant 60000 : i32
    %add3A_372 = arith.addi %mul3A_2, %add3A_371 : i32
    %dma_start3A_373 = arith.constant 0 : i32
    %dma_start3A_374 = tpu.memref_slice %arg3[%add3A_372, %dma_start3A_373] : memref<3200000x16xf32, #tpu.memory_space<hbm>> -> memref<1000x16xf32, #tpu.memory_space<hbm>>
    %dma_start3A_375 = arith.constant 0 : i32
    %dma_start3A_376 = tpu.memref_slice %arg3[%add3A_372, %dma_start3A_375] : memref<3200000x16xf32, #tpu.memory_space<hbm>> -> memref<1000x16xf32, #tpu.memory_space<hbm>>
    tpu.enqueue_dma source(%arg5 : memref<1000x16xf32, #tpu.memory_space<vmem>>) target(%dma_start3A_376 : memref<1000x16xf32, #tpu.memory_space<hbm>>) target_semaphore(%arg6 : memref<!tpu.dma_semaphore, #tpu.memory_space<semaphore_mem>>)
    %add3A_377 = arith.constant 61000 : i32
    %add3A_378 = arith.addi %mul3A_2, %add3A_377 : i32
    %dma_start3A_379 = arith.constant 0 : i32
    %dma_start3A_380 = tpu.memref_slice %arg3[%add3A_378, %dma_start3A_379] : memref<3200000x16xf32, #tpu.memory_space<hbm>> -> memref<1000x16xf32, #tpu.memory_space<hbm>>
    %dma_start3A_381 = arith.constant 0 : i32
    %dma_start3A_382 = tpu.memref_slice %arg3[%add3A_378, %dma_start3A_381] : memref<3200000x16xf32, #tpu.memory_space<hbm>> -> memref<1000x16xf32, #tpu.memory_space<hbm>>
    tpu.enqueue_dma source(%arg5 : memref<1000x16xf32, #tpu.memory_space<vmem>>) target(%dma_start3A_382 : memref<1000x16xf32, #tpu.memory_space<hbm>>) target_semaphore(%arg6 : memref<!tpu.dma_semaphore, #tpu.memory_space<semaphore_mem>>)
    %add3A_383 = arith.constant 62000 : i32
    %add3A_384 = arith.addi %mul3A_2, %add3A_383 : i32
    %dma_start3A_385 = arith.constant 0 : i32
    %dma_start3A_386 = tpu.memref_slice %arg3[%add3A_384, %dma_start3A_385] : memref<3200000x16xf32, #tpu.memory_space<hbm>> -> memref<1000x16xf32, #tpu.memory_space<hbm>>
    %dma_start3A_387 = arith.constant 0 : i32
    %dma_start3A_388 = tpu.memref_slice %arg3[%add3A_384, %dma_start3A_387] : memref<3200000x16xf32, #tpu.memory_space<hbm>> -> memref<1000x16xf32, #tpu.memory_space<hbm>>
    tpu.enqueue_dma source(%arg5 : memref<1000x16xf32, #tpu.memory_space<vmem>>) target(%dma_start3A_388 : memref<1000x16xf32, #tpu.memory_space<hbm>>) target_semaphore(%arg6 : memref<!tpu.dma_semaphore, #tpu.memory_space<semaphore_mem>>)
    %add3A_389 = arith.constant 63000 : i32
    %add3A_390 = arith.addi %mul3A_2, %add3A_389 : i32
    %dma_start3A_391 = arith.constant 0 : i32
    %dma_start3A_392 = tpu.memref_slice %arg3[%add3A_390, %dma_start3A_391] : memref<3200000x16xf32, #tpu.memory_space<hbm>> -> memref<1000x16xf32, #tpu.memory_space<hbm>>
    %dma_start3A_393 = arith.constant 0 : i32
    %dma_start3A_394 = tpu.memref_slice %arg3[%add3A_390, %dma_start3A_393] : memref<3200000x16xf32, #tpu.memory_space<hbm>> -> memref<1000x16xf32, #tpu.memory_space<hbm>>
    tpu.enqueue_dma source(%arg5 : memref<1000x16xf32, #tpu.memory_space<vmem>>) target(%dma_start3A_394 : memref<1000x16xf32, #tpu.memory_space<hbm>>) target_semaphore(%arg6 : memref<!tpu.dma_semaphore, #tpu.memory_space<semaphore_mem>>)
    %add3A_395 = arith.constant 64000 : i32
    %add3A_396 = arith.addi %mul3A_2, %add3A_395 : i32
    %dma_start3A_397 = arith.constant 0 : i32
    %dma_start3A_398 = tpu.memref_slice %arg3[%add3A_396, %dma_start3A_397] : memref<3200000x16xf32, #tpu.memory_space<hbm>> -> memref<1000x16xf32, #tpu.memory_space<hbm>>
    %dma_start3A_399 = arith.constant 0 : i32
    %dma_start3A_400 = tpu.memref_slice %arg3[%add3A_396, %dma_start3A_399] : memref<3200000x16xf32, #tpu.memory_space<hbm>> -> memref<1000x16xf32, #tpu.memory_space<hbm>>
    tpu.enqueue_dma source(%arg5 : memref<1000x16xf32, #tpu.memory_space<vmem>>) target(%dma_start3A_400 : memref<1000x16xf32, #tpu.memory_space<hbm>>) target_semaphore(%arg6 : memref<!tpu.dma_semaphore, #tpu.memory_space<semaphore_mem>>)
    %add3A_401 = arith.constant 65000 : i32
    %add3A_402 = arith.addi %mul3A_2, %add3A_401 : i32
    %dma_start3A_403 = arith.constant 0 : i32
    %dma_start3A_404 = tpu.memref_slice %arg3[%add3A_402, %dma_start3A_403] : memref<3200000x16xf32, #tpu.memory_space<hbm>> -> memref<1000x16xf32, #tpu.memory_space<hbm>>
    %dma_start3A_405 = arith.constant 0 : i32
    %dma_start3A_406 = tpu.memref_slice %arg3[%add3A_402, %dma_start3A_405] : memref<3200000x16xf32, #tpu.memory_space<hbm>> -> memref<1000x16xf32, #tpu.memory_space<hbm>>
    tpu.enqueue_dma source(%arg5 : memref<1000x16xf32, #tpu.memory_space<vmem>>) target(%dma_start3A_406 : memref<1000x16xf32, #tpu.memory_space<hbm>>) target_semaphore(%arg6 : memref<!tpu.dma_semaphore, #tpu.memory_space<semaphore_mem>>)
    %add3A_407 = arith.constant 66000 : i32
    %add3A_408 = arith.addi %mul3A_2, %add3A_407 : i32
    %dma_start3A_409 = arith.constant 0 : i32
    %dma_start3A_410 = tpu.memref_slice %arg3[%add3A_408, %dma_start3A_409] : memref<3200000x16xf32, #tpu.memory_space<hbm>> -> memref<1000x16xf32, #tpu.memory_space<hbm>>
    %dma_start3A_411 = arith.constant 0 : i32
    %dma_start3A_412 = tpu.memref_slice %arg3[%add3A_408, %dma_start3A_411] : memref<3200000x16xf32, #tpu.memory_space<hbm>> -> memref<1000x16xf32, #tpu.memory_space<hbm>>
    tpu.enqueue_dma source(%arg5 : memref<1000x16xf32, #tpu.memory_space<vmem>>) target(%dma_start3A_412 : memref<1000x16xf32, #tpu.memory_space<hbm>>) target_semaphore(%arg6 : memref<!tpu.dma_semaphore, #tpu.memory_space<semaphore_mem>>)
    %add3A_413 = arith.constant 67000 : i32
    %add3A_414 = arith.addi %mul3A_2, %add3A_413 : i32
    %dma_start3A_415 = arith.constant 0 : i32
    %dma_start3A_416 = tpu.memref_slice %arg3[%add3A_414, %dma_start3A_415] : memref<3200000x16xf32, #tpu.memory_space<hbm>> -> memref<1000x16xf32, #tpu.memory_space<hbm>>
    %dma_start3A_417 = arith.constant 0 : i32
    %dma_start3A_418 = tpu.memref_slice %arg3[%add3A_414, %dma_start3A_417] : memref<3200000x16xf32, #tpu.memory_space<hbm>> -> memref<1000x16xf32, #tpu.memory_space<hbm>>
    tpu.enqueue_dma source(%arg5 : memref<1000x16xf32, #tpu.memory_space<vmem>>) target(%dma_start3A_418 : memref<1000x16xf32, #tpu.memory_space<hbm>>) target_semaphore(%arg6 : memref<!tpu.dma_semaphore, #tpu.memory_space<semaphore_mem>>)
    %add3A_419 = arith.constant 68000 : i32
    %add3A_420 = arith.addi %mul3A_2, %add3A_419 : i32
    %dma_start3A_421 = arith.constant 0 : i32
    %dma_start3A_422 = tpu.memref_slice %arg3[%add3A_420, %dma_start3A_421] : memref<3200000x16xf32, #tpu.memory_space<hbm>> -> memref<1000x16xf32, #tpu.memory_space<hbm>>
    %dma_start3A_423 = arith.constant 0 : i32
    %dma_start3A_424 = tpu.memref_slice %arg3[%add3A_420, %dma_start3A_423] : memref<3200000x16xf32, #tpu.memory_space<hbm>> -> memref<1000x16xf32, #tpu.memory_space<hbm>>
    tpu.enqueue_dma source(%arg5 : memref<1000x16xf32, #tpu.memory_space<vmem>>) target(%dma_start3A_424 : memref<1000x16xf32, #tpu.memory_space<hbm>>) target_semaphore(%arg6 : memref<!tpu.dma_semaphore, #tpu.memory_space<semaphore_mem>>)
    %add3A_425 = arith.constant 69000 : i32
    %add3A_426 = arith.addi %mul3A_2, %add3A_425 : i32
    %dma_start3A_427 = arith.constant 0 : i32
    %dma_start3A_428 = tpu.memref_slice %arg3[%add3A_426, %dma_start3A_427] : memref<3200000x16xf32, #tpu.memory_space<hbm>> -> memref<1000x16xf32, #tpu.memory_space<hbm>>
    %dma_start3A_429 = arith.constant 0 : i32
    %dma_start3A_430 = tpu.memref_slice %arg3[%add3A_426, %dma_start3A_429] : memref<3200000x16xf32, #tpu.memory_space<hbm>> -> memref<1000x16xf32, #tpu.memory_space<hbm>>
    tpu.enqueue_dma source(%arg5 : memref<1000x16xf32, #tpu.memory_space<vmem>>) target(%dma_start3A_430 : memref<1000x16xf32, #tpu.memory_space<hbm>>) target_semaphore(%arg6 : memref<!tpu.dma_semaphore, #tpu.memory_space<semaphore_mem>>)
    %add3A_431 = arith.constant 70000 : i32
    %add3A_432 = arith.addi %mul3A_2, %add3A_431 : i32
    %dma_start3A_433 = arith.constant 0 : i32
    %dma_start3A_434 = tpu.memref_slice %arg3[%add3A_432, %dma_start3A_433] : memref<3200000x16xf32, #tpu.memory_space<hbm>> -> memref<1000x16xf32, #tpu.memory_space<hbm>>
    %dma_start3A_435 = arith.constant 0 : i32
    %dma_start3A_436 = tpu.memref_slice %arg3[%add3A_432, %dma_start3A_435] : memref<3200000x16xf32, #tpu.memory_space<hbm>> -> memref<1000x16xf32, #tpu.memory_space<hbm>>
    tpu.enqueue_dma source(%arg5 : memref<1000x16xf32, #tpu.memory_space<vmem>>) target(%dma_start3A_436 : memref<1000x16xf32, #tpu.memory_space<hbm>>) target_semaphore(%arg6 : memref<!tpu.dma_semaphore, #tpu.memory_space<semaphore_mem>>)
    %add3A_437 = arith.constant 71000 : i32
    %add3A_438 = arith.addi %mul3A_2, %add3A_437 : i32
    %dma_start3A_439 = arith.constant 0 : i32
    %dma_start3A_440 = tpu.memref_slice %arg3[%add3A_438, %dma_start3A_439] : memref<3200000x16xf32, #tpu.memory_space<hbm>> -> memref<1000x16xf32, #tpu.memory_space<hbm>>
    %dma_start3A_441 = arith.constant 0 : i32
    %dma_start3A_442 = tpu.memref_slice %arg3[%add3A_438, %dma_start3A_441] : memref<3200000x16xf32, #tpu.memory_space<hbm>> -> memref<1000x16xf32, #tpu.memory_space<hbm>>
    tpu.enqueue_dma source(%arg5 : memref<1000x16xf32, #tpu.memory_space<vmem>>) target(%dma_start3A_442 : memref<1000x16xf32, #tpu.memory_space<hbm>>) target_semaphore(%arg6 : memref<!tpu.dma_semaphore, #tpu.memory_space<semaphore_mem>>)
    %add3A_443 = arith.constant 72000 : i32
    %add3A_444 = arith.addi %mul3A_2, %add3A_443 : i32
    %dma_start3A_445 = arith.constant 0 : i32
    %dma_start3A_446 = tpu.memref_slice %arg3[%add3A_444, %dma_start3A_445] : memref<3200000x16xf32, #tpu.memory_space<hbm>> -> memref<1000x16xf32, #tpu.memory_space<hbm>>
    %dma_start3A_447 = arith.constant 0 : i32
    %dma_start3A_448 = tpu.memref_slice %arg3[%add3A_444, %dma_start3A_447] : memref<3200000x16xf32, #tpu.memory_space<hbm>> -> memref<1000x16xf32, #tpu.memory_space<hbm>>
    tpu.enqueue_dma source(%arg5 : memref<1000x16xf32, #tpu.memory_space<vmem>>) target(%dma_start3A_448 : memref<1000x16xf32, #tpu.memory_space<hbm>>) target_semaphore(%arg6 : memref<!tpu.dma_semaphore, #tpu.memory_space<semaphore_mem>>)
    %add3A_449 = arith.constant 73000 : i32
    %add3A_450 = arith.addi %mul3A_2, %add3A_449 : i32
    %dma_start3A_451 = arith.constant 0 : i32
    %dma_start3A_452 = tpu.memref_slice %arg3[%add3A_450, %dma_start3A_451] : memref<3200000x16xf32, #tpu.memory_space<hbm>> -> memref<1000x16xf32, #tpu.memory_space<hbm>>
    %dma_start3A_453 = arith.constant 0 : i32
    %dma_start3A_454 = tpu.memref_slice %arg3[%add3A_450, %dma_start3A_453] : memref<3200000x16xf32, #tpu.memory_space<hbm>> -> memref<1000x16xf32, #tpu.memory_space<hbm>>
    tpu.enqueue_dma source(%arg5 : memref<1000x16xf32, #tpu.memory_space<vmem>>) target(%dma_start3A_454 : memref<1000x16xf32, #tpu.memory_space<hbm>>) target_semaphore(%arg6 : memref<!tpu.dma_semaphore, #tpu.memory_space<semaphore_mem>>)
    %add3A_455 = arith.constant 74000 : i32
    %add3A_456 = arith.addi %mul3A_2, %add3A_455 : i32
    %dma_start3A_457 = arith.constant 0 : i32
    %dma_start3A_458 = tpu.memref_slice %arg3[%add3A_456, %dma_start3A_457] : memref<3200000x16xf32, #tpu.memory_space<hbm>> -> memref<1000x16xf32, #tpu.memory_space<hbm>>
    %dma_start3A_459 = arith.constant 0 : i32
    %dma_start3A_460 = tpu.memref_slice %arg3[%add3A_456, %dma_start3A_459] : memref<3200000x16xf32, #tpu.memory_space<hbm>> -> memref<1000x16xf32, #tpu.memory_space<hbm>>
    tpu.enqueue_dma source(%arg5 : memref<1000x16xf32, #tpu.memory_space<vmem>>) target(%dma_start3A_460 : memref<1000x16xf32, #tpu.memory_space<hbm>>) target_semaphore(%arg6 : memref<!tpu.dma_semaphore, #tpu.memory_space<semaphore_mem>>)
    %add3A_461 = arith.constant 75000 : i32
    %add3A_462 = arith.addi %mul3A_2, %add3A_461 : i32
    %dma_start3A_463 = arith.constant 0 : i32
    %dma_start3A_464 = tpu.memref_slice %arg3[%add3A_462, %dma_start3A_463] : memref<3200000x16xf32, #tpu.memory_space<hbm>> -> memref<1000x16xf32, #tpu.memory_space<hbm>>
    %dma_start3A_465 = arith.constant 0 : i32
    %dma_start3A_466 = tpu.memref_slice %arg3[%add3A_462, %dma_start3A_465] : memref<3200000x16xf32, #tpu.memory_space<hbm>> -> memref<1000x16xf32, #tpu.memory_space<hbm>>
    tpu.enqueue_dma source(%arg5 : memref<1000x16xf32, #tpu.memory_space<vmem>>) target(%dma_start3A_466 : memref<1000x16xf32, #tpu.memory_space<hbm>>) target_semaphore(%arg6 : memref<!tpu.dma_semaphore, #tpu.memory_space<semaphore_mem>>)
    %add3A_467 = arith.constant 76000 : i32
    %add3A_468 = arith.addi %mul3A_2, %add3A_467 : i32
    %dma_start3A_469 = arith.constant 0 : i32
    %dma_start3A_470 = tpu.memref_slice %arg3[%add3A_468, %dma_start3A_469] : memref<3200000x16xf32, #tpu.memory_space<hbm>> -> memref<1000x16xf32, #tpu.memory_space<hbm>>
    %dma_start3A_471 = arith.constant 0 : i32
    %dma_start3A_472 = tpu.memref_slice %arg3[%add3A_468, %dma_start3A_471] : memref<3200000x16xf32, #tpu.memory_space<hbm>> -> memref<1000x16xf32, #tpu.memory_space<hbm>>
    tpu.enqueue_dma source(%arg5 : memref<1000x16xf32, #tpu.memory_space<vmem>>) target(%dma_start3A_472 : memref<1000x16xf32, #tpu.memory_space<hbm>>) target_semaphore(%arg6 : memref<!tpu.dma_semaphore, #tpu.memory_space<semaphore_mem>>)
    %add3A_473 = arith.constant 77000 : i32
    %add3A_474 = arith.addi %mul3A_2, %add3A_473 : i32
    %dma_start3A_475 = arith.constant 0 : i32
    %dma_start3A_476 = tpu.memref_slice %arg3[%add3A_474, %dma_start3A_475] : memref<3200000x16xf32, #tpu.memory_space<hbm>> -> memref<1000x16xf32, #tpu.memory_space<hbm>>
    %dma_start3A_477 = arith.constant 0 : i32
    %dma_start3A_478 = tpu.memref_slice %arg3[%add3A_474, %dma_start3A_477] : memref<3200000x16xf32, #tpu.memory_space<hbm>> -> memref<1000x16xf32, #tpu.memory_space<hbm>>
    tpu.enqueue_dma source(%arg5 : memref<1000x16xf32, #tpu.memory_space<vmem>>) target(%dma_start3A_478 : memref<1000x16xf32, #tpu.memory_space<hbm>>) target_semaphore(%arg6 : memref<!tpu.dma_semaphore, #tpu.memory_space<semaphore_mem>>)
    %add3A_479 = arith.constant 78000 : i32
    %add3A_480 = arith.addi %mul3A_2, %add3A_479 : i32
    %dma_start3A_481 = arith.constant 0 : i32
    %dma_start3A_482 = tpu.memref_slice %arg3[%add3A_480, %dma_start3A_481] : memref<3200000x16xf32, #tpu.memory_space<hbm>> -> memref<1000x16xf32, #tpu.memory_space<hbm>>
    %dma_start3A_483 = arith.constant 0 : i32
    %dma_start3A_484 = tpu.memref_slice %arg3[%add3A_480, %dma_start3A_483] : memref<3200000x16xf32, #tpu.memory_space<hbm>> -> memref<1000x16xf32, #tpu.memory_space<hbm>>
    tpu.enqueue_dma source(%arg5 : memref<1000x16xf32, #tpu.memory_space<vmem>>) target(%dma_start3A_484 : memref<1000x16xf32, #tpu.memory_space<hbm>>) target_semaphore(%arg6 : memref<!tpu.dma_semaphore, #tpu.memory_space<semaphore_mem>>)
    %add3A_485 = arith.constant 79000 : i32
    %add3A_486 = arith.addi %mul3A_2, %add3A_485 : i32
    %dma_start3A_487 = arith.constant 0 : i32
    %dma_start3A_488 = tpu.memref_slice %arg3[%add3A_486, %dma_start3A_487] : memref<3200000x16xf32, #tpu.memory_space<hbm>> -> memref<1000x16xf32, #tpu.memory_space<hbm>>
    %dma_start3A_489 = arith.constant 0 : i32
    %dma_start3A_490 = tpu.memref_slice %arg3[%add3A_486, %dma_start3A_489] : memref<3200000x16xf32, #tpu.memory_space<hbm>> -> memref<1000x16xf32, #tpu.memory_space<hbm>>
    tpu.enqueue_dma source(%arg5 : memref<1000x16xf32, #tpu.memory_space<vmem>>) target(%dma_start3A_490 : memref<1000x16xf32, #tpu.memory_space<hbm>>) target_semaphore(%arg6 : memref<!tpu.dma_semaphore, #tpu.memory_space<semaphore_mem>>)
    %add3A_491 = arith.constant 80000 : i32
    %add3A_492 = arith.addi %mul3A_2, %add3A_491 : i32
    %dma_start3A_493 = arith.constant 0 : i32
    %dma_start3A_494 = tpu.memref_slice %arg3[%add3A_492, %dma_start3A_493] : memref<3200000x16xf32, #tpu.memory_space<hbm>> -> memref<1000x16xf32, #tpu.memory_space<hbm>>
    %dma_start3A_495 = arith.constant 0 : i32
    %dma_start3A_496 = tpu.memref_slice %arg3[%add3A_492, %dma_start3A_495] : memref<3200000x16xf32, #tpu.memory_space<hbm>> -> memref<1000x16xf32, #tpu.memory_space<hbm>>
    tpu.enqueue_dma source(%arg5 : memref<1000x16xf32, #tpu.memory_space<vmem>>) target(%dma_start3A_496 : memref<1000x16xf32, #tpu.memory_space<hbm>>) target_semaphore(%arg6 : memref<!tpu.dma_semaphore, #tpu.memory_space<semaphore_mem>>)
    %add3A_497 = arith.constant 81000 : i32
    %add3A_498 = arith.addi %mul3A_2, %add3A_497 : i32
    %dma_start3A_499 = arith.constant 0 : i32
    %dma_start3A_500 = tpu.memref_slice %arg3[%add3A_498, %dma_start3A_499] : memref<3200000x16xf32, #tpu.memory_space<hbm>> -> memref<1000x16xf32, #tpu.memory_space<hbm>>
    %dma_start3A_501 = arith.constant 0 : i32
    %dma_start3A_502 = tpu.memref_slice %arg3[%add3A_498, %dma_start3A_501] : memref<3200000x16xf32, #tpu.memory_space<hbm>> -> memref<1000x16xf32, #tpu.memory_space<hbm>>
    tpu.enqueue_dma source(%arg5 : memref<1000x16xf32, #tpu.memory_space<vmem>>) target(%dma_start3A_502 : memref<1000x16xf32, #tpu.memory_space<hbm>>) target_semaphore(%arg6 : memref<!tpu.dma_semaphore, #tpu.memory_space<semaphore_mem>>)
    %add3A_503 = arith.constant 82000 : i32
    %add3A_504 = arith.addi %mul3A_2, %add3A_503 : i32
    %dma_start3A_505 = arith.constant 0 : i32
    %dma_start3A_506 = tpu.memref_slice %arg3[%add3A_504, %dma_start3A_505] : memref<3200000x16xf32, #tpu.memory_space<hbm>> -> memref<1000x16xf32, #tpu.memory_space<hbm>>
    %dma_start3A_507 = arith.constant 0 : i32
    %dma_start3A_508 = tpu.memref_slice %arg3[%add3A_504, %dma_start3A_507] : memref<3200000x16xf32, #tpu.memory_space<hbm>> -> memref<1000x16xf32, #tpu.memory_space<hbm>>
    tpu.enqueue_dma source(%arg5 : memref<1000x16xf32, #tpu.memory_space<vmem>>) target(%dma_start3A_508 : memref<1000x16xf32, #tpu.memory_space<hbm>>) target_semaphore(%arg6 : memref<!tpu.dma_semaphore, #tpu.memory_space<semaphore_mem>>)
    %add3A_509 = arith.constant 83000 : i32
    %add3A_510 = arith.addi %mul3A_2, %add3A_509 : i32
    %dma_start3A_511 = arith.constant 0 : i32
    %dma_start3A_512 = tpu.memref_slice %arg3[%add3A_510, %dma_start3A_511] : memref<3200000x16xf32, #tpu.memory_space<hbm>> -> memref<1000x16xf32, #tpu.memory_space<hbm>>
    %dma_start3A_513 = arith.constant 0 : i32
    %dma_start3A_514 = tpu.memref_slice %arg3[%add3A_510, %dma_start3A_513] : memref<3200000x16xf32, #tpu.memory_space<hbm>> -> memref<1000x16xf32, #tpu.memory_space<hbm>>
    tpu.enqueue_dma source(%arg5 : memref<1000x16xf32, #tpu.memory_space<vmem>>) target(%dma_start3A_514 : memref<1000x16xf32, #tpu.memory_space<hbm>>) target_semaphore(%arg6 : memref<!tpu.dma_semaphore, #tpu.memory_space<semaphore_mem>>)
    %add3A_515 = arith.constant 84000 : i32
    %add3A_516 = arith.addi %mul3A_2, %add3A_515 : i32
    %dma_start3A_517 = arith.constant 0 : i32
    %dma_start3A_518 = tpu.memref_slice %arg3[%add3A_516, %dma_start3A_517] : memref<3200000x16xf32, #tpu.memory_space<hbm>> -> memref<1000x16xf32, #tpu.memory_space<hbm>>
    %dma_start3A_519 = arith.constant 0 : i32
    %dma_start3A_520 = tpu.memref_slice %arg3[%add3A_516, %dma_start3A_519] : memref<3200000x16xf32, #tpu.memory_space<hbm>> -> memref<1000x16xf32, #tpu.memory_space<hbm>>
    tpu.enqueue_dma source(%arg5 : memref<1000x16xf32, #tpu.memory_space<vmem>>) target(%dma_start3A_520 : memref<1000x16xf32, #tpu.memory_space<hbm>>) target_semaphore(%arg6 : memref<!tpu.dma_semaphore, #tpu.memory_space<semaphore_mem>>)
    %add3A_521 = arith.constant 85000 : i32
    %add3A_522 = arith.addi %mul3A_2, %add3A_521 : i32
    %dma_start3A_523 = arith.constant 0 : i32
    %dma_start3A_524 = tpu.memref_slice %arg3[%add3A_522, %dma_start3A_523] : memref<3200000x16xf32, #tpu.memory_space<hbm>> -> memref<1000x16xf32, #tpu.memory_space<hbm>>
    %dma_start3A_525 = arith.constant 0 : i32
    %dma_start3A_526 = tpu.memref_slice %arg3[%add3A_522, %dma_start3A_525] : memref<3200000x16xf32, #tpu.memory_space<hbm>> -> memref<1000x16xf32, #tpu.memory_space<hbm>>
    tpu.enqueue_dma source(%arg5 : memref<1000x16xf32, #tpu.memory_space<vmem>>) target(%dma_start3A_526 : memref<1000x16xf32, #tpu.memory_space<hbm>>) target_semaphore(%arg6 : memref<!tpu.dma_semaphore, #tpu.memory_space<semaphore_mem>>)
    %add3A_527 = arith.constant 86000 : i32
    %add3A_528 = arith.addi %mul3A_2, %add3A_527 : i32
    %dma_start3A_529 = arith.constant 0 : i32
    %dma_start3A_530 = tpu.memref_slice %arg3[%add3A_528, %dma_start3A_529] : memref<3200000x16xf32, #tpu.memory_space<hbm>> -> memref<1000x16xf32, #tpu.memory_space<hbm>>
    %dma_start3A_531 = arith.constant 0 : i32
    %dma_start3A_532 = tpu.memref_slice %arg3[%add3A_528, %dma_start3A_531] : memref<3200000x16xf32, #tpu.memory_space<hbm>> -> memref<1000x16xf32, #tpu.memory_space<hbm>>
    tpu.enqueue_dma source(%arg5 : memref<1000x16xf32, #tpu.memory_space<vmem>>) target(%dma_start3A_532 : memref<1000x16xf32, #tpu.memory_space<hbm>>) target_semaphore(%arg6 : memref<!tpu.dma_semaphore, #tpu.memory_space<semaphore_mem>>)
    %add3A_533 = arith.constant 87000 : i32
    %add3A_534 = arith.addi %mul3A_2, %add3A_533 : i32
    %dma_start3A_535 = arith.constant 0 : i32
    %dma_start3A_536 = tpu.memref_slice %arg3[%add3A_534, %dma_start3A_535] : memref<3200000x16xf32, #tpu.memory_space<hbm>> -> memref<1000x16xf32, #tpu.memory_space<hbm>>
    %dma_start3A_537 = arith.constant 0 : i32
    %dma_start3A_538 = tpu.memref_slice %arg3[%add3A_534, %dma_start3A_537] : memref<3200000x16xf32, #tpu.memory_space<hbm>> -> memref<1000x16xf32, #tpu.memory_space<hbm>>
    tpu.enqueue_dma source(%arg5 : memref<1000x16xf32, #tpu.memory_space<vmem>>) target(%dma_start3A_538 : memref<1000x16xf32, #tpu.memory_space<hbm>>) target_semaphore(%arg6 : memref<!tpu.dma_semaphore, #tpu.memory_space<semaphore_mem>>)
    %add3A_539 = arith.constant 88000 : i32
    %add3A_540 = arith.addi %mul3A_2, %add3A_539 : i32
    %dma_start3A_541 = arith.constant 0 : i32
    %dma_start3A_542 = tpu.memref_slice %arg3[%add3A_540, %dma_start3A_541] : memref<3200000x16xf32, #tpu.memory_space<hbm>> -> memref<1000x16xf32, #tpu.memory_space<hbm>>
    %dma_start3A_543 = arith.constant 0 : i32
    %dma_start3A_544 = tpu.memref_slice %arg3[%add3A_540, %dma_start3A_543] : memref<3200000x16xf32, #tpu.memory_space<hbm>> -> memref<1000x16xf32, #tpu.memory_space<hbm>>
    tpu.enqueue_dma source(%arg5 : memref<1000x16xf32, #tpu.memory_space<vmem>>) target(%dma_start3A_544 : memref<1000x16xf32, #tpu.memory_space<hbm>>) target_semaphore(%arg6 : memref<!tpu.dma_semaphore, #tpu.memory_space<semaphore_mem>>)
    %add3A_545 = arith.constant 89000 : i32
    %add3A_546 = arith.addi %mul3A_2, %add3A_545 : i32
    %dma_start3A_547 = arith.constant 0 : i32
    %dma_start3A_548 = tpu.memref_slice %arg3[%add3A_546, %dma_start3A_547] : memref<3200000x16xf32, #tpu.memory_space<hbm>> -> memref<1000x16xf32, #tpu.memory_space<hbm>>
    %dma_start3A_549 = arith.constant 0 : i32
    %dma_start3A_550 = tpu.memref_slice %arg3[%add3A_546, %dma_start3A_549] : memref<3200000x16xf32, #tpu.memory_space<hbm>> -> memref<1000x16xf32, #tpu.memory_space<hbm>>
    tpu.enqueue_dma source(%arg5 : memref<1000x16xf32, #tpu.memory_space<vmem>>) target(%dma_start3A_550 : memref<1000x16xf32, #tpu.memory_space<hbm>>) target_semaphore(%arg6 : memref<!tpu.dma_semaphore, #tpu.memory_space<semaphore_mem>>)
    %add3A_551 = arith.constant 90000 : i32
    %add3A_552 = arith.addi %mul3A_2, %add3A_551 : i32
    %dma_start3A_553 = arith.constant 0 : i32
    %dma_start3A_554 = tpu.memref_slice %arg3[%add3A_552, %dma_start3A_553] : memref<3200000x16xf32, #tpu.memory_space<hbm>> -> memref<1000x16xf32, #tpu.memory_space<hbm>>
    %dma_start3A_555 = arith.constant 0 : i32
    %dma_start3A_556 = tpu.memref_slice %arg3[%add3A_552, %dma_start3A_555] : memref<3200000x16xf32, #tpu.memory_space<hbm>> -> memref<1000x16xf32, #tpu.memory_space<hbm>>
    tpu.enqueue_dma source(%arg5 : memref<1000x16xf32, #tpu.memory_space<vmem>>) target(%dma_start3A_556 : memref<1000x16xf32, #tpu.memory_space<hbm>>) target_semaphore(%arg6 : memref<!tpu.dma_semaphore, #tpu.memory_space<semaphore_mem>>)
    %add3A_557 = arith.constant 91000 : i32
    %add3A_558 = arith.addi %mul3A_2, %add3A_557 : i32
    %dma_start3A_559 = arith.constant 0 : i32
    %dma_start3A_560 = tpu.memref_slice %arg3[%add3A_558, %dma_start3A_559] : memref<3200000x16xf32, #tpu.memory_space<hbm>> -> memref<1000x16xf32, #tpu.memory_space<hbm>>
    %dma_start3A_561 = arith.constant 0 : i32
    %dma_start3A_562 = tpu.memref_slice %arg3[%add3A_558, %dma_start3A_561] : memref<3200000x16xf32, #tpu.memory_space<hbm>> -> memref<1000x16xf32, #tpu.memory_space<hbm>>
    tpu.enqueue_dma source(%arg5 : memref<1000x16xf32, #tpu.memory_space<vmem>>) target(%dma_start3A_562 : memref<1000x16xf32, #tpu.memory_space<hbm>>) target_semaphore(%arg6 : memref<!tpu.dma_semaphore, #tpu.memory_space<semaphore_mem>>)
    %add3A_563 = arith.constant 92000 : i32
    %add3A_564 = arith.addi %mul3A_2, %add3A_563 : i32
    %dma_start3A_565 = arith.constant 0 : i32
    %dma_start3A_566 = tpu.memref_slice %arg3[%add3A_564, %dma_start3A_565] : memref<3200000x16xf32, #tpu.memory_space<hbm>> -> memref<1000x16xf32, #tpu.memory_space<hbm>>
    %dma_start3A_567 = arith.constant 0 : i32
    %dma_start3A_568 = tpu.memref_slice %arg3[%add3A_564, %dma_start3A_567] : memref<3200000x16xf32, #tpu.memory_space<hbm>> -> memref<1000x16xf32, #tpu.memory_space<hbm>>
    tpu.enqueue_dma source(%arg5 : memref<1000x16xf32, #tpu.memory_space<vmem>>) target(%dma_start3A_568 : memref<1000x16xf32, #tpu.memory_space<hbm>>) target_semaphore(%arg6 : memref<!tpu.dma_semaphore, #tpu.memory_space<semaphore_mem>>)
    %add3A_569 = arith.constant 93000 : i32
    %add3A_570 = arith.addi %mul3A_2, %add3A_569 : i32
    %dma_start3A_571 = arith.constant 0 : i32
    %dma_start3A_572 = tpu.memref_slice %arg3[%add3A_570, %dma_start3A_571] : memref<3200000x16xf32, #tpu.memory_space<hbm>> -> memref<1000x16xf32, #tpu.memory_space<hbm>>
    %dma_start3A_573 = arith.constant 0 : i32
    %dma_start3A_574 = tpu.memref_slice %arg3[%add3A_570, %dma_start3A_573] : memref<3200000x16xf32, #tpu.memory_space<hbm>> -> memref<1000x16xf32, #tpu.memory_space<hbm>>
    tpu.enqueue_dma source(%arg5 : memref<1000x16xf32, #tpu.memory_space<vmem>>) target(%dma_start3A_574 : memref<1000x16xf32, #tpu.memory_space<hbm>>) target_semaphore(%arg6 : memref<!tpu.dma_semaphore, #tpu.memory_space<semaphore_mem>>)
    %add3A_575 = arith.constant 94000 : i32
    %add3A_576 = arith.addi %mul3A_2, %add3A_575 : i32
    %dma_start3A_577 = arith.constant 0 : i32
    %dma_start3A_578 = tpu.memref_slice %arg3[%add3A_576, %dma_start3A_577] : memref<3200000x16xf32, #tpu.memory_space<hbm>> -> memref<1000x16xf32, #tpu.memory_space<hbm>>
    %dma_start3A_579 = arith.constant 0 : i32
    %dma_start3A_580 = tpu.memref_slice %arg3[%add3A_576, %dma_start3A_579] : memref<3200000x16xf32, #tpu.memory_space<hbm>> -> memref<1000x16xf32, #tpu.memory_space<hbm>>
    tpu.enqueue_dma source(%arg5 : memref<1000x16xf32, #tpu.memory_space<vmem>>) target(%dma_start3A_580 : memref<1000x16xf32, #tpu.memory_space<hbm>>) target_semaphore(%arg6 : memref<!tpu.dma_semaphore, #tpu.memory_space<semaphore_mem>>)
    %add3A_581 = arith.constant 95000 : i32
    %add3A_582 = arith.addi %mul3A_2, %add3A_581 : i32
    %dma_start3A_583 = arith.constant 0 : i32
    %dma_start3A_584 = tpu.memref_slice %arg3[%add3A_582, %dma_start3A_583] : memref<3200000x16xf32, #tpu.memory_space<hbm>> -> memref<1000x16xf32, #tpu.memory_space<hbm>>
    %dma_start3A_585 = arith.constant 0 : i32
    %dma_start3A_586 = tpu.memref_slice %arg3[%add3A_582, %dma_start3A_585] : memref<3200000x16xf32, #tpu.memory_space<hbm>> -> memref<1000x16xf32, #tpu.memory_space<hbm>>
    tpu.enqueue_dma source(%arg5 : memref<1000x16xf32, #tpu.memory_space<vmem>>) target(%dma_start3A_586 : memref<1000x16xf32, #tpu.memory_space<hbm>>) target_semaphore(%arg6 : memref<!tpu.dma_semaphore, #tpu.memory_space<semaphore_mem>>)
    %add3A_587 = arith.constant 96000 : i32
    %add3A_588 = arith.addi %mul3A_2, %add3A_587 : i32
    %dma_start3A_589 = arith.constant 0 : i32
    %dma_start3A_590 = tpu.memref_slice %arg3[%add3A_588, %dma_start3A_589] : memref<3200000x16xf32, #tpu.memory_space<hbm>> -> memref<1000x16xf32, #tpu.memory_space<hbm>>
    %dma_start3A_591 = arith.constant 0 : i32
    %dma_start3A_592 = tpu.memref_slice %arg3[%add3A_588, %dma_start3A_591] : memref<3200000x16xf32, #tpu.memory_space<hbm>> -> memref<1000x16xf32, #tpu.memory_space<hbm>>
    tpu.enqueue_dma source(%arg5 : memref<1000x16xf32, #tpu.memory_space<vmem>>) target(%dma_start3A_592 : memref<1000x16xf32, #tpu.memory_space<hbm>>) target_semaphore(%arg6 : memref<!tpu.dma_semaphore, #tpu.memory_space<semaphore_mem>>)
    %add3A_593 = arith.constant 97000 : i32
    %add3A_594 = arith.addi %mul3A_2, %add3A_593 : i32
    %dma_start3A_595 = arith.constant 0 : i32
    %dma_start3A_596 = tpu.memref_slice %arg3[%add3A_594, %dma_start3A_595] : memref<3200000x16xf32, #tpu.memory_space<hbm>> -> memref<1000x16xf32, #tpu.memory_space<hbm>>
    %dma_start3A_597 = arith.constant 0 : i32
    %dma_start3A_598 = tpu.memref_slice %arg3[%add3A_594, %dma_start3A_597] : memref<3200000x16xf32, #tpu.memory_space<hbm>> -> memref<1000x16xf32, #tpu.memory_space<hbm>>
    tpu.enqueue_dma source(%arg5 : memref<1000x16xf32, #tpu.memory_space<vmem>>) target(%dma_start3A_598 : memref<1000x16xf32, #tpu.memory_space<hbm>>) target_semaphore(%arg6 : memref<!tpu.dma_semaphore, #tpu.memory_space<semaphore_mem>>)
    %add3A_599 = arith.constant 98000 : i32
    %add3A_600 = arith.addi %mul3A_2, %add3A_599 : i32
    %dma_start3A_601 = arith.constant 0 : i32
    %dma_start3A_602 = tpu.memref_slice %arg3[%add3A_600, %dma_start3A_601] : memref<3200000x16xf32, #tpu.memory_space<hbm>> -> memref<1000x16xf32, #tpu.memory_space<hbm>>
    %dma_start3A_603 = arith.constant 0 : i32
    %dma_start3A_604 = tpu.memref_slice %arg3[%add3A_600, %dma_start3A_603] : memref<3200000x16xf32, #tpu.memory_space<hbm>> -> memref<1000x16xf32, #tpu.memory_space<hbm>>
    tpu.enqueue_dma source(%arg5 : memref<1000x16xf32, #tpu.memory_space<vmem>>) target(%dma_start3A_604 : memref<1000x16xf32, #tpu.memory_space<hbm>>) target_semaphore(%arg6 : memref<!tpu.dma_semaphore, #tpu.memory_space<semaphore_mem>>)
    %add3A_605 = arith.constant 99000 : i32
    %add3A_606 = arith.addi %mul3A_2, %add3A_605 : i32
    %dma_start3A_607 = arith.constant 0 : i32
    %dma_start3A_608 = tpu.memref_slice %arg3[%add3A_606, %dma_start3A_607] : memref<3200000x16xf32, #tpu.memory_space<hbm>> -> memref<1000x16xf32, #tpu.memory_space<hbm>>
    %dma_start3A_609 = arith.constant 0 : i32
    %dma_start3A_610 = tpu.memref_slice %arg3[%add3A_606, %dma_start3A_609] : memref<3200000x16xf32, #tpu.memory_space<hbm>> -> memref<1000x16xf32, #tpu.memory_space<hbm>>
    tpu.enqueue_dma source(%arg5 : memref<1000x16xf32, #tpu.memory_space<vmem>>) target(%dma_start3A_610 : memref<1000x16xf32, #tpu.memory_space<hbm>>) target_semaphore(%arg6 : memref<!tpu.dma_semaphore, #tpu.memory_space<semaphore_mem>>)
    %dma_wait3A = arith.constant 0 : i32
    %dma_wait3A_611 = tpu.memref_slice %arg3[%add3A_13, %dma_wait3A] : memref<3200000x16xf32, #tpu.memory_space<hbm>> -> memref<1000x16xf32, #tpu.memory_space<hbm>>
    %dma_wait3A_612 = arith.constant 0 : i32
    %dma_wait3A_613 = tpu.memref_slice %arg3[%add3A_13, %dma_wait3A_612] : memref<3200000x16xf32, #tpu.memory_space<hbm>> -> memref<1000x16xf32, #tpu.memory_space<hbm>>
    tpu.wait_dma2 semaphore(%arg6 : memref<!tpu.dma_semaphore, #tpu.memory_space<semaphore_mem>>) src(%arg5 : memref<1000x16xf32, #tpu.memory_space<vmem>>) dst(%dma_wait3A_613 : memref<1000x16xf32, #tpu.memory_space<hbm>>)
    %dma_wait3A_614 = arith.constant 0 : i32
    %dma_wait3A_615 = tpu.memref_slice %arg3[%add3A_18, %dma_wait3A_614] : memref<3200000x16xf32, #tpu.memory_space<hbm>> -> memref<1000x16xf32, #tpu.memory_space<hbm>>
    %dma_wait3A_616 = arith.constant 0 : i32
    %dma_wait3A_617 = tpu.memref_slice %arg3[%add3A_18, %dma_wait3A_616] : memref<3200000x16xf32, #tpu.memory_space<hbm>> -> memref<1000x16xf32, #tpu.memory_space<hbm>>
    tpu.wait_dma2 semaphore(%arg6 : memref<!tpu.dma_semaphore, #tpu.memory_space<semaphore_mem>>) src(%arg5 : memref<1000x16xf32, #tpu.memory_space<vmem>>) dst(%dma_wait3A_617 : memref<1000x16xf32, #tpu.memory_space<hbm>>)
    %dma_wait3A_618 = arith.constant 0 : i32
    %dma_wait3A_619 = tpu.memref_slice %arg3[%add3A_24, %dma_wait3A_618] : memref<3200000x16xf32, #tpu.memory_space<hbm>> -> memref<1000x16xf32, #tpu.memory_space<hbm>>
    %dma_wait3A_620 = arith.constant 0 : i32
    %dma_wait3A_621 = tpu.memref_slice %arg3[%add3A_24, %dma_wait3A_620] : memref<3200000x16xf32, #tpu.memory_space<hbm>> -> memref<1000x16xf32, #tpu.memory_space<hbm>>
    tpu.wait_dma2 semaphore(%arg6 : memref<!tpu.dma_semaphore, #tpu.memory_space<semaphore_mem>>) src(%arg5 : memref<1000x16xf32, #tpu.memory_space<vmem>>) dst(%dma_wait3A_621 : memref<1000x16xf32, #tpu.memory_space<hbm>>)
    %dma_wait3A_622 = arith.constant 0 : i32
    %dma_wait3A_623 = tpu.memref_slice %arg3[%add3A_30, %dma_wait3A_622] : memref<3200000x16xf32, #tpu.memory_space<hbm>> -> memref<1000x16xf32, #tpu.memory_space<hbm>>
    %dma_wait3A_624 = arith.constant 0 : i32
    %dma_wait3A_625 = tpu.memref_slice %arg3[%add3A_30, %dma_wait3A_624] : memref<3200000x16xf32, #tpu.memory_space<hbm>> -> memref<1000x16xf32, #tpu.memory_space<hbm>>
    tpu.wait_dma2 semaphore(%arg6 : memref<!tpu.dma_semaphore, #tpu.memory_space<semaphore_mem>>) src(%arg5 : memref<1000x16xf32, #tpu.memory_space<vmem>>) dst(%dma_wait3A_625 : memref<1000x16xf32, #tpu.memory_space<hbm>>)
    %dma_wait3A_626 = arith.constant 0 : i32
    %dma_wait3A_627 = tpu.memref_slice %arg3[%add3A_36, %dma_wait3A_626] : memref<3200000x16xf32, #tpu.memory_space<hbm>> -> memref<1000x16xf32, #tpu.memory_space<hbm>>
    %dma_wait3A_628 = arith.constant 0 : i32
    %dma_wait3A_629 = tpu.memref_slice %arg3[%add3A_36, %dma_wait3A_628] : memref<3200000x16xf32, #tpu.memory_space<hbm>> -> memref<1000x16xf32, #tpu.memory_space<hbm>>
    tpu.wait_dma2 semaphore(%arg6 : memref<!tpu.dma_semaphore, #tpu.memory_space<semaphore_mem>>) src(%arg5 : memref<1000x16xf32, #tpu.memory_space<vmem>>) dst(%dma_wait3A_629 : memref<1000x16xf32, #tpu.memory_space<hbm>>)
    %dma_wait3A_630 = arith.constant 0 : i32
    %dma_wait3A_631 = tpu.memref_slice %arg3[%add3A_42, %dma_wait3A_630] : memref<3200000x16xf32, #tpu.memory_space<hbm>> -> memref<1000x16xf32, #tpu.memory_space<hbm>>
    %dma_wait3A_632 = arith.constant 0 : i32
    %dma_wait3A_633 = tpu.memref_slice %arg3[%add3A_42, %dma_wait3A_632] : memref<3200000x16xf32, #tpu.memory_space<hbm>> -> memref<1000x16xf32, #tpu.memory_space<hbm>>
    tpu.wait_dma2 semaphore(%arg6 : memref<!tpu.dma_semaphore, #tpu.memory_space<semaphore_mem>>) src(%arg5 : memref<1000x16xf32, #tpu.memory_space<vmem>>) dst(%dma_wait3A_633 : memref<1000x16xf32, #tpu.memory_space<hbm>>)
    %dma_wait3A_634 = arith.constant 0 : i32
    %dma_wait3A_635 = tpu.memref_slice %arg3[%add3A_48, %dma_wait3A_634] : memref<3200000x16xf32, #tpu.memory_space<hbm>> -> memref<1000x16xf32, #tpu.memory_space<hbm>>
    %dma_wait3A_636 = arith.constant 0 : i32
    %dma_wait3A_637 = tpu.memref_slice %arg3[%add3A_48, %dma_wait3A_636] : memref<3200000x16xf32, #tpu.memory_space<hbm>> -> memref<1000x16xf32, #tpu.memory_space<hbm>>
    tpu.wait_dma2 semaphore(%arg6 : memref<!tpu.dma_semaphore, #tpu.memory_space<semaphore_mem>>) src(%arg5 : memref<1000x16xf32, #tpu.memory_space<vmem>>) dst(%dma_wait3A_637 : memref<1000x16xf32, #tpu.memory_space<hbm>>)
    %dma_wait3A_638 = arith.constant 0 : i32
    %dma_wait3A_639 = tpu.memref_slice %arg3[%add3A_54, %dma_wait3A_638] : memref<3200000x16xf32, #tpu.memory_space<hbm>> -> memref<1000x16xf32, #tpu.memory_space<hbm>>
    %dma_wait3A_640 = arith.constant 0 : i32
    %dma_wait3A_641 = tpu.memref_slice %arg3[%add3A_54, %dma_wait3A_640] : memref<3200000x16xf32, #tpu.memory_space<hbm>> -> memref<1000x16xf32, #tpu.memory_space<hbm>>
    tpu.wait_dma2 semaphore(%arg6 : memref<!tpu.dma_semaphore, #tpu.memory_space<semaphore_mem>>) src(%arg5 : memref<1000x16xf32, #tpu.memory_space<vmem>>) dst(%dma_wait3A_641 : memref<1000x16xf32, #tpu.memory_space<hbm>>)
    %dma_wait3A_642 = arith.constant 0 : i32
    %dma_wait3A_643 = tpu.memref_slice %arg3[%add3A_60, %dma_wait3A_642] : memref<3200000x16xf32, #tpu.memory_space<hbm>> -> memref<1000x16xf32, #tpu.memory_space<hbm>>
    %dma_wait3A_644 = arith.constant 0 : i32
    %dma_wait3A_645 = tpu.memref_slice %arg3[%add3A_60, %dma_wait3A_644] : memref<3200000x16xf32, #tpu.memory_space<hbm>> -> memref<1000x16xf32, #tpu.memory_space<hbm>>
    tpu.wait_dma2 semaphore(%arg6 : memref<!tpu.dma_semaphore, #tpu.memory_space<semaphore_mem>>) src(%arg5 : memref<1000x16xf32, #tpu.memory_space<vmem>>) dst(%dma_wait3A_645 : memref<1000x16xf32, #tpu.memory_space<hbm>>)
    %dma_wait3A_646 = arith.constant 0 : i32
    %dma_wait3A_647 = tpu.memref_slice %arg3[%add3A_66, %dma_wait3A_646] : memref<3200000x16xf32, #tpu.memory_space<hbm>> -> memref<1000x16xf32, #tpu.memory_space<hbm>>
    %dma_wait3A_648 = arith.constant 0 : i32
    %dma_wait3A_649 = tpu.memref_slice %arg3[%add3A_66, %dma_wait3A_648] : memref<3200000x16xf32, #tpu.memory_space<hbm>> -> memref<1000x16xf32, #tpu.memory_space<hbm>>
    tpu.wait_dma2 semaphore(%arg6 : memref<!tpu.dma_semaphore, #tpu.memory_space<semaphore_mem>>) src(%arg5 : memref<1000x16xf32, #tpu.memory_space<vmem>>) dst(%dma_wait3A_649 : memref<1000x16xf32, #tpu.memory_space<hbm>>)
    %dma_wait3A_650 = arith.constant 0 : i32
    %dma_wait3A_651 = tpu.memref_slice %arg3[%add3A_72, %dma_wait3A_650] : memref<3200000x16xf32, #tpu.memory_space<hbm>> -> memref<1000x16xf32, #tpu.memory_space<hbm>>
    %dma_wait3A_652 = arith.constant 0 : i32
    %dma_wait3A_653 = tpu.memref_slice %arg3[%add3A_72, %dma_wait3A_652] : memref<3200000x16xf32, #tpu.memory_space<hbm>> -> memref<1000x16xf32, #tpu.memory_space<hbm>>
    tpu.wait_dma2 semaphore(%arg6 : memref<!tpu.dma_semaphore, #tpu.memory_space<semaphore_mem>>) src(%arg5 : memref<1000x16xf32, #tpu.memory_space<vmem>>) dst(%dma_wait3A_653 : memref<1000x16xf32, #tpu.memory_space<hbm>>)
    %dma_wait3A_654 = arith.constant 0 : i32
    %dma_wait3A_655 = tpu.memref_slice %arg3[%add3A_78, %dma_wait3A_654] : memref<3200000x16xf32, #tpu.memory_space<hbm>> -> memref<1000x16xf32, #tpu.memory_space<hbm>>
    %dma_wait3A_656 = arith.constant 0 : i32
    %dma_wait3A_657 = tpu.memref_slice %arg3[%add3A_78, %dma_wait3A_656] : memref<3200000x16xf32, #tpu.memory_space<hbm>> -> memref<1000x16xf32, #tpu.memory_space<hbm>>
    tpu.wait_dma2 semaphore(%arg6 : memref<!tpu.dma_semaphore, #tpu.memory_space<semaphore_mem>>) src(%arg5 : memref<1000x16xf32, #tpu.memory_space<vmem>>) dst(%dma_wait3A_657 : memref<1000x16xf32, #tpu.memory_space<hbm>>)
    %dma_wait3A_658 = arith.constant 0 : i32
    %dma_wait3A_659 = tpu.memref_slice %arg3[%add3A_84, %dma_wait3A_658] : memref<3200000x16xf32, #tpu.memory_space<hbm>> -> memref<1000x16xf32, #tpu.memory_space<hbm>>
    %dma_wait3A_660 = arith.constant 0 : i32
    %dma_wait3A_661 = tpu.memref_slice %arg3[%add3A_84, %dma_wait3A_660] : memref<3200000x16xf32, #tpu.memory_space<hbm>> -> memref<1000x16xf32, #tpu.memory_space<hbm>>
    tpu.wait_dma2 semaphore(%arg6 : memref<!tpu.dma_semaphore, #tpu.memory_space<semaphore_mem>>) src(%arg5 : memref<1000x16xf32, #tpu.memory_space<vmem>>) dst(%dma_wait3A_661 : memref<1000x16xf32, #tpu.memory_space<hbm>>)
    %dma_wait3A_662 = arith.constant 0 : i32
    %dma_wait3A_663 = tpu.memref_slice %arg3[%add3A_90, %dma_wait3A_662] : memref<3200000x16xf32, #tpu.memory_space<hbm>> -> memref<1000x16xf32, #tpu.memory_space<hbm>>
    %dma_wait3A_664 = arith.constant 0 : i32
    %dma_wait3A_665 = tpu.memref_slice %arg3[%add3A_90, %dma_wait3A_664] : memref<3200000x16xf32, #tpu.memory_space<hbm>> -> memref<1000x16xf32, #tpu.memory_space<hbm>>
    tpu.wait_dma2 semaphore(%arg6 : memref<!tpu.dma_semaphore, #tpu.memory_space<semaphore_mem>>) src(%arg5 : memref<1000x16xf32, #tpu.memory_space<vmem>>) dst(%dma_wait3A_665 : memref<1000x16xf32, #tpu.memory_space<hbm>>)
    %dma_wait3A_666 = arith.constant 0 : i32
    %dma_wait3A_667 = tpu.memref_slice %arg3[%add3A_96, %dma_wait3A_666] : memref<3200000x16xf32, #tpu.memory_space<hbm>> -> memref<1000x16xf32, #tpu.memory_space<hbm>>
    %dma_wait3A_668 = arith.constant 0 : i32
    %dma_wait3A_669 = tpu.memref_slice %arg3[%add3A_96, %dma_wait3A_668] : memref<3200000x16xf32, #tpu.memory_space<hbm>> -> memref<1000x16xf32, #tpu.memory_space<hbm>>
    tpu.wait_dma2 semaphore(%arg6 : memref<!tpu.dma_semaphore, #tpu.memory_space<semaphore_mem>>) src(%arg5 : memref<1000x16xf32, #tpu.memory_space<vmem>>) dst(%dma_wait3A_669 : memref<1000x16xf32, #tpu.memory_space<hbm>>)
    %dma_wait3A_670 = arith.constant 0 : i32
    %dma_wait3A_671 = tpu.memref_slice %arg3[%add3A_102, %dma_wait3A_670] : memref<3200000x16xf32, #tpu.memory_space<hbm>> -> memref<1000x16xf32, #tpu.memory_space<hbm>>
    %dma_wait3A_672 = arith.constant 0 : i32
    %dma_wait3A_673 = tpu.memref_slice %arg3[%add3A_102, %dma_wait3A_672] : memref<3200000x16xf32, #tpu.memory_space<hbm>> -> memref<1000x16xf32, #tpu.memory_space<hbm>>
    tpu.wait_dma2 semaphore(%arg6 : memref<!tpu.dma_semaphore, #tpu.memory_space<semaphore_mem>>) src(%arg5 : memref<1000x16xf32, #tpu.memory_space<vmem>>) dst(%dma_wait3A_673 : memref<1000x16xf32, #tpu.memory_space<hbm>>)
    %dma_wait3A_674 = arith.constant 0 : i32
    %dma_wait3A_675 = tpu.memref_slice %arg3[%add3A_108, %dma_wait3A_674] : memref<3200000x16xf32, #tpu.memory_space<hbm>> -> memref<1000x16xf32, #tpu.memory_space<hbm>>
    %dma_wait3A_676 = arith.constant 0 : i32
    %dma_wait3A_677 = tpu.memref_slice %arg3[%add3A_108, %dma_wait3A_676] : memref<3200000x16xf32, #tpu.memory_space<hbm>> -> memref<1000x16xf32, #tpu.memory_space<hbm>>
    tpu.wait_dma2 semaphore(%arg6 : memref<!tpu.dma_semaphore, #tpu.memory_space<semaphore_mem>>) src(%arg5 : memref<1000x16xf32, #tpu.memory_space<vmem>>) dst(%dma_wait3A_677 : memref<1000x16xf32, #tpu.memory_space<hbm>>)
    %dma_wait3A_678 = arith.constant 0 : i32
    %dma_wait3A_679 = tpu.memref_slice %arg3[%add3A_114, %dma_wait3A_678] : memref<3200000x16xf32, #tpu.memory_space<hbm>> -> memref<1000x16xf32, #tpu.memory_space<hbm>>
    %dma_wait3A_680 = arith.constant 0 : i32
    %dma_wait3A_681 = tpu.memref_slice %arg3[%add3A_114, %dma_wait3A_680] : memref<3200000x16xf32, #tpu.memory_space<hbm>> -> memref<1000x16xf32, #tpu.memory_space<hbm>>
    tpu.wait_dma2 semaphore(%arg6 : memref<!tpu.dma_semaphore, #tpu.memory_space<semaphore_mem>>) src(%arg5 : memref<1000x16xf32, #tpu.memory_space<vmem>>) dst(%dma_wait3A_681 : memref<1000x16xf32, #tpu.memory_space<hbm>>)
    %dma_wait3A_682 = arith.constant 0 : i32
    %dma_wait3A_683 = tpu.memref_slice %arg3[%add3A_120, %dma_wait3A_682] : memref<3200000x16xf32, #tpu.memory_space<hbm>> -> memref<1000x16xf32, #tpu.memory_space<hbm>>
    %dma_wait3A_684 = arith.constant 0 : i32
    %dma_wait3A_685 = tpu.memref_slice %arg3[%add3A_120, %dma_wait3A_684] : memref<3200000x16xf32, #tpu.memory_space<hbm>> -> memref<1000x16xf32, #tpu.memory_space<hbm>>
    tpu.wait_dma2 semaphore(%arg6 : memref<!tpu.dma_semaphore, #tpu.memory_space<semaphore_mem>>) src(%arg5 : memref<1000x16xf32, #tpu.memory_space<vmem>>) dst(%dma_wait3A_685 : memref<1000x16xf32, #tpu.memory_space<hbm>>)
    %dma_wait3A_686 = arith.constant 0 : i32
    %dma_wait3A_687 = tpu.memref_slice %arg3[%add3A_126, %dma_wait3A_686] : memref<3200000x16xf32, #tpu.memory_space<hbm>> -> memref<1000x16xf32, #tpu.memory_space<hbm>>
    %dma_wait3A_688 = arith.constant 0 : i32
    %dma_wait3A_689 = tpu.memref_slice %arg3[%add3A_126, %dma_wait3A_688] : memref<3200000x16xf32, #tpu.memory_space<hbm>> -> memref<1000x16xf32, #tpu.memory_space<hbm>>
    tpu.wait_dma2 semaphore(%arg6 : memref<!tpu.dma_semaphore, #tpu.memory_space<semaphore_mem>>) src(%arg5 : memref<1000x16xf32, #tpu.memory_space<vmem>>) dst(%dma_wait3A_689 : memref<1000x16xf32, #tpu.memory_space<hbm>>)
    %dma_wait3A_690 = arith.constant 0 : i32
    %dma_wait3A_691 = tpu.memref_slice %arg3[%add3A_132, %dma_wait3A_690] : memref<3200000x16xf32, #tpu.memory_space<hbm>> -> memref<1000x16xf32, #tpu.memory_space<hbm>>
    %dma_wait3A_692 = arith.constant 0 : i32
    %dma_wait3A_693 = tpu.memref_slice %arg3[%add3A_132, %dma_wait3A_692] : memref<3200000x16xf32, #tpu.memory_space<hbm>> -> memref<1000x16xf32, #tpu.memory_space<hbm>>
    tpu.wait_dma2 semaphore(%arg6 : memref<!tpu.dma_semaphore, #tpu.memory_space<semaphore_mem>>) src(%arg5 : memref<1000x16xf32, #tpu.memory_space<vmem>>) dst(%dma_wait3A_693 : memref<1000x16xf32, #tpu.memory_space<hbm>>)
    %dma_wait3A_694 = arith.constant 0 : i32
    %dma_wait3A_695 = tpu.memref_slice %arg3[%add3A_138, %dma_wait3A_694] : memref<3200000x16xf32, #tpu.memory_space<hbm>> -> memref<1000x16xf32, #tpu.memory_space<hbm>>
    %dma_wait3A_696 = arith.constant 0 : i32
    %dma_wait3A_697 = tpu.memref_slice %arg3[%add3A_138, %dma_wait3A_696] : memref<3200000x16xf32, #tpu.memory_space<hbm>> -> memref<1000x16xf32, #tpu.memory_space<hbm>>
    tpu.wait_dma2 semaphore(%arg6 : memref<!tpu.dma_semaphore, #tpu.memory_space<semaphore_mem>>) src(%arg5 : memref<1000x16xf32, #tpu.memory_space<vmem>>) dst(%dma_wait3A_697 : memref<1000x16xf32, #tpu.memory_space<hbm>>)
    %dma_wait3A_698 = arith.constant 0 : i32
    %dma_wait3A_699 = tpu.memref_slice %arg3[%add3A_144, %dma_wait3A_698] : memref<3200000x16xf32, #tpu.memory_space<hbm>> -> memref<1000x16xf32, #tpu.memory_space<hbm>>
    %dma_wait3A_700 = arith.constant 0 : i32
    %dma_wait3A_701 = tpu.memref_slice %arg3[%add3A_144, %dma_wait3A_700] : memref<3200000x16xf32, #tpu.memory_space<hbm>> -> memref<1000x16xf32, #tpu.memory_space<hbm>>
    tpu.wait_dma2 semaphore(%arg6 : memref<!tpu.dma_semaphore, #tpu.memory_space<semaphore_mem>>) src(%arg5 : memref<1000x16xf32, #tpu.memory_space<vmem>>) dst(%dma_wait3A_701 : memref<1000x16xf32, #tpu.memory_space<hbm>>)
    %dma_wait3A_702 = arith.constant 0 : i32
    %dma_wait3A_703 = tpu.memref_slice %arg3[%add3A_150, %dma_wait3A_702] : memref<3200000x16xf32, #tpu.memory_space<hbm>> -> memref<1000x16xf32, #tpu.memory_space<hbm>>
    %dma_wait3A_704 = arith.constant 0 : i32
    %dma_wait3A_705 = tpu.memref_slice %arg3[%add3A_150, %dma_wait3A_704] : memref<3200000x16xf32, #tpu.memory_space<hbm>> -> memref<1000x16xf32, #tpu.memory_space<hbm>>
    tpu.wait_dma2 semaphore(%arg6 : memref<!tpu.dma_semaphore, #tpu.memory_space<semaphore_mem>>) src(%arg5 : memref<1000x16xf32, #tpu.memory_space<vmem>>) dst(%dma_wait3A_705 : memref<1000x16xf32, #tpu.memory_space<hbm>>)
    %dma_wait3A_706 = arith.constant 0 : i32
    %dma_wait3A_707 = tpu.memref_slice %arg3[%add3A_156, %dma_wait3A_706] : memref<3200000x16xf32, #tpu.memory_space<hbm>> -> memref<1000x16xf32, #tpu.memory_space<hbm>>
    %dma_wait3A_708 = arith.constant 0 : i32
    %dma_wait3A_709 = tpu.memref_slice %arg3[%add3A_156, %dma_wait3A_708] : memref<3200000x16xf32, #tpu.memory_space<hbm>> -> memref<1000x16xf32, #tpu.memory_space<hbm>>
    tpu.wait_dma2 semaphore(%arg6 : memref<!tpu.dma_semaphore, #tpu.memory_space<semaphore_mem>>) src(%arg5 : memref<1000x16xf32, #tpu.memory_space<vmem>>) dst(%dma_wait3A_709 : memref<1000x16xf32, #tpu.memory_space<hbm>>)
    %dma_wait3A_710 = arith.constant 0 : i32
    %dma_wait3A_711 = tpu.memref_slice %arg3[%add3A_162, %dma_wait3A_710] : memref<3200000x16xf32, #tpu.memory_space<hbm>> -> memref<1000x16xf32, #tpu.memory_space<hbm>>
    %dma_wait3A_712 = arith.constant 0 : i32
    %dma_wait3A_713 = tpu.memref_slice %arg3[%add3A_162, %dma_wait3A_712] : memref<3200000x16xf32, #tpu.memory_space<hbm>> -> memref<1000x16xf32, #tpu.memory_space<hbm>>
    tpu.wait_dma2 semaphore(%arg6 : memref<!tpu.dma_semaphore, #tpu.memory_space<semaphore_mem>>) src(%arg5 : memref<1000x16xf32, #tpu.memory_space<vmem>>) dst(%dma_wait3A_713 : memref<1000x16xf32, #tpu.memory_space<hbm>>)
    %dma_wait3A_714 = arith.constant 0 : i32
    %dma_wait3A_715 = tpu.memref_slice %arg3[%add3A_168, %dma_wait3A_714] : memref<3200000x16xf32, #tpu.memory_space<hbm>> -> memref<1000x16xf32, #tpu.memory_space<hbm>>
    %dma_wait3A_716 = arith.constant 0 : i32
    %dma_wait3A_717 = tpu.memref_slice %arg3[%add3A_168, %dma_wait3A_716] : memref<3200000x16xf32, #tpu.memory_space<hbm>> -> memref<1000x16xf32, #tpu.memory_space<hbm>>
    tpu.wait_dma2 semaphore(%arg6 : memref<!tpu.dma_semaphore, #tpu.memory_space<semaphore_mem>>) src(%arg5 : memref<1000x16xf32, #tpu.memory_space<vmem>>) dst(%dma_wait3A_717 : memref<1000x16xf32, #tpu.memory_space<hbm>>)
    %dma_wait3A_718 = arith.constant 0 : i32
    %dma_wait3A_719 = tpu.memref_slice %arg3[%add3A_174, %dma_wait3A_718] : memref<3200000x16xf32, #tpu.memory_space<hbm>> -> memref<1000x16xf32, #tpu.memory_space<hbm>>
    %dma_wait3A_720 = arith.constant 0 : i32
    %dma_wait3A_721 = tpu.memref_slice %arg3[%add3A_174, %dma_wait3A_720] : memref<3200000x16xf32, #tpu.memory_space<hbm>> -> memref<1000x16xf32, #tpu.memory_space<hbm>>
    tpu.wait_dma2 semaphore(%arg6 : memref<!tpu.dma_semaphore, #tpu.memory_space<semaphore_mem>>) src(%arg5 : memref<1000x16xf32, #tpu.memory_space<vmem>>) dst(%dma_wait3A_721 : memref<1000x16xf32, #tpu.memory_space<hbm>>)
    %dma_wait3A_722 = arith.constant 0 : i32
    %dma_wait3A_723 = tpu.memref_slice %arg3[%add3A_180, %dma_wait3A_722] : memref<3200000x16xf32, #tpu.memory_space<hbm>> -> memref<1000x16xf32, #tpu.memory_space<hbm>>
    %dma_wait3A_724 = arith.constant 0 : i32
    %dma_wait3A_725 = tpu.memref_slice %arg3[%add3A_180, %dma_wait3A_724] : memref<3200000x16xf32, #tpu.memory_space<hbm>> -> memref<1000x16xf32, #tpu.memory_space<hbm>>
    tpu.wait_dma2 semaphore(%arg6 : memref<!tpu.dma_semaphore, #tpu.memory_space<semaphore_mem>>) src(%arg5 : memref<1000x16xf32, #tpu.memory_space<vmem>>) dst(%dma_wait3A_725 : memref<1000x16xf32, #tpu.memory_space<hbm>>)
    %dma_wait3A_726 = arith.constant 0 : i32
    %dma_wait3A_727 = tpu.memref_slice %arg3[%add3A_186, %dma_wait3A_726] : memref<3200000x16xf32, #tpu.memory_space<hbm>> -> memref<1000x16xf32, #tpu.memory_space<hbm>>
    %dma_wait3A_728 = arith.constant 0 : i32
    %dma_wait3A_729 = tpu.memref_slice %arg3[%add3A_186, %dma_wait3A_728] : memref<3200000x16xf32, #tpu.memory_space<hbm>> -> memref<1000x16xf32, #tpu.memory_space<hbm>>
    tpu.wait_dma2 semaphore(%arg6 : memref<!tpu.dma_semaphore, #tpu.memory_space<semaphore_mem>>) src(%arg5 : memref<1000x16xf32, #tpu.memory_space<vmem>>) dst(%dma_wait3A_729 : memref<1000x16xf32, #tpu.memory_space<hbm>>)
    %dma_wait3A_730 = arith.constant 0 : i32
    %dma_wait3A_731 = tpu.memref_slice %arg3[%add3A_192, %dma_wait3A_730] : memref<3200000x16xf32, #tpu.memory_space<hbm>> -> memref<1000x16xf32, #tpu.memory_space<hbm>>
    %dma_wait3A_732 = arith.constant 0 : i32
    %dma_wait3A_733 = tpu.memref_slice %arg3[%add3A_192, %dma_wait3A_732] : memref<3200000x16xf32, #tpu.memory_space<hbm>> -> memref<1000x16xf32, #tpu.memory_space<hbm>>
    tpu.wait_dma2 semaphore(%arg6 : memref<!tpu.dma_semaphore, #tpu.memory_space<semaphore_mem>>) src(%arg5 : memref<1000x16xf32, #tpu.memory_space<vmem>>) dst(%dma_wait3A_733 : memref<1000x16xf32, #tpu.memory_space<hbm>>)
    %dma_wait3A_734 = arith.constant 0 : i32
    %dma_wait3A_735 = tpu.memref_slice %arg3[%add3A_198, %dma_wait3A_734] : memref<3200000x16xf32, #tpu.memory_space<hbm>> -> memref<1000x16xf32, #tpu.memory_space<hbm>>
    %dma_wait3A_736 = arith.constant 0 : i32
    %dma_wait3A_737 = tpu.memref_slice %arg3[%add3A_198, %dma_wait3A_736] : memref<3200000x16xf32, #tpu.memory_space<hbm>> -> memref<1000x16xf32, #tpu.memory_space<hbm>>
    tpu.wait_dma2 semaphore(%arg6 : memref<!tpu.dma_semaphore, #tpu.memory_space<semaphore_mem>>) src(%arg5 : memref<1000x16xf32, #tpu.memory_space<vmem>>) dst(%dma_wait3A_737 : memref<1000x16xf32, #tpu.memory_space<hbm>>)
    %dma_wait3A_738 = arith.constant 0 : i32
    %dma_wait3A_739 = tpu.memref_slice %arg3[%add3A_204, %dma_wait3A_738] : memref<3200000x16xf32, #tpu.memory_space<hbm>> -> memref<1000x16xf32, #tpu.memory_space<hbm>>
    %dma_wait3A_740 = arith.constant 0 : i32
    %dma_wait3A_741 = tpu.memref_slice %arg3[%add3A_204, %dma_wait3A_740] : memref<3200000x16xf32, #tpu.memory_space<hbm>> -> memref<1000x16xf32, #tpu.memory_space<hbm>>
    tpu.wait_dma2 semaphore(%arg6 : memref<!tpu.dma_semaphore, #tpu.memory_space<semaphore_mem>>) src(%arg5 : memref<1000x16xf32, #tpu.memory_space<vmem>>) dst(%dma_wait3A_741 : memref<1000x16xf32, #tpu.memory_space<hbm>>)
    %dma_wait3A_742 = arith.constant 0 : i32
    %dma_wait3A_743 = tpu.memref_slice %arg3[%add3A_210, %dma_wait3A_742] : memref<3200000x16xf32, #tpu.memory_space<hbm>> -> memref<1000x16xf32, #tpu.memory_space<hbm>>
    %dma_wait3A_744 = arith.constant 0 : i32
    %dma_wait3A_745 = tpu.memref_slice %arg3[%add3A_210, %dma_wait3A_744] : memref<3200000x16xf32, #tpu.memory_space<hbm>> -> memref<1000x16xf32, #tpu.memory_space<hbm>>
    tpu.wait_dma2 semaphore(%arg6 : memref<!tpu.dma_semaphore, #tpu.memory_space<semaphore_mem>>) src(%arg5 : memref<1000x16xf32, #tpu.memory_space<vmem>>) dst(%dma_wait3A_745 : memref<1000x16xf32, #tpu.memory_space<hbm>>)
    %dma_wait3A_746 = arith.constant 0 : i32
    %dma_wait3A_747 = tpu.memref_slice %arg3[%add3A_216, %dma_wait3A_746] : memref<3200000x16xf32, #tpu.memory_space<hbm>> -> memref<1000x16xf32, #tpu.memory_space<hbm>>
    %dma_wait3A_748 = arith.constant 0 : i32
    %dma_wait3A_749 = tpu.memref_slice %arg3[%add3A_216, %dma_wait3A_748] : memref<3200000x16xf32, #tpu.memory_space<hbm>> -> memref<1000x16xf32, #tpu.memory_space<hbm>>
    tpu.wait_dma2 semaphore(%arg6 : memref<!tpu.dma_semaphore, #tpu.memory_space<semaphore_mem>>) src(%arg5 : memref<1000x16xf32, #tpu.memory_space<vmem>>) dst(%dma_wait3A_749 : memref<1000x16xf32, #tpu.memory_space<hbm>>)
    %dma_wait3A_750 = arith.constant 0 : i32
    %dma_wait3A_751 = tpu.memref_slice %arg3[%add3A_222, %dma_wait3A_750] : memref<3200000x16xf32, #tpu.memory_space<hbm>> -> memref<1000x16xf32, #tpu.memory_space<hbm>>
    %dma_wait3A_752 = arith.constant 0 : i32
    %dma_wait3A_753 = tpu.memref_slice %arg3[%add3A_222, %dma_wait3A_752] : memref<3200000x16xf32, #tpu.memory_space<hbm>> -> memref<1000x16xf32, #tpu.memory_space<hbm>>
    tpu.wait_dma2 semaphore(%arg6 : memref<!tpu.dma_semaphore, #tpu.memory_space<semaphore_mem>>) src(%arg5 : memref<1000x16xf32, #tpu.memory_space<vmem>>) dst(%dma_wait3A_753 : memref<1000x16xf32, #tpu.memory_space<hbm>>)
    %dma_wait3A_754 = arith.constant 0 : i32
    %dma_wait3A_755 = tpu.memref_slice %arg3[%add3A_228, %dma_wait3A_754] : memref<3200000x16xf32, #tpu.memory_space<hbm>> -> memref<1000x16xf32, #tpu.memory_space<hbm>>
    %dma_wait3A_756 = arith.constant 0 : i32
    %dma_wait3A_757 = tpu.memref_slice %arg3[%add3A_228, %dma_wait3A_756] : memref<3200000x16xf32, #tpu.memory_space<hbm>> -> memref<1000x16xf32, #tpu.memory_space<hbm>>
    tpu.wait_dma2 semaphore(%arg6 : memref<!tpu.dma_semaphore, #tpu.memory_space<semaphore_mem>>) src(%arg5 : memref<1000x16xf32, #tpu.memory_space<vmem>>) dst(%dma_wait3A_757 : memref<1000x16xf32, #tpu.memory_space<hbm>>)
    %dma_wait3A_758 = arith.constant 0 : i32
    %dma_wait3A_759 = tpu.memref_slice %arg3[%add3A_234, %dma_wait3A_758] : memref<3200000x16xf32, #tpu.memory_space<hbm>> -> memref<1000x16xf32, #tpu.memory_space<hbm>>
    %dma_wait3A_760 = arith.constant 0 : i32
    %dma_wait3A_761 = tpu.memref_slice %arg3[%add3A_234, %dma_wait3A_760] : memref<3200000x16xf32, #tpu.memory_space<hbm>> -> memref<1000x16xf32, #tpu.memory_space<hbm>>
    tpu.wait_dma2 semaphore(%arg6 : memref<!tpu.dma_semaphore, #tpu.memory_space<semaphore_mem>>) src(%arg5 : memref<1000x16xf32, #tpu.memory_space<vmem>>) dst(%dma_wait3A_761 : memref<1000x16xf32, #tpu.memory_space<hbm>>)
    %dma_wait3A_762 = arith.constant 0 : i32
    %dma_wait3A_763 = tpu.memref_slice %arg3[%add3A_240, %dma_wait3A_762] : memref<3200000x16xf32, #tpu.memory_space<hbm>> -> memref<1000x16xf32, #tpu.memory_space<hbm>>
    %dma_wait3A_764 = arith.constant 0 : i32
    %dma_wait3A_765 = tpu.memref_slice %arg3[%add3A_240, %dma_wait3A_764] : memref<3200000x16xf32, #tpu.memory_space<hbm>> -> memref<1000x16xf32, #tpu.memory_space<hbm>>
    tpu.wait_dma2 semaphore(%arg6 : memref<!tpu.dma_semaphore, #tpu.memory_space<semaphore_mem>>) src(%arg5 : memref<1000x16xf32, #tpu.memory_space<vmem>>) dst(%dma_wait3A_765 : memref<1000x16xf32, #tpu.memory_space<hbm>>)
    %dma_wait3A_766 = arith.constant 0 : i32
    %dma_wait3A_767 = tpu.memref_slice %arg3[%add3A_246, %dma_wait3A_766] : memref<3200000x16xf32, #tpu.memory_space<hbm>> -> memref<1000x16xf32, #tpu.memory_space<hbm>>
    %dma_wait3A_768 = arith.constant 0 : i32
    %dma_wait3A_769 = tpu.memref_slice %arg3[%add3A_246, %dma_wait3A_768] : memref<3200000x16xf32, #tpu.memory_space<hbm>> -> memref<1000x16xf32, #tpu.memory_space<hbm>>
    tpu.wait_dma2 semaphore(%arg6 : memref<!tpu.dma_semaphore, #tpu.memory_space<semaphore_mem>>) src(%arg5 : memref<1000x16xf32, #tpu.memory_space<vmem>>) dst(%dma_wait3A_769 : memref<1000x16xf32, #tpu.memory_space<hbm>>)
    %dma_wait3A_770 = arith.constant 0 : i32
    %dma_wait3A_771 = tpu.memref_slice %arg3[%add3A_252, %dma_wait3A_770] : memref<3200000x16xf32, #tpu.memory_space<hbm>> -> memref<1000x16xf32, #tpu.memory_space<hbm>>
    %dma_wait3A_772 = arith.constant 0 : i32
    %dma_wait3A_773 = tpu.memref_slice %arg3[%add3A_252, %dma_wait3A_772] : memref<3200000x16xf32, #tpu.memory_space<hbm>> -> memref<1000x16xf32, #tpu.memory_space<hbm>>
    tpu.wait_dma2 semaphore(%arg6 : memref<!tpu.dma_semaphore, #tpu.memory_space<semaphore_mem>>) src(%arg5 : memref<1000x16xf32, #tpu.memory_space<vmem>>) dst(%dma_wait3A_773 : memref<1000x16xf32, #tpu.memory_space<hbm>>)
    %dma_wait3A_774 = arith.constant 0 : i32
    %dma_wait3A_775 = tpu.memref_slice %arg3[%add3A_258, %dma_wait3A_774] : memref<3200000x16xf32, #tpu.memory_space<hbm>> -> memref<1000x16xf32, #tpu.memory_space<hbm>>
    %dma_wait3A_776 = arith.constant 0 : i32
    %dma_wait3A_777 = tpu.memref_slice %arg3[%add3A_258, %dma_wait3A_776] : memref<3200000x16xf32, #tpu.memory_space<hbm>> -> memref<1000x16xf32, #tpu.memory_space<hbm>>
    tpu.wait_dma2 semaphore(%arg6 : memref<!tpu.dma_semaphore, #tpu.memory_space<semaphore_mem>>) src(%arg5 : memref<1000x16xf32, #tpu.memory_space<vmem>>) dst(%dma_wait3A_777 : memref<1000x16xf32, #tpu.memory_space<hbm>>)
    %dma_wait3A_778 = arith.constant 0 : i32
    %dma_wait3A_779 = tpu.memref_slice %arg3[%add3A_264, %dma_wait3A_778] : memref<3200000x16xf32, #tpu.memory_space<hbm>> -> memref<1000x16xf32, #tpu.memory_space<hbm>>
    %dma_wait3A_780 = arith.constant 0 : i32
    %dma_wait3A_781 = tpu.memref_slice %arg3[%add3A_264, %dma_wait3A_780] : memref<3200000x16xf32, #tpu.memory_space<hbm>> -> memref<1000x16xf32, #tpu.memory_space<hbm>>
    tpu.wait_dma2 semaphore(%arg6 : memref<!tpu.dma_semaphore, #tpu.memory_space<semaphore_mem>>) src(%arg5 : memref<1000x16xf32, #tpu.memory_space<vmem>>) dst(%dma_wait3A_781 : memref<1000x16xf32, #tpu.memory_space<hbm>>)
    %dma_wait3A_782 = arith.constant 0 : i32
    %dma_wait3A_783 = tpu.memref_slice %arg3[%add3A_270, %dma_wait3A_782] : memref<3200000x16xf32, #tpu.memory_space<hbm>> -> memref<1000x16xf32, #tpu.memory_space<hbm>>
    %dma_wait3A_784 = arith.constant 0 : i32
    %dma_wait3A_785 = tpu.memref_slice %arg3[%add3A_270, %dma_wait3A_784] : memref<3200000x16xf32, #tpu.memory_space<hbm>> -> memref<1000x16xf32, #tpu.memory_space<hbm>>
    tpu.wait_dma2 semaphore(%arg6 : memref<!tpu.dma_semaphore, #tpu.memory_space<semaphore_mem>>) src(%arg5 : memref<1000x16xf32, #tpu.memory_space<vmem>>) dst(%dma_wait3A_785 : memref<1000x16xf32, #tpu.memory_space<hbm>>)
    %dma_wait3A_786 = arith.constant 0 : i32
    %dma_wait3A_787 = tpu.memref_slice %arg3[%add3A_276, %dma_wait3A_786] : memref<3200000x16xf32, #tpu.memory_space<hbm>> -> memref<1000x16xf32, #tpu.memory_space<hbm>>
    %dma_wait3A_788 = arith.constant 0 : i32
    %dma_wait3A_789 = tpu.memref_slice %arg3[%add3A_276, %dma_wait3A_788] : memref<3200000x16xf32, #tpu.memory_space<hbm>> -> memref<1000x16xf32, #tpu.memory_space<hbm>>
    tpu.wait_dma2 semaphore(%arg6 : memref<!tpu.dma_semaphore, #tpu.memory_space<semaphore_mem>>) src(%arg5 : memref<1000x16xf32, #tpu.memory_space<vmem>>) dst(%dma_wait3A_789 : memref<1000x16xf32, #tpu.memory_space<hbm>>)
    %dma_wait3A_790 = arith.constant 0 : i32
    %dma_wait3A_791 = tpu.memref_slice %arg3[%add3A_282, %dma_wait3A_790] : memref<3200000x16xf32, #tpu.memory_space<hbm>> -> memref<1000x16xf32, #tpu.memory_space<hbm>>
    %dma_wait3A_792 = arith.constant 0 : i32
    %dma_wait3A_793 = tpu.memref_slice %arg3[%add3A_282, %dma_wait3A_792] : memref<3200000x16xf32, #tpu.memory_space<hbm>> -> memref<1000x16xf32, #tpu.memory_space<hbm>>
    tpu.wait_dma2 semaphore(%arg6 : memref<!tpu.dma_semaphore, #tpu.memory_space<semaphore_mem>>) src(%arg5 : memref<1000x16xf32, #tpu.memory_space<vmem>>) dst(%dma_wait3A_793 : memref<1000x16xf32, #tpu.memory_space<hbm>>)
    %dma_wait3A_794 = arith.constant 0 : i32
    %dma_wait3A_795 = tpu.memref_slice %arg3[%add3A_288, %dma_wait3A_794] : memref<3200000x16xf32, #tpu.memory_space<hbm>> -> memref<1000x16xf32, #tpu.memory_space<hbm>>
    %dma_wait3A_796 = arith.constant 0 : i32
    %dma_wait3A_797 = tpu.memref_slice %arg3[%add3A_288, %dma_wait3A_796] : memref<3200000x16xf32, #tpu.memory_space<hbm>> -> memref<1000x16xf32, #tpu.memory_space<hbm>>
    tpu.wait_dma2 semaphore(%arg6 : memref<!tpu.dma_semaphore, #tpu.memory_space<semaphore_mem>>) src(%arg5 : memref<1000x16xf32, #tpu.memory_space<vmem>>) dst(%dma_wait3A_797 : memref<1000x16xf32, #tpu.memory_space<hbm>>)
    %dma_wait3A_798 = arith.constant 0 : i32
    %dma_wait3A_799 = tpu.memref_slice %arg3[%add3A_294, %dma_wait3A_798] : memref<3200000x16xf32, #tpu.memory_space<hbm>> -> memref<1000x16xf32, #tpu.memory_space<hbm>>
    %dma_wait3A_800 = arith.constant 0 : i32
    %dma_wait3A_801 = tpu.memref_slice %arg3[%add3A_294, %dma_wait3A_800] : memref<3200000x16xf32, #tpu.memory_space<hbm>> -> memref<1000x16xf32, #tpu.memory_space<hbm>>
    tpu.wait_dma2 semaphore(%arg6 : memref<!tpu.dma_semaphore, #tpu.memory_space<semaphore_mem>>) src(%arg5 : memref<1000x16xf32, #tpu.memory_space<vmem>>) dst(%dma_wait3A_801 : memref<1000x16xf32, #tpu.memory_space<hbm>>)
    %dma_wait3A_802 = arith.constant 0 : i32
    %dma_wait3A_803 = tpu.memref_slice %arg3[%add3A_300, %dma_wait3A_802] : memref<3200000x16xf32, #tpu.memory_space<hbm>> -> memref<1000x16xf32, #tpu.memory_space<hbm>>
    %dma_wait3A_804 = arith.constant 0 : i32
    %dma_wait3A_805 = tpu.memref_slice %arg3[%add3A_300, %dma_wait3A_804] : memref<3200000x16xf32, #tpu.memory_space<hbm>> -> memref<1000x16xf32, #tpu.memory_space<hbm>>
    tpu.wait_dma2 semaphore(%arg6 : memref<!tpu.dma_semaphore, #tpu.memory_space<semaphore_mem>>) src(%arg5 : memref<1000x16xf32, #tpu.memory_space<vmem>>) dst(%dma_wait3A_805 : memref<1000x16xf32, #tpu.memory_space<hbm>>)
    %dma_wait3A_806 = arith.constant 0 : i32
    %dma_wait3A_807 = tpu.memref_slice %arg3[%add3A_306, %dma_wait3A_806] : memref<3200000x16xf32, #tpu.memory_space<hbm>> -> memref<1000x16xf32, #tpu.memory_space<hbm>>
    %dma_wait3A_808 = arith.constant 0 : i32
    %dma_wait3A_809 = tpu.memref_slice %arg3[%add3A_306, %dma_wait3A_808] : memref<3200000x16xf32, #tpu.memory_space<hbm>> -> memref<1000x16xf32, #tpu.memory_space<hbm>>
    tpu.wait_dma2 semaphore(%arg6 : memref<!tpu.dma_semaphore, #tpu.memory_space<semaphore_mem>>) src(%arg5 : memref<1000x16xf32, #tpu.memory_space<vmem>>) dst(%dma_wait3A_809 : memref<1000x16xf32, #tpu.memory_space<hbm>>)
    %dma_wait3A_810 = arith.constant 0 : i32
    %dma_wait3A_811 = tpu.memref_slice %arg3[%add3A_312, %dma_wait3A_810] : memref<3200000x16xf32, #tpu.memory_space<hbm>> -> memref<1000x16xf32, #tpu.memory_space<hbm>>
    %dma_wait3A_812 = arith.constant 0 : i32
    %dma_wait3A_813 = tpu.memref_slice %arg3[%add3A_312, %dma_wait3A_812] : memref<3200000x16xf32, #tpu.memory_space<hbm>> -> memref<1000x16xf32, #tpu.memory_space<hbm>>
    tpu.wait_dma2 semaphore(%arg6 : memref<!tpu.dma_semaphore, #tpu.memory_space<semaphore_mem>>) src(%arg5 : memref<1000x16xf32, #tpu.memory_space<vmem>>) dst(%dma_wait3A_813 : memref<1000x16xf32, #tpu.memory_space<hbm>>)
    %dma_wait3A_814 = arith.constant 0 : i32
    %dma_wait3A_815 = tpu.memref_slice %arg3[%add3A_318, %dma_wait3A_814] : memref<3200000x16xf32, #tpu.memory_space<hbm>> -> memref<1000x16xf32, #tpu.memory_space<hbm>>
    %dma_wait3A_816 = arith.constant 0 : i32
    %dma_wait3A_817 = tpu.memref_slice %arg3[%add3A_318, %dma_wait3A_816] : memref<3200000x16xf32, #tpu.memory_space<hbm>> -> memref<1000x16xf32, #tpu.memory_space<hbm>>
    tpu.wait_dma2 semaphore(%arg6 : memref<!tpu.dma_semaphore, #tpu.memory_space<semaphore_mem>>) src(%arg5 : memref<1000x16xf32, #tpu.memory_space<vmem>>) dst(%dma_wait3A_817 : memref<1000x16xf32, #tpu.memory_space<hbm>>)
    %dma_wait3A_818 = arith.constant 0 : i32
    %dma_wait3A_819 = tpu.memref_slice %arg3[%add3A_324, %dma_wait3A_818] : memref<3200000x16xf32, #tpu.memory_space<hbm>> -> memref<1000x16xf32, #tpu.memory_space<hbm>>
    %dma_wait3A_820 = arith.constant 0 : i32
    %dma_wait3A_821 = tpu.memref_slice %arg3[%add3A_324, %dma_wait3A_820] : memref<3200000x16xf32, #tpu.memory_space<hbm>> -> memref<1000x16xf32, #tpu.memory_space<hbm>>
    tpu.wait_dma2 semaphore(%arg6 : memref<!tpu.dma_semaphore, #tpu.memory_space<semaphore_mem>>) src(%arg5 : memref<1000x16xf32, #tpu.memory_space<vmem>>) dst(%dma_wait3A_821 : memref<1000x16xf32, #tpu.memory_space<hbm>>)
    %dma_wait3A_822 = arith.constant 0 : i32
    %dma_wait3A_823 = tpu.memref_slice %arg3[%add3A_330, %dma_wait3A_822] : memref<3200000x16xf32, #tpu.memory_space<hbm>> -> memref<1000x16xf32, #tpu.memory_space<hbm>>
    %dma_wait3A_824 = arith.constant 0 : i32
    %dma_wait3A_825 = tpu.memref_slice %arg3[%add3A_330, %dma_wait3A_824] : memref<3200000x16xf32, #tpu.memory_space<hbm>> -> memref<1000x16xf32, #tpu.memory_space<hbm>>
    tpu.wait_dma2 semaphore(%arg6 : memref<!tpu.dma_semaphore, #tpu.memory_space<semaphore_mem>>) src(%arg5 : memref<1000x16xf32, #tpu.memory_space<vmem>>) dst(%dma_wait3A_825 : memref<1000x16xf32, #tpu.memory_space<hbm>>)
    %dma_wait3A_826 = arith.constant 0 : i32
    %dma_wait3A_827 = tpu.memref_slice %arg3[%add3A_336, %dma_wait3A_826] : memref<3200000x16xf32, #tpu.memory_space<hbm>> -> memref<1000x16xf32, #tpu.memory_space<hbm>>
    %dma_wait3A_828 = arith.constant 0 : i32
    %dma_wait3A_829 = tpu.memref_slice %arg3[%add3A_336, %dma_wait3A_828] : memref<3200000x16xf32, #tpu.memory_space<hbm>> -> memref<1000x16xf32, #tpu.memory_space<hbm>>
    tpu.wait_dma2 semaphore(%arg6 : memref<!tpu.dma_semaphore, #tpu.memory_space<semaphore_mem>>) src(%arg5 : memref<1000x16xf32, #tpu.memory_space<vmem>>) dst(%dma_wait3A_829 : memref<1000x16xf32, #tpu.memory_space<hbm>>)
    %dma_wait3A_830 = arith.constant 0 : i32
    %dma_wait3A_831 = tpu.memref_slice %arg3[%add3A_342, %dma_wait3A_830] : memref<3200000x16xf32, #tpu.memory_space<hbm>> -> memref<1000x16xf32, #tpu.memory_space<hbm>>
    %dma_wait3A_832 = arith.constant 0 : i32
    %dma_wait3A_833 = tpu.memref_slice %arg3[%add3A_342, %dma_wait3A_832] : memref<3200000x16xf32, #tpu.memory_space<hbm>> -> memref<1000x16xf32, #tpu.memory_space<hbm>>
    tpu.wait_dma2 semaphore(%arg6 : memref<!tpu.dma_semaphore, #tpu.memory_space<semaphore_mem>>) src(%arg5 : memref<1000x16xf32, #tpu.memory_space<vmem>>) dst(%dma_wait3A_833 : memref<1000x16xf32, #tpu.memory_space<hbm>>)
    %dma_wait3A_834 = arith.constant 0 : i32
    %dma_wait3A_835 = tpu.memref_slice %arg3[%add3A_348, %dma_wait3A_834] : memref<3200000x16xf32, #tpu.memory_space<hbm>> -> memref<1000x16xf32, #tpu.memory_space<hbm>>
    %dma_wait3A_836 = arith.constant 0 : i32
    %dma_wait3A_837 = tpu.memref_slice %arg3[%add3A_348, %dma_wait3A_836] : memref<3200000x16xf32, #tpu.memory_space<hbm>> -> memref<1000x16xf32, #tpu.memory_space<hbm>>
    tpu.wait_dma2 semaphore(%arg6 : memref<!tpu.dma_semaphore, #tpu.memory_space<semaphore_mem>>) src(%arg5 : memref<1000x16xf32, #tpu.memory_space<vmem>>) dst(%dma_wait3A_837 : memref<1000x16xf32, #tpu.memory_space<hbm>>)
    %dma_wait3A_838 = arith.constant 0 : i32
    %dma_wait3A_839 = tpu.memref_slice %arg3[%add3A_354, %dma_wait3A_838] : memref<3200000x16xf32, #tpu.memory_space<hbm>> -> memref<1000x16xf32, #tpu.memory_space<hbm>>
    %dma_wait3A_840 = arith.constant 0 : i32
    %dma_wait3A_841 = tpu.memref_slice %arg3[%add3A_354, %dma_wait3A_840] : memref<3200000x16xf32, #tpu.memory_space<hbm>> -> memref<1000x16xf32, #tpu.memory_space<hbm>>
    tpu.wait_dma2 semaphore(%arg6 : memref<!tpu.dma_semaphore, #tpu.memory_space<semaphore_mem>>) src(%arg5 : memref<1000x16xf32, #tpu.memory_space<vmem>>) dst(%dma_wait3A_841 : memref<1000x16xf32, #tpu.memory_space<hbm>>)
    %dma_wait3A_842 = arith.constant 0 : i32
    %dma_wait3A_843 = tpu.memref_slice %arg3[%add3A_360, %dma_wait3A_842] : memref<3200000x16xf32, #tpu.memory_space<hbm>> -> memref<1000x16xf32, #tpu.memory_space<hbm>>
    %dma_wait3A_844 = arith.constant 0 : i32
    %dma_wait3A_845 = tpu.memref_slice %arg3[%add3A_360, %dma_wait3A_844] : memref<3200000x16xf32, #tpu.memory_space<hbm>> -> memref<1000x16xf32, #tpu.memory_space<hbm>>
    tpu.wait_dma2 semaphore(%arg6 : memref<!tpu.dma_semaphore, #tpu.memory_space<semaphore_mem>>) src(%arg5 : memref<1000x16xf32, #tpu.memory_space<vmem>>) dst(%dma_wait3A_845 : memref<1000x16xf32, #tpu.memory_space<hbm>>)
    %dma_wait3A_846 = arith.constant 0 : i32
    %dma_wait3A_847 = tpu.memref_slice %arg3[%add3A_366, %dma_wait3A_846] : memref<3200000x16xf32, #tpu.memory_space<hbm>> -> memref<1000x16xf32, #tpu.memory_space<hbm>>
    %dma_wait3A_848 = arith.constant 0 : i32
    %dma_wait3A_849 = tpu.memref_slice %arg3[%add3A_366, %dma_wait3A_848] : memref<3200000x16xf32, #tpu.memory_space<hbm>> -> memref<1000x16xf32, #tpu.memory_space<hbm>>
    tpu.wait_dma2 semaphore(%arg6 : memref<!tpu.dma_semaphore, #tpu.memory_space<semaphore_mem>>) src(%arg5 : memref<1000x16xf32, #tpu.memory_space<vmem>>) dst(%dma_wait3A_849 : memref<1000x16xf32, #tpu.memory_space<hbm>>)
    %dma_wait3A_850 = arith.constant 0 : i32
    %dma_wait3A_851 = tpu.memref_slice %arg3[%add3A_372, %dma_wait3A_850] : memref<3200000x16xf32, #tpu.memory_space<hbm>> -> memref<1000x16xf32, #tpu.memory_space<hbm>>
    %dma_wait3A_852 = arith.constant 0 : i32
    %dma_wait3A_853 = tpu.memref_slice %arg3[%add3A_372, %dma_wait3A_852] : memref<3200000x16xf32, #tpu.memory_space<hbm>> -> memref<1000x16xf32, #tpu.memory_space<hbm>>
    tpu.wait_dma2 semaphore(%arg6 : memref<!tpu.dma_semaphore, #tpu.memory_space<semaphore_mem>>) src(%arg5 : memref<1000x16xf32, #tpu.memory_space<vmem>>) dst(%dma_wait3A_853 : memref<1000x16xf32, #tpu.memory_space<hbm>>)
    %dma_wait3A_854 = arith.constant 0 : i32
    %dma_wait3A_855 = tpu.memref_slice %arg3[%add3A_378, %dma_wait3A_854] : memref<3200000x16xf32, #tpu.memory_space<hbm>> -> memref<1000x16xf32, #tpu.memory_space<hbm>>
    %dma_wait3A_856 = arith.constant 0 : i32
    %dma_wait3A_857 = tpu.memref_slice %arg3[%add3A_378, %dma_wait3A_856] : memref<3200000x16xf32, #tpu.memory_space<hbm>> -> memref<1000x16xf32, #tpu.memory_space<hbm>>
    tpu.wait_dma2 semaphore(%arg6 : memref<!tpu.dma_semaphore, #tpu.memory_space<semaphore_mem>>) src(%arg5 : memref<1000x16xf32, #tpu.memory_space<vmem>>) dst(%dma_wait3A_857 : memref<1000x16xf32, #tpu.memory_space<hbm>>)
    %dma_wait3A_858 = arith.constant 0 : i32
    %dma_wait3A_859 = tpu.memref_slice %arg3[%add3A_384, %dma_wait3A_858] : memref<3200000x16xf32, #tpu.memory_space<hbm>> -> memref<1000x16xf32, #tpu.memory_space<hbm>>
    %dma_wait3A_860 = arith.constant 0 : i32
    %dma_wait3A_861 = tpu.memref_slice %arg3[%add3A_384, %dma_wait3A_860] : memref<3200000x16xf32, #tpu.memory_space<hbm>> -> memref<1000x16xf32, #tpu.memory_space<hbm>>
    tpu.wait_dma2 semaphore(%arg6 : memref<!tpu.dma_semaphore, #tpu.memory_space<semaphore_mem>>) src(%arg5 : memref<1000x16xf32, #tpu.memory_space<vmem>>) dst(%dma_wait3A_861 : memref<1000x16xf32, #tpu.memory_space<hbm>>)
    %dma_wait3A_862 = arith.constant 0 : i32
    %dma_wait3A_863 = tpu.memref_slice %arg3[%add3A_390, %dma_wait3A_862] : memref<3200000x16xf32, #tpu.memory_space<hbm>> -> memref<1000x16xf32, #tpu.memory_space<hbm>>
    %dma_wait3A_864 = arith.constant 0 : i32
    %dma_wait3A_865 = tpu.memref_slice %arg3[%add3A_390, %dma_wait3A_864] : memref<3200000x16xf32, #tpu.memory_space<hbm>> -> memref<1000x16xf32, #tpu.memory_space<hbm>>
    tpu.wait_dma2 semaphore(%arg6 : memref<!tpu.dma_semaphore, #tpu.memory_space<semaphore_mem>>) src(%arg5 : memref<1000x16xf32, #tpu.memory_space<vmem>>) dst(%dma_wait3A_865 : memref<1000x16xf32, #tpu.memory_space<hbm>>)
    %dma_wait3A_866 = arith.constant 0 : i32
    %dma_wait3A_867 = tpu.memref_slice %arg3[%add3A_396, %dma_wait3A_866] : memref<3200000x16xf32, #tpu.memory_space<hbm>> -> memref<1000x16xf32, #tpu.memory_space<hbm>>
    %dma_wait3A_868 = arith.constant 0 : i32
    %dma_wait3A_869 = tpu.memref_slice %arg3[%add3A_396, %dma_wait3A_868] : memref<3200000x16xf32, #tpu.memory_space<hbm>> -> memref<1000x16xf32, #tpu.memory_space<hbm>>
    tpu.wait_dma2 semaphore(%arg6 : memref<!tpu.dma_semaphore, #tpu.memory_space<semaphore_mem>>) src(%arg5 : memref<1000x16xf32, #tpu.memory_space<vmem>>) dst(%dma_wait3A_869 : memref<1000x16xf32, #tpu.memory_space<hbm>>)
    %dma_wait3A_870 = arith.constant 0 : i32
    %dma_wait3A_871 = tpu.memref_slice %arg3[%add3A_402, %dma_wait3A_870] : memref<3200000x16xf32, #tpu.memory_space<hbm>> -> memref<1000x16xf32, #tpu.memory_space<hbm>>
    %dma_wait3A_872 = arith.constant 0 : i32
    %dma_wait3A_873 = tpu.memref_slice %arg3[%add3A_402, %dma_wait3A_872] : memref<3200000x16xf32, #tpu.memory_space<hbm>> -> memref<1000x16xf32, #tpu.memory_space<hbm>>
    tpu.wait_dma2 semaphore(%arg6 : memref<!tpu.dma_semaphore, #tpu.memory_space<semaphore_mem>>) src(%arg5 : memref<1000x16xf32, #tpu.memory_space<vmem>>) dst(%dma_wait3A_873 : memref<1000x16xf32, #tpu.memory_space<hbm>>)
    %dma_wait3A_874 = arith.constant 0 : i32
    %dma_wait3A_875 = tpu.memref_slice %arg3[%add3A_408, %dma_wait3A_874] : memref<3200000x16xf32, #tpu.memory_space<hbm>> -> memref<1000x16xf32, #tpu.memory_space<hbm>>
    %dma_wait3A_876 = arith.constant 0 : i32
    %dma_wait3A_877 = tpu.memref_slice %arg3[%add3A_408, %dma_wait3A_876] : memref<3200000x16xf32, #tpu.memory_space<hbm>> -> memref<1000x16xf32, #tpu.memory_space<hbm>>
    tpu.wait_dma2 semaphore(%arg6 : memref<!tpu.dma_semaphore, #tpu.memory_space<semaphore_mem>>) src(%arg5 : memref<1000x16xf32, #tpu.memory_space<vmem>>) dst(%dma_wait3A_877 : memref<1000x16xf32, #tpu.memory_space<hbm>>)
    %dma_wait3A_878 = arith.constant 0 : i32
    %dma_wait3A_879 = tpu.memref_slice %arg3[%add3A_414, %dma_wait3A_878] : memref<3200000x16xf32, #tpu.memory_space<hbm>> -> memref<1000x16xf32, #tpu.memory_space<hbm>>
    %dma_wait3A_880 = arith.constant 0 : i32
    %dma_wait3A_881 = tpu.memref_slice %arg3[%add3A_414, %dma_wait3A_880] : memref<3200000x16xf32, #tpu.memory_space<hbm>> -> memref<1000x16xf32, #tpu.memory_space<hbm>>
    tpu.wait_dma2 semaphore(%arg6 : memref<!tpu.dma_semaphore, #tpu.memory_space<semaphore_mem>>) src(%arg5 : memref<1000x16xf32, #tpu.memory_space<vmem>>) dst(%dma_wait3A_881 : memref<1000x16xf32, #tpu.memory_space<hbm>>)
    %dma_wait3A_882 = arith.constant 0 : i32
    %dma_wait3A_883 = tpu.memref_slice %arg3[%add3A_420, %dma_wait3A_882] : memref<3200000x16xf32, #tpu.memory_space<hbm>> -> memref<1000x16xf32, #tpu.memory_space<hbm>>
    %dma_wait3A_884 = arith.constant 0 : i32
    %dma_wait3A_885 = tpu.memref_slice %arg3[%add3A_420, %dma_wait3A_884] : memref<3200000x16xf32, #tpu.memory_space<hbm>> -> memref<1000x16xf32, #tpu.memory_space<hbm>>
    tpu.wait_dma2 semaphore(%arg6 : memref<!tpu.dma_semaphore, #tpu.memory_space<semaphore_mem>>) src(%arg5 : memref<1000x16xf32, #tpu.memory_space<vmem>>) dst(%dma_wait3A_885 : memref<1000x16xf32, #tpu.memory_space<hbm>>)
    %dma_wait3A_886 = arith.constant 0 : i32
    %dma_wait3A_887 = tpu.memref_slice %arg3[%add3A_426, %dma_wait3A_886] : memref<3200000x16xf32, #tpu.memory_space<hbm>> -> memref<1000x16xf32, #tpu.memory_space<hbm>>
    %dma_wait3A_888 = arith.constant 0 : i32
    %dma_wait3A_889 = tpu.memref_slice %arg3[%add3A_426, %dma_wait3A_888] : memref<3200000x16xf32, #tpu.memory_space<hbm>> -> memref<1000x16xf32, #tpu.memory_space<hbm>>
    tpu.wait_dma2 semaphore(%arg6 : memref<!tpu.dma_semaphore, #tpu.memory_space<semaphore_mem>>) src(%arg5 : memref<1000x16xf32, #tpu.memory_space<vmem>>) dst(%dma_wait3A_889 : memref<1000x16xf32, #tpu.memory_space<hbm>>)
    %dma_wait3A_890 = arith.constant 0 : i32
    %dma_wait3A_891 = tpu.memref_slice %arg3[%add3A_432, %dma_wait3A_890] : memref<3200000x16xf32, #tpu.memory_space<hbm>> -> memref<1000x16xf32, #tpu.memory_space<hbm>>
    %dma_wait3A_892 = arith.constant 0 : i32
    %dma_wait3A_893 = tpu.memref_slice %arg3[%add3A_432, %dma_wait3A_892] : memref<3200000x16xf32, #tpu.memory_space<hbm>> -> memref<1000x16xf32, #tpu.memory_space<hbm>>
    tpu.wait_dma2 semaphore(%arg6 : memref<!tpu.dma_semaphore, #tpu.memory_space<semaphore_mem>>) src(%arg5 : memref<1000x16xf32, #tpu.memory_space<vmem>>) dst(%dma_wait3A_893 : memref<1000x16xf32, #tpu.memory_space<hbm>>)
    %dma_wait3A_894 = arith.constant 0 : i32
    %dma_wait3A_895 = tpu.memref_slice %arg3[%add3A_438, %dma_wait3A_894] : memref<3200000x16xf32, #tpu.memory_space<hbm>> -> memref<1000x16xf32, #tpu.memory_space<hbm>>
    %dma_wait3A_896 = arith.constant 0 : i32
    %dma_wait3A_897 = tpu.memref_slice %arg3[%add3A_438, %dma_wait3A_896] : memref<3200000x16xf32, #tpu.memory_space<hbm>> -> memref<1000x16xf32, #tpu.memory_space<hbm>>
    tpu.wait_dma2 semaphore(%arg6 : memref<!tpu.dma_semaphore, #tpu.memory_space<semaphore_mem>>) src(%arg5 : memref<1000x16xf32, #tpu.memory_space<vmem>>) dst(%dma_wait3A_897 : memref<1000x16xf32, #tpu.memory_space<hbm>>)
    %dma_wait3A_898 = arith.constant 0 : i32
    %dma_wait3A_899 = tpu.memref_slice %arg3[%add3A_444, %dma_wait3A_898] : memref<3200000x16xf32, #tpu.memory_space<hbm>> -> memref<1000x16xf32, #tpu.memory_space<hbm>>
    %dma_wait3A_900 = arith.constant 0 : i32
    %dma_wait3A_901 = tpu.memref_slice %arg3[%add3A_444, %dma_wait3A_900] : memref<3200000x16xf32, #tpu.memory_space<hbm>> -> memref<1000x16xf32, #tpu.memory_space<hbm>>
    tpu.wait_dma2 semaphore(%arg6 : memref<!tpu.dma_semaphore, #tpu.memory_space<semaphore_mem>>) src(%arg5 : memref<1000x16xf32, #tpu.memory_space<vmem>>) dst(%dma_wait3A_901 : memref<1000x16xf32, #tpu.memory_space<hbm>>)
    %dma_wait3A_902 = arith.constant 0 : i32
    %dma_wait3A_903 = tpu.memref_slice %arg3[%add3A_450, %dma_wait3A_902] : memref<3200000x16xf32, #tpu.memory_space<hbm>> -> memref<1000x16xf32, #tpu.memory_space<hbm>>
    %dma_wait3A_904 = arith.constant 0 : i32
    %dma_wait3A_905 = tpu.memref_slice %arg3[%add3A_450, %dma_wait3A_904] : memref<3200000x16xf32, #tpu.memory_space<hbm>> -> memref<1000x16xf32, #tpu.memory_space<hbm>>
    tpu.wait_dma2 semaphore(%arg6 : memref<!tpu.dma_semaphore, #tpu.memory_space<semaphore_mem>>) src(%arg5 : memref<1000x16xf32, #tpu.memory_space<vmem>>) dst(%dma_wait3A_905 : memref<1000x16xf32, #tpu.memory_space<hbm>>)
    %dma_wait3A_906 = arith.constant 0 : i32
    %dma_wait3A_907 = tpu.memref_slice %arg3[%add3A_456, %dma_wait3A_906] : memref<3200000x16xf32, #tpu.memory_space<hbm>> -> memref<1000x16xf32, #tpu.memory_space<hbm>>
    %dma_wait3A_908 = arith.constant 0 : i32
    %dma_wait3A_909 = tpu.memref_slice %arg3[%add3A_456, %dma_wait3A_908] : memref<3200000x16xf32, #tpu.memory_space<hbm>> -> memref<1000x16xf32, #tpu.memory_space<hbm>>
    tpu.wait_dma2 semaphore(%arg6 : memref<!tpu.dma_semaphore, #tpu.memory_space<semaphore_mem>>) src(%arg5 : memref<1000x16xf32, #tpu.memory_space<vmem>>) dst(%dma_wait3A_909 : memref<1000x16xf32, #tpu.memory_space<hbm>>)
    %dma_wait3A_910 = arith.constant 0 : i32
    %dma_wait3A_911 = tpu.memref_slice %arg3[%add3A_462, %dma_wait3A_910] : memref<3200000x16xf32, #tpu.memory_space<hbm>> -> memref<1000x16xf32, #tpu.memory_space<hbm>>
    %dma_wait3A_912 = arith.constant 0 : i32
    %dma_wait3A_913 = tpu.memref_slice %arg3[%add3A_462, %dma_wait3A_912] : memref<3200000x16xf32, #tpu.memory_space<hbm>> -> memref<1000x16xf32, #tpu.memory_space<hbm>>
    tpu.wait_dma2 semaphore(%arg6 : memref<!tpu.dma_semaphore, #tpu.memory_space<semaphore_mem>>) src(%arg5 : memref<1000x16xf32, #tpu.memory_space<vmem>>) dst(%dma_wait3A_913 : memref<1000x16xf32, #tpu.memory_space<hbm>>)
    %dma_wait3A_914 = arith.constant 0 : i32
    %dma_wait3A_915 = tpu.memref_slice %arg3[%add3A_468, %dma_wait3A_914] : memref<3200000x16xf32, #tpu.memory_space<hbm>> -> memref<1000x16xf32, #tpu.memory_space<hbm>>
    %dma_wait3A_916 = arith.constant 0 : i32
    %dma_wait3A_917 = tpu.memref_slice %arg3[%add3A_468, %dma_wait3A_916] : memref<3200000x16xf32, #tpu.memory_space<hbm>> -> memref<1000x16xf32, #tpu.memory_space<hbm>>
    tpu.wait_dma2 semaphore(%arg6 : memref<!tpu.dma_semaphore, #tpu.memory_space<semaphore_mem>>) src(%arg5 : memref<1000x16xf32, #tpu.memory_space<vmem>>) dst(%dma_wait3A_917 : memref<1000x16xf32, #tpu.memory_space<hbm>>)
    %dma_wait3A_918 = arith.constant 0 : i32
    %dma_wait3A_919 = tpu.memref_slice %arg3[%add3A_474, %dma_wait3A_918] : memref<3200000x16xf32, #tpu.memory_space<hbm>> -> memref<1000x16xf32, #tpu.memory_space<hbm>>
    %dma_wait3A_920 = arith.constant 0 : i32
    %dma_wait3A_921 = tpu.memref_slice %arg3[%add3A_474, %dma_wait3A_920] : memref<3200000x16xf32, #tpu.memory_space<hbm>> -> memref<1000x16xf32, #tpu.memory_space<hbm>>
    tpu.wait_dma2 semaphore(%arg6 : memref<!tpu.dma_semaphore, #tpu.memory_space<semaphore_mem>>) src(%arg5 : memref<1000x16xf32, #tpu.memory_space<vmem>>) dst(%dma_wait3A_921 : memref<1000x16xf32, #tpu.memory_space<hbm>>)
    %dma_wait3A_922 = arith.constant 0 : i32
    %dma_wait3A_923 = tpu.memref_slice %arg3[%add3A_480, %dma_wait3A_922] : memref<3200000x16xf32, #tpu.memory_space<hbm>> -> memref<1000x16xf32, #tpu.memory_space<hbm>>
    %dma_wait3A_924 = arith.constant 0 : i32
    %dma_wait3A_925 = tpu.memref_slice %arg3[%add3A_480, %dma_wait3A_924] : memref<3200000x16xf32, #tpu.memory_space<hbm>> -> memref<1000x16xf32, #tpu.memory_space<hbm>>
    tpu.wait_dma2 semaphore(%arg6 : memref<!tpu.dma_semaphore, #tpu.memory_space<semaphore_mem>>) src(%arg5 : memref<1000x16xf32, #tpu.memory_space<vmem>>) dst(%dma_wait3A_925 : memref<1000x16xf32, #tpu.memory_space<hbm>>)
    %dma_wait3A_926 = arith.constant 0 : i32
    %dma_wait3A_927 = tpu.memref_slice %arg3[%add3A_486, %dma_wait3A_926] : memref<3200000x16xf32, #tpu.memory_space<hbm>> -> memref<1000x16xf32, #tpu.memory_space<hbm>>
    %dma_wait3A_928 = arith.constant 0 : i32
    %dma_wait3A_929 = tpu.memref_slice %arg3[%add3A_486, %dma_wait3A_928] : memref<3200000x16xf32, #tpu.memory_space<hbm>> -> memref<1000x16xf32, #tpu.memory_space<hbm>>
    tpu.wait_dma2 semaphore(%arg6 : memref<!tpu.dma_semaphore, #tpu.memory_space<semaphore_mem>>) src(%arg5 : memref<1000x16xf32, #tpu.memory_space<vmem>>) dst(%dma_wait3A_929 : memref<1000x16xf32, #tpu.memory_space<hbm>>)
    %dma_wait3A_930 = arith.constant 0 : i32
    %dma_wait3A_931 = tpu.memref_slice %arg3[%add3A_492, %dma_wait3A_930] : memref<3200000x16xf32, #tpu.memory_space<hbm>> -> memref<1000x16xf32, #tpu.memory_space<hbm>>
    %dma_wait3A_932 = arith.constant 0 : i32
    %dma_wait3A_933 = tpu.memref_slice %arg3[%add3A_492, %dma_wait3A_932] : memref<3200000x16xf32, #tpu.memory_space<hbm>> -> memref<1000x16xf32, #tpu.memory_space<hbm>>
    tpu.wait_dma2 semaphore(%arg6 : memref<!tpu.dma_semaphore, #tpu.memory_space<semaphore_mem>>) src(%arg5 : memref<1000x16xf32, #tpu.memory_space<vmem>>) dst(%dma_wait3A_933 : memref<1000x16xf32, #tpu.memory_space<hbm>>)
    %dma_wait3A_934 = arith.constant 0 : i32
    %dma_wait3A_935 = tpu.memref_slice %arg3[%add3A_498, %dma_wait3A_934] : memref<3200000x16xf32, #tpu.memory_space<hbm>> -> memref<1000x16xf32, #tpu.memory_space<hbm>>
    %dma_wait3A_936 = arith.constant 0 : i32
    %dma_wait3A_937 = tpu.memref_slice %arg3[%add3A_498, %dma_wait3A_936] : memref<3200000x16xf32, #tpu.memory_space<hbm>> -> memref<1000x16xf32, #tpu.memory_space<hbm>>
    tpu.wait_dma2 semaphore(%arg6 : memref<!tpu.dma_semaphore, #tpu.memory_space<semaphore_mem>>) src(%arg5 : memref<1000x16xf32, #tpu.memory_space<vmem>>) dst(%dma_wait3A_937 : memref<1000x16xf32, #tpu.memory_space<hbm>>)
    %dma_wait3A_938 = arith.constant 0 : i32
    %dma_wait3A_939 = tpu.memref_slice %arg3[%add3A_504, %dma_wait3A_938] : memref<3200000x16xf32, #tpu.memory_space<hbm>> -> memref<1000x16xf32, #tpu.memory_space<hbm>>
    %dma_wait3A_940 = arith.constant 0 : i32
    %dma_wait3A_941 = tpu.memref_slice %arg3[%add3A_504, %dma_wait3A_940] : memref<3200000x16xf32, #tpu.memory_space<hbm>> -> memref<1000x16xf32, #tpu.memory_space<hbm>>
    tpu.wait_dma2 semaphore(%arg6 : memref<!tpu.dma_semaphore, #tpu.memory_space<semaphore_mem>>) src(%arg5 : memref<1000x16xf32, #tpu.memory_space<vmem>>) dst(%dma_wait3A_941 : memref<1000x16xf32, #tpu.memory_space<hbm>>)
    %dma_wait3A_942 = arith.constant 0 : i32
    %dma_wait3A_943 = tpu.memref_slice %arg3[%add3A_510, %dma_wait3A_942] : memref<3200000x16xf32, #tpu.memory_space<hbm>> -> memref<1000x16xf32, #tpu.memory_space<hbm>>
    %dma_wait3A_944 = arith.constant 0 : i32
    %dma_wait3A_945 = tpu.memref_slice %arg3[%add3A_510, %dma_wait3A_944] : memref<3200000x16xf32, #tpu.memory_space<hbm>> -> memref<1000x16xf32, #tpu.memory_space<hbm>>
    tpu.wait_dma2 semaphore(%arg6 : memref<!tpu.dma_semaphore, #tpu.memory_space<semaphore_mem>>) src(%arg5 : memref<1000x16xf32, #tpu.memory_space<vmem>>) dst(%dma_wait3A_945 : memref<1000x16xf32, #tpu.memory_space<hbm>>)
    %dma_wait3A_946 = arith.constant 0 : i32
    %dma_wait3A_947 = tpu.memref_slice %arg3[%add3A_516, %dma_wait3A_946] : memref<3200000x16xf32, #tpu.memory_space<hbm>> -> memref<1000x16xf32, #tpu.memory_space<hbm>>
    %dma_wait3A_948 = arith.constant 0 : i32
    %dma_wait3A_949 = tpu.memref_slice %arg3[%add3A_516, %dma_wait3A_948] : memref<3200000x16xf32, #tpu.memory_space<hbm>> -> memref<1000x16xf32, #tpu.memory_space<hbm>>
    tpu.wait_dma2 semaphore(%arg6 : memref<!tpu.dma_semaphore, #tpu.memory_space<semaphore_mem>>) src(%arg5 : memref<1000x16xf32, #tpu.memory_space<vmem>>) dst(%dma_wait3A_949 : memref<1000x16xf32, #tpu.memory_space<hbm>>)
    %dma_wait3A_950 = arith.constant 0 : i32
    %dma_wait3A_951 = tpu.memref_slice %arg3[%add3A_522, %dma_wait3A_950] : memref<3200000x16xf32, #tpu.memory_space<hbm>> -> memref<1000x16xf32, #tpu.memory_space<hbm>>
    %dma_wait3A_952 = arith.constant 0 : i32
    %dma_wait3A_953 = tpu.memref_slice %arg3[%add3A_522, %dma_wait3A_952] : memref<3200000x16xf32, #tpu.memory_space<hbm>> -> memref<1000x16xf32, #tpu.memory_space<hbm>>
    tpu.wait_dma2 semaphore(%arg6 : memref<!tpu.dma_semaphore, #tpu.memory_space<semaphore_mem>>) src(%arg5 : memref<1000x16xf32, #tpu.memory_space<vmem>>) dst(%dma_wait3A_953 : memref<1000x16xf32, #tpu.memory_space<hbm>>)
    %dma_wait3A_954 = arith.constant 0 : i32
    %dma_wait3A_955 = tpu.memref_slice %arg3[%add3A_528, %dma_wait3A_954] : memref<3200000x16xf32, #tpu.memory_space<hbm>> -> memref<1000x16xf32, #tpu.memory_space<hbm>>
    %dma_wait3A_956 = arith.constant 0 : i32
    %dma_wait3A_957 = tpu.memref_slice %arg3[%add3A_528, %dma_wait3A_956] : memref<3200000x16xf32, #tpu.memory_space<hbm>> -> memref<1000x16xf32, #tpu.memory_space<hbm>>
    tpu.wait_dma2 semaphore(%arg6 : memref<!tpu.dma_semaphore, #tpu.memory_space<semaphore_mem>>) src(%arg5 : memref<1000x16xf32, #tpu.memory_space<vmem>>) dst(%dma_wait3A_957 : memref<1000x16xf32, #tpu.memory_space<hbm>>)
    %dma_wait3A_958 = arith.constant 0 : i32
    %dma_wait3A_959 = tpu.memref_slice %arg3[%add3A_534, %dma_wait3A_958] : memref<3200000x16xf32, #tpu.memory_space<hbm>> -> memref<1000x16xf32, #tpu.memory_space<hbm>>
    %dma_wait3A_960 = arith.constant 0 : i32
    %dma_wait3A_961 = tpu.memref_slice %arg3[%add3A_534, %dma_wait3A_960] : memref<3200000x16xf32, #tpu.memory_space<hbm>> -> memref<1000x16xf32, #tpu.memory_space<hbm>>
    tpu.wait_dma2 semaphore(%arg6 : memref<!tpu.dma_semaphore, #tpu.memory_space<semaphore_mem>>) src(%arg5 : memref<1000x16xf32, #tpu.memory_space<vmem>>) dst(%dma_wait3A_961 : memref<1000x16xf32, #tpu.memory_space<hbm>>)
    %dma_wait3A_962 = arith.constant 0 : i32
    %dma_wait3A_963 = tpu.memref_slice %arg3[%add3A_540, %dma_wait3A_962] : memref<3200000x16xf32, #tpu.memory_space<hbm>> -> memref<1000x16xf32, #tpu.memory_space<hbm>>
    %dma_wait3A_964 = arith.constant 0 : i32
    %dma_wait3A_965 = tpu.memref_slice %arg3[%add3A_540, %dma_wait3A_964] : memref<3200000x16xf32, #tpu.memory_space<hbm>> -> memref<1000x16xf32, #tpu.memory_space<hbm>>
    tpu.wait_dma2 semaphore(%arg6 : memref<!tpu.dma_semaphore, #tpu.memory_space<semaphore_mem>>) src(%arg5 : memref<1000x16xf32, #tpu.memory_space<vmem>>) dst(%dma_wait3A_965 : memref<1000x16xf32, #tpu.memory_space<hbm>>)
    %dma_wait3A_966 = arith.constant 0 : i32
    %dma_wait3A_967 = tpu.memref_slice %arg3[%add3A_546, %dma_wait3A_966] : memref<3200000x16xf32, #tpu.memory_space<hbm>> -> memref<1000x16xf32, #tpu.memory_space<hbm>>
    %dma_wait3A_968 = arith.constant 0 : i32
    %dma_wait3A_969 = tpu.memref_slice %arg3[%add3A_546, %dma_wait3A_968] : memref<3200000x16xf32, #tpu.memory_space<hbm>> -> memref<1000x16xf32, #tpu.memory_space<hbm>>
    tpu.wait_dma2 semaphore(%arg6 : memref<!tpu.dma_semaphore, #tpu.memory_space<semaphore_mem>>) src(%arg5 : memref<1000x16xf32, #tpu.memory_space<vmem>>) dst(%dma_wait3A_969 : memref<1000x16xf32, #tpu.memory_space<hbm>>)
    %dma_wait3A_970 = arith.constant 0 : i32
    %dma_wait3A_971 = tpu.memref_slice %arg3[%add3A_552, %dma_wait3A_970] : memref<3200000x16xf32, #tpu.memory_space<hbm>> -> memref<1000x16xf32, #tpu.memory_space<hbm>>
    %dma_wait3A_972 = arith.constant 0 : i32
    %dma_wait3A_973 = tpu.memref_slice %arg3[%add3A_552, %dma_wait3A_972] : memref<3200000x16xf32, #tpu.memory_space<hbm>> -> memref<1000x16xf32, #tpu.memory_space<hbm>>
    tpu.wait_dma2 semaphore(%arg6 : memref<!tpu.dma_semaphore, #tpu.memory_space<semaphore_mem>>) src(%arg5 : memref<1000x16xf32, #tpu.memory_space<vmem>>) dst(%dma_wait3A_973 : memref<1000x16xf32, #tpu.memory_space<hbm>>)
    %dma_wait3A_974 = arith.constant 0 : i32
    %dma_wait3A_975 = tpu.memref_slice %arg3[%add3A_558, %dma_wait3A_974] : memref<3200000x16xf32, #tpu.memory_space<hbm>> -> memref<1000x16xf32, #tpu.memory_space<hbm>>
    %dma_wait3A_976 = arith.constant 0 : i32
    %dma_wait3A_977 = tpu.memref_slice %arg3[%add3A_558, %dma_wait3A_976] : memref<3200000x16xf32, #tpu.memory_space<hbm>> -> memref<1000x16xf32, #tpu.memory_space<hbm>>
    tpu.wait_dma2 semaphore(%arg6 : memref<!tpu.dma_semaphore, #tpu.memory_space<semaphore_mem>>) src(%arg5 : memref<1000x16xf32, #tpu.memory_space<vmem>>) dst(%dma_wait3A_977 : memref<1000x16xf32, #tpu.memory_space<hbm>>)
    %dma_wait3A_978 = arith.constant 0 : i32
    %dma_wait3A_979 = tpu.memref_slice %arg3[%add3A_564, %dma_wait3A_978] : memref<3200000x16xf32, #tpu.memory_space<hbm>> -> memref<1000x16xf32, #tpu.memory_space<hbm>>
    %dma_wait3A_980 = arith.constant 0 : i32
    %dma_wait3A_981 = tpu.memref_slice %arg3[%add3A_564, %dma_wait3A_980] : memref<3200000x16xf32, #tpu.memory_space<hbm>> -> memref<1000x16xf32, #tpu.memory_space<hbm>>
    tpu.wait_dma2 semaphore(%arg6 : memref<!tpu.dma_semaphore, #tpu.memory_space<semaphore_mem>>) src(%arg5 : memref<1000x16xf32, #tpu.memory_space<vmem>>) dst(%dma_wait3A_981 : memref<1000x16xf32, #tpu.memory_space<hbm>>)
    %dma_wait3A_982 = arith.constant 0 : i32
    %dma_wait3A_983 = tpu.memref_slice %arg3[%add3A_570, %dma_wait3A_982] : memref<3200000x16xf32, #tpu.memory_space<hbm>> -> memref<1000x16xf32, #tpu.memory_space<hbm>>
    %dma_wait3A_984 = arith.constant 0 : i32
    %dma_wait3A_985 = tpu.memref_slice %arg3[%add3A_570, %dma_wait3A_984] : memref<3200000x16xf32, #tpu.memory_space<hbm>> -> memref<1000x16xf32, #tpu.memory_space<hbm>>
    tpu.wait_dma2 semaphore(%arg6 : memref<!tpu.dma_semaphore, #tpu.memory_space<semaphore_mem>>) src(%arg5 : memref<1000x16xf32, #tpu.memory_space<vmem>>) dst(%dma_wait3A_985 : memref<1000x16xf32, #tpu.memory_space<hbm>>)
    %dma_wait3A_986 = arith.constant 0 : i32
    %dma_wait3A_987 = tpu.memref_slice %arg3[%add3A_576, %dma_wait3A_986] : memref<3200000x16xf32, #tpu.memory_space<hbm>> -> memref<1000x16xf32, #tpu.memory_space<hbm>>
    %dma_wait3A_988 = arith.constant 0 : i32
    %dma_wait3A_989 = tpu.memref_slice %arg3[%add3A_576, %dma_wait3A_988] : memref<3200000x16xf32, #tpu.memory_space<hbm>> -> memref<1000x16xf32, #tpu.memory_space<hbm>>
    tpu.wait_dma2 semaphore(%arg6 : memref<!tpu.dma_semaphore, #tpu.memory_space<semaphore_mem>>) src(%arg5 : memref<1000x16xf32, #tpu.memory_space<vmem>>) dst(%dma_wait3A_989 : memref<1000x16xf32, #tpu.memory_space<hbm>>)
    %dma_wait3A_990 = arith.constant 0 : i32
    %dma_wait3A_991 = tpu.memref_slice %arg3[%add3A_582, %dma_wait3A_990] : memref<3200000x16xf32, #tpu.memory_space<hbm>> -> memref<1000x16xf32, #tpu.memory_space<hbm>>
    %dma_wait3A_992 = arith.constant 0 : i32
    %dma_wait3A_993 = tpu.memref_slice %arg3[%add3A_582, %dma_wait3A_992] : memref<3200000x16xf32, #tpu.memory_space<hbm>> -> memref<1000x16xf32, #tpu.memory_space<hbm>>
    tpu.wait_dma2 semaphore(%arg6 : memref<!tpu.dma_semaphore, #tpu.memory_space<semaphore_mem>>) src(%arg5 : memref<1000x16xf32, #tpu.memory_space<vmem>>) dst(%dma_wait3A_993 : memref<1000x16xf32, #tpu.memory_space<hbm>>)
    %dma_wait3A_994 = arith.constant 0 : i32
    %dma_wait3A_995 = tpu.memref_slice %arg3[%add3A_588, %dma_wait3A_994] : memref<3200000x16xf32, #tpu.memory_space<hbm>> -> memref<1000x16xf32, #tpu.memory_space<hbm>>
    %dma_wait3A_996 = arith.constant 0 : i32
    %dma_wait3A_997 = tpu.memref_slice %arg3[%add3A_588, %dma_wait3A_996] : memref<3200000x16xf32, #tpu.memory_space<hbm>> -> memref<1000x16xf32, #tpu.memory_space<hbm>>
    tpu.wait_dma2 semaphore(%arg6 : memref<!tpu.dma_semaphore, #tpu.memory_space<semaphore_mem>>) src(%arg5 : memref<1000x16xf32, #tpu.memory_space<vmem>>) dst(%dma_wait3A_997 : memref<1000x16xf32, #tpu.memory_space<hbm>>)
    %dma_wait3A_998 = arith.constant 0 : i32
    %dma_wait3A_999 = tpu.memref_slice %arg3[%add3A_594, %dma_wait3A_998] : memref<3200000x16xf32, #tpu.memory_space<hbm>> -> memref<1000x16xf32, #tpu.memory_space<hbm>>
    %dma_wait3A_1000 = arith.constant 0 : i32
    %dma_wait3A_1001 = tpu.memref_slice %arg3[%add3A_594, %dma_wait3A_1000] : memref<3200000x16xf32, #tpu.memory_space<hbm>> -> memref<1000x16xf32, #tpu.memory_space<hbm>>
    tpu.wait_dma2 semaphore(%arg6 : memref<!tpu.dma_semaphore, #tpu.memory_space<semaphore_mem>>) src(%arg5 : memref<1000x16xf32, #tpu.memory_space<vmem>>) dst(%dma_wait3A_1001 : memref<1000x16xf32, #tpu.memory_space<hbm>>)
    %dma_wait3A_1002 = arith.constant 0 : i32
    %dma_wait3A_1003 = tpu.memref_slice %arg3[%add3A_600, %dma_wait3A_1002] : memref<3200000x16xf32, #tpu.memory_space<hbm>> -> memref<1000x16xf32, #tpu.memory_space<hbm>>
    %dma_wait3A_1004 = arith.constant 0 : i32
    %dma_wait3A_1005 = tpu.memref_slice %arg3[%add3A_600, %dma_wait3A_1004] : memref<3200000x16xf32, #tpu.memory_space<hbm>> -> memref<1000x16xf32, #tpu.memory_space<hbm>>
    tpu.wait_dma2 semaphore(%arg6 : memref<!tpu.dma_semaphore, #tpu.memory_space<semaphore_mem>>) src(%arg5 : memref<1000x16xf32, #tpu.memory_space<vmem>>) dst(%dma_wait3A_1005 : memref<1000x16xf32, #tpu.memory_space<hbm>>)
    %dma_wait3A_1006 = arith.constant 0 : i32
    %dma_wait3A_1007 = tpu.memref_slice %arg3[%add3A_606, %dma_wait3A_1006] : memref<3200000x16xf32, #tpu.memory_space<hbm>> -> memref<1000x16xf32, #tpu.memory_space<hbm>>
    %dma_wait3A_1008 = arith.constant 0 : i32
    %dma_wait3A_1009 = tpu.memref_slice %arg3[%add3A_606, %dma_wait3A_1008] : memref<3200000x16xf32, #tpu.memory_space<hbm>> -> memref<1000x16xf32, #tpu.memory_space<hbm>>
    tpu.wait_dma2 semaphore(%arg6 : memref<!tpu.dma_semaphore, #tpu.memory_space<semaphore_mem>>) src(%arg5 : memref<1000x16xf32, #tpu.memory_space<vmem>>) dst(%dma_wait3A_1009 : memref<1000x16xf32, #tpu.memory_space<hbm>>)
    return
  }
}

</mosaic_0001>

<sc_bundles>
// kernel: kernel.3.cloned.1.call-start
scs
__scs_entry_jumppad:
0x0: {  	(pc) =	sbr.rel $0x88, $3  }
0x1: {  	(tag) =	ssettag $0x0;
	lr =	simm.s32 $0x1  }
0x2: {  	[smem:$0x3FA0] =	sst lr;
	_ =	strace $0xD0000000  }
0x3: {  	_ = 	snop  }
0x4: {  	_ = 	snop  }
0x5: {  	_ = 	snop  }
0x6: {  	_ = 	snop  }
0x7: {  	_ = 	snop  }
__scs_overlays_trampoline_lowered:
0x8: {  	[smem:$0x3FAF] =	sst s0  }
0x9: {  	[smem:$0x3FB0] =	sst s1  }
0xa: {  	[smem:$0x3FB1] =	sst s2  }
0xb: {  	[smem:$0x3FB2] =	sst s3  }
0xc: {  	[smem:$0x3FB3] =	sst s4  }
0xd: {  	[smem:$0x3FB4] =	sst s5  }
0xe: {  	[smem:$0x3FB5] =	sst s6  }
0xf: {  	[smem:$0x3FB6] =	sst s7  }
0x10: {  	[smem:$0x3FB7] =	sst s8  }
0x11: {  	[smem:$0x3FB8] =	sst s9;
	s0 =	simm.s32 @!p0 $0x0  }
0x12: {  	s1 =	sld [smem:$0x3F9E];
	s0 =	simm.s32 @p0 $0x1  }
0x13: {  	[smem:$0x3FB9] =	sst s0;
	s0 =	simm.s32 @!p1 $0x0  }
0x14: {  	s2 =	sld [smem:$0x3F9D];
	s0 =	simm.s32 @p1 $0x1  }
0x15: {  	[smem:$0x3FBA] =	sst s0;
	s0 =	simm.s32 @!p2 $0x0  }
0x16: {  	s3 =	sld [smem:$0x3FDB];
	s0 =	simm.s32 @p2 $0x1  }
0x17: {  	s4 =	simm.s32 $0x1BF5;
	[smem:$0x3FBC] =	sst s0  }
0x18: {  	s0 =	sld [smem:$0x3F9F];
	_ =	swait.ge [sflag:s4], $0x0  }
0x19: {  	s7 =	sld [smem:$0x3FA0]  }
0x1a: {  	s8 =	sadd.s32 $0xFFFFE003, lr  }
0x1b: {  	s9 =	sadd.s32 $0xFFFFFEF7, lr;
	s5 =	simm.s32 $0xFFFFFFFF;
	p2 =	slt.u32 s8, $0xFFFFF086  }
0x1c: {  	p1 =	slt.u32 s9, $0xF7A;
	s5 =	simm.s32 @!p2 $0x0  }
0x1d: {  	s5 =	simm.s32 @p1 $0x1;
	p0 =	seq.s32 s7, s2  }
0x1e: {  	s7 =	smul.u32 @!p0 $0xF7A, s2;
	p2 =	seq.s32 @!p0 s5, $0x0  }
0x1f: {  	s9 =	smul.u32 $0xF7A, s1;
	s8 =	simm.s32 @!p0 $0x1BF5;
	p2 =	por !p2, p0  }
0x20: {  	[sflag:s8] =	ssyncset.s32 @!p0 $0xFFFFF086;
	s6 =	sadd.s32 @!p0 s3, s7;
	s7 =	simm.s32 @!p0 $0x108  }
0x21: {  	s3 =	sadd.s32 s3, s9;
	s6 =	sadd.s32 @!p0 $0x88, s6;
	s7 =	simm.s32 @p2 $0x1082  }
0x22: {  	[simem:s7], [sflag:s8] =	dma.local @!p0 [hbm:s6], $0xF7A  }
0x23: {  	s9 =	sor.u32 $0xD0000000, s2;
	s6 =	simm.s32 $0x108;
	_ =	swait.ge @!p0 [sflag:s8], $0x0  }
0x24: {  	s3 =	sadd.s32 $0x88, s3;
	s6 =	simm.s32 @!p1 $0x1082;
	[sflag:s4] =	ssyncset.s32 $0xFFFFF086  }
0x25: {  	[simem:s6], [sflag:s4] =	dma.local [hbm:s3], $0xF7A  }
0x26: {  	[smem:$0x3FA0] =	sst s1;
	(tag) =	ssettag s2;
	_ =	strace s9  }
0x27: {  	s1 =	sld [smem:$0x3FB0]  }
0x28: {  	s2 =	sld [smem:$0x3FB1]  }
0x29: {  	s4 =	sld [smem:$0x3FB3]  }
0x2a: {  	p0 =	seq.s32 s5, $0x0;
	s5 =	sld [smem:$0x3FB4]  }
0x2b: {  	s6 =	sld [smem:$0x3FB5]  }
0x2c: {  	s7 =	sld [smem:$0x3FB6]  }
0x2d: {  	s3 =	simm.s32 $0x108;
	s8 =	sld [smem:$0x3FB7]  }
0x2e: {  	s3 =	simm.s32 @!p0 $0x1082;
	s9 =	sld [smem:$0x3FB8]  }
0x2f: {  	lr =	sadd.s32 s0, s3;
	s0 =	sld [smem:$0x3FAF]  }
0x30: {  	s3 =	sld [smem:$0x3FB2]  }
0x31: {  	[smem:$0x3FBB] =	sst s10  }
0x32: {  	s10 =	sld [smem:$0x3FB9];
	_ =	sdelay $0x3  }
0x33: {  	p0 =	seq.s32 s10, $0x1;
	s10 =	sld [smem:$0x3FBB];
	_ =	sdelay $0x3  }
0x34: {  	[smem:$0x3FBB] =	sst s10  }
0x35: {  	s10 =	sld [smem:$0x3FBA];
	_ =	sdelay $0x3  }
0x36: {  	p1 =	seq.s32 s10, $0x1;
	s10 =	sld [smem:$0x3FBB];
	_ =	sdelay $0x3  }
0x37: {  	[smem:$0x3FBB] =	sst s10  }
0x38: {  	s10 =	sld [smem:$0x3FBC]  }
0x39: {  	_ = 	snop;
	(pc) =	sbr.ind lr, $3  }
0x3a: {  	_ = 	snop  }
0x3b: {  	_ = 	snop  }
0x3c: {  	p2 =	seq.s32 s10, $0x1;
	s10 =	sld [smem:$0x3FBB]  }
0x3d: {  	_ =	shalt  }
0x3e: {  	_ =	shalt  }
0x3f: {  	_ =	shalt  }
0x40: {  	_ =	shalt  }
0x41: {  	_ =	shalt  }
0x42: {  	_ =	shalt  }
0x43: {  	_ =	shalt  }
0x44: {  	_ =	shalt  }
0x45: {  	_ =	shalt  }
0x46: {  	_ =	shalt  }
0x47: {  	_ =	shalt  }
0x48: {  	_ =	shalt  }
0x49: {  	_ =	shalt  }
0x4a: {  	_ =	shalt  }
0x4b: {  	_ =	shalt  }
0x4c: {  	_ =	shalt  }
0x4d: {  	_ =	shalt  }
0x4e: {  	_ =	shalt  }
0x4f: {  	_ =	shalt  }
0x50: {  	_ =	shalt  }
0x51: {  	_ =	shalt  }
0x52: {  	_ =	shalt  }
0x53: {  	_ =	shalt  }
0x54: {  	_ =	shalt  }
0x55: {  	_ =	shalt  }
0x56: {  	_ =	shalt  }
0x57: {  	_ =	shalt  }
0x58: {  	_ =	shalt  }
0x59: {  	_ =	shalt  }
0x5a: {  	_ =	shalt  }
0x5b: {  	_ =	shalt  }
0x5c: {  	_ =	shalt  }
0x5d: {  	_ =	shalt  }
0x5e: {  	_ =	shalt  }
0x5f: {  	_ =	shalt  }
0x60: {  	_ =	shalt  }
0x61: {  	_ =	shalt  }
0x62: {  	_ =	shalt  }
0x63: {  	_ =	shalt  }
0x64: {  	_ =	shalt  }
0x65: {  	_ =	shalt  }
0x66: {  	_ =	shalt  }
0x67: {  	_ =	shalt  }
0x68: {  	_ =	shalt  }
0x69: {  	_ =	shalt  }
0x6a: {  	_ =	shalt  }
0x6b: {  	_ =	shalt  }
0x6c: {  	_ =	shalt  }
0x6d: {  	_ =	shalt  }
0x6e: {  	_ =	shalt  }
0x6f: {  	_ =	shalt  }
0x70: {  	_ =	shalt  }
0x71: {  	_ =	shalt  }
0x72: {  	_ =	shalt  }
0x73: {  	_ =	shalt  }
0x74: {  	_ =	shalt  }
0x75: {  	_ =	shalt  }
0x76: {  	_ =	shalt  }
0x77: {  	_ =	shalt  }
0x78: {  	_ =	shalt  }
0x79: {  	_ =	shalt  }
0x7a: {  	_ =	shalt  }
0x7b: {  	_ =	shalt  }
0x7c: {  	_ =	shalt  }
0x7d: {  	_ =	shalt  }
0x7e: {  	_ =	shalt  }
0x7f: {  	_ =	shalt  }
0x80: {  	_ =	shalt  }
0x81: {  	_ =	shalt  }
0x82: {  	_ =	shalt  }
0x83: {  	_ =	shalt  }
0x84: {  	_ =	shalt  }
0x85: {  	_ =	shalt  }
0x86: {  	_ =	shalt  }
0x87: {  	_ =	shalt  }
.Lfunc_end0:
.L_simem_size_0:
called_computation_lowered:
.L_overlay_start_0:
0x88: {  	s2 =	sld [smem:$0x3FD9]  }
0x89: {  	s3 =	sld [smem:$0x3FFE];
	_ =	sdelay $0x1  }
0x8a: {  	s1 =	srdreg.scid  }
0x8b: {  	s0 =	sand.u32 $0x1, s1  }
0x8c: {  	s17 =	sshll.u32 s0, $0xA;
	s2 =	sadd.s32 s3, s2  }
0x8d: {  	s2 =	sadd.s32 s2, s17  }
0x8e: {  	[smem:$0x3FC7] =	sst s2  }
0x8f: {  	_ = 	snop  }
0x90: {  	s2 =	sld [smem:$0x3FC9];
	(tm) =	ssettm $0x1  }
0x91: {  	s18 =	sld [smem:$0x3FFB];
	_ =	sdelay $0x3  }
0x92: {  	_ =	strace s18  }
0x93: {  	s3 =	sld [smem:$0x3FFC];
	_ =	sdelay $0x3  }
0x94: {  	_ =	strace s3  }
0x95: {  	s3 =	sld [smem:$0x3FFD];
	_ =	sdelay $0x3  }
0x96: {  	_ =	strace s3  }
0x97: {  	_ =	strace $0x8FFFFFFF  }
0x98: {  	s19 =	sld [smem:$0x3FDB];
	_ =	sdelay $0x1  }
0x99: {  	s4 =	simm.s32 $_scs_section_size  }
0x9a: {  	s5 =	simm.s32 $_size__tile_overlayer_lowered;
	s6 =	simm.s32 $_tile_overlayer_lowered  }
0x9b: {  	s22 =	simm.s32 $0x1BFF;
	s21 =	sshll.u32 s6, $0x1;
	s3 =	sadd.s32 s4, s19  }
0x9c: {  	s7 =	simm.s32 $0x0;
	s20 =	sshll.u32 s5, $0x1;
	s5 =	sadd.s32 s21, s3  }
0x9d: {  	[timem:s7], [sflag:s22] =	dma.local [hbm:s5], s20  }
0x9e: {  	_ =	swait.ge [sflag:s22], s20  }
0x9f: {  	s4 =	ssub.s32 $0x0, s20;
	[sflag:s22] =	ssyncset.done $0x0  }
0xa0: {  	[sflag:s22] =	ssyncadd.s32 s4;
	_ =	sdelay $0x1  }
0xa1: {  	s23 =	simm.s32 $0x1B8B  }
0xa2: {  	_ =	swait.ge [sflag:s23], $0x1  }
0xa3: {  	[sflag:s23] =	ssyncset.done $0x0  }
0xa4: {  	s25 =	simm.s32 $0x1B8E;
	s24 =	sld [smem:$0x3FFE];
	[sflag:s23] =	ssyncadd.s32 $0xFFFFFFFF  }
0xa5: {  	s26 =	simm.s32 $execute0_lowered;
	[smem:$0x3FD2] =	sst s25  }
0xa6: {  	s5 =	sshll.u32 s26, $0x1;
	_ =	strace $0x80000046;
	[dreg:$0x1] =	wrdreg $0xFFFFFFFF  }
0xa7: {  	s28 =	simm.s32 $_size_execute0_lowered;
	s3 =	sadd.s32 s3, s5;
	[dreg:$0x0] =	wrdreg $0x0  }
0xa8: {  	s5 =	sshll.u32 s28, $0x1;
	[dreg:$0x2] =	wrdreg s3  }
0xa9: {  	[dreg:$0x3] =	wrdreg s5  }
0xaa: {  	[dreg:$0x4] =	wrdreg $0xC0  }
0xab: {  	_ =	task [dreg:s7], $0x5FFFF  }
0xac: {  	[dreg:$0x1] =	wrdreg $0xFFFFFFFF  }
0xad: {  	[dreg:$0x0] =	wrdreg $0x60  }
0xae: {  	[dreg:$0x2] =	wrdreg s2  }
0xaf: {  	[dreg:$0x3] =	wrdreg s24  }
0xb0: {  	[dreg:$0x4] =	wrdreg $0x9  }
0xb1: {  	_ =	task.clear_ibuf [dreg:s7], $0x5FFFF;
	_ =	strace $0x90000046  }
0xb2: {  	s29 =	simm.s32 $0x9;
	_ =	strace $0x80000048  }
0xb3: {  	_ =	swait.ge [sflag:s29], $0x1  }
0xb4: {  	[sflag:s29] =	ssyncadd.s32 $0xFFFFFFFF  }
0xb5: {  	_ =	strace $0x90000048  }
0xb6: {  	_ =	sfence  }
0xb7: {  	s30 =	sld [smem:$0x0];
	_ =	sdelay $0x2  }
0xb8: {  	s31 =	sshll.u32 s1, $0xD;
	s1 =	sshrl.u32 s1, $0x2  }
0xb9: {  	s3 =	sand.u32 $0x4000, s31;
	s1 =	sadd.s32 s1, s30  }
0xba: {  	s0 =	sor.u32 s3, s0;
	s1 =	sshll.u32 s1, $0x11  }
0xbb: {  	s0 =	sor.u32 s1, s0  }
0xbc: {  	s0 =	sadd.s32 $0x8F2B, s0  }
0xbd: {  	[sflag:s0] =	ssyncadd.remote.s32 $0x1  }
0xbe: {  	_ =	sfence.sel $0xFFFF  }
0xbf: {  	[dreg:$0x0] =	wrdreg $0xFFFFFFFF;
	(pc) =	sbr.abs _section_cstart, $3  }
0xc0: {  	[dreg:$0x1] =	wrdreg $0xFFFFFFFF  }
0xc1: {  	_ =	task.clear_ibuf [dreg:s7], $0x2FFFF;
	_ =	strace $0x9FFFFFFF  }
0xc2: {  	(tm) =	ssettm $0x7FFFFFFF  }
0xc3: {  	_ =	shalt  }
tec
execute0_lowered:
.L_overlay_start_1:
0x0: {  	(tag) =	ssettag $0x1  }
0x1: {  	s0 =	srdreg.scid;
	s1 =	stileid.u32  }
0x2: {  	s0 =	sand.u32 $0x1, s0;
	s1 =	sshll.u32 s1, $0x1  }
0x3: {  	s1 =	sor.u32 s0, s1  }
0x4: {  	s4 =	smul.u32 $0xC35000, s1  }
0x5: {  	s2 =	rddreg [dreg:$0x1]  }
0x6: {  	s10 =	sadd.s32 $0x400, s2;
	s11 =	sshrl.u32 s4, $0x3  }
0x7: {  	s3 =	simm.s32 $0x0;
	s13 =	sadd.s32 s10, s11  }
0x8: {  	[smem:$0x7FF] =	sst s3;
	s12 =	sadd.s32 $0x3E80, s13  }
0x9: {  	_ =	strace $0x80000047;
	s14 =	sadd.s32 $0x7D00, s13;
	[dreg:$0x3] =	wrdreg s12  }
0xa: {  	s15 =	sadd.s32 $0xBB80, s13;
	[dreg:$0x4] =	wrdreg s14  }
0xb: {  	s16 =	sadd.s32 $0xFA00, s13;
	[dreg:$0x5] =	wrdreg s15  }
0xc: {  	s17 =	sadd.s32 $0x13880, s13;
	[dreg:$0x6] =	wrdreg s16  }
0xd: {  	s18 =	sadd.s32 $0x17700, s13;
	[dreg:$0x7] =	wrdreg s17  }
0xe: {  	s19 =	sadd.s32 $0x1B580, s13;
	[dreg:$0x8] =	wrdreg s18  }
0xf: {  	s20 =	sadd.s32 $0x1F400, s13;
	[dreg:$0x9] =	wrdreg s19  }
0x10: {  	s21 =	sadd.s32 $0x23280, s13;
	[dreg:$0xa] =	wrdreg s20  }
0x11: {  	s22 =	sadd.s32 $0x27100, s13;
	[dreg:$0xb] =	wrdreg s21  }
0x12: {  	s23 =	sadd.s32 $0x2AF80, s13;
	[dreg:$0xc] =	wrdreg s22  }
0x13: {  	s24 =	sadd.s32 $0x2EE00, s13;
	[dreg:$0xd] =	wrdreg s23  }
0x14: {  	s25 =	sadd.s32 $0x32C80, s13;
	[dreg:$0xe] =	wrdreg s24  }
0x15: {  	s26 =	sadd.s32 $0x36B00, s13;
	[dreg:$0xf] =	wrdreg s25  }
0x16: {  	s2 =	sadd.s32 $0x3A980, s13;
	[dreg:$0x10] =	wrdreg s26  }
0x17: {  	s4 =	sadd.s32 $0x3E800, s13;
	[dreg:$0x11] =	wrdreg s2  }
0x18: {  	s5 =	sadd.s32 $0x42680, s13;
	[dreg:$0x12] =	wrdreg s4  }
0x19: {  	s6 =	sadd.s32 $0x46500, s13;
	[dreg:$0x13] =	wrdreg s5  }
0x1a: {  	s7 =	sadd.s32 $0x4A380, s13;
	[dreg:$0x14] =	wrdreg s6  }
0x1b: {  	s8 =	sadd.s32 $0x4E200, s13;
	[dreg:$0x15] =	wrdreg s7  }
0x1c: {  	s9 =	sadd.s32 $0x52080, s13;
	[dreg:$0x16] =	wrdreg s8  }
0x1d: {  	[dreg:$0x17] =	wrdreg s9;
	s12 =	sadd.s32 $0x55F00, s13  }
0x1e: {  	s14 =	sadd.s32 $0x59D80, s13;
	[dreg:$0x18] =	wrdreg s12  }
0x1f: {  	s15 =	sadd.s32 $0x5DC00, s13;
	[dreg:$0x19] =	wrdreg s14  }
0x20: {  	s16 =	sadd.s32 $0x61A80, s13;
	[dreg:$0x1a] =	wrdreg s15  }
0x21: {  	s17 =	sadd.s32 $0x65900, s13;
	[dreg:$0x1b] =	wrdreg s16  }
0x22: {  	s18 =	sadd.s32 $0x69780, s13;
	[dreg:$0x1c] =	wrdreg s17  }
0x23: {  	s19 =	sadd.s32 $0x6D600, s13;
	[dreg:$0x1d] =	wrdreg s18  }
0x24: {  	s20 =	sadd.s32 $0x71480, s13;
	[dreg:$0x1e] =	wrdreg s19  }
0x25: {  	s21 =	sadd.s32 $0x75300, s13;
	[dreg:$0x1f] =	wrdreg s20  }
0x26: {  	s22 =	sadd.s32 $0x79180, s13;
	[smem:$0x7CE] =	sst s21  }
0x27: {  	s23 =	sadd.s32 $0x7D000, s13;
	[smem:$0x7CF] =	sst s22  }
0x28: {  	s24 =	sadd.s32 $0x80E80, s13;
	[smem:$0x7D0] =	sst s23  }
0x29: {  	s25 =	sadd.s32 $0x84D00, s13;
	[smem:$0x7D1] =	sst s24  }
0x2a: {  	s26 =	sadd.s32 $0x88B80, s13;
	[smem:$0x7D2] =	sst s25  }
0x2b: {  	s2 =	sadd.s32 $0x8CA00, s13;
	[smem:$0x7D3] =	sst s26  }
0x2c: {  	s4 =	sadd.s32 $0x90880, s13;
	[smem:$0x7D4] =	sst s2  }
0x2d: {  	s5 =	sadd.s32 $0x94700, s13;
	[smem:$0x7D5] =	sst s4  }
0x2e: {  	s6 =	sadd.s32 $0x98580, s13;
	[smem:$0x7D6] =	sst s5  }
0x2f: {  	s7 =	sadd.s32 $0x9C400, s13;
	[smem:$0x7D7] =	sst s6  }
0x30: {  	s8 =	sadd.s32 $0xA0280, s13;
	[smem:$0x7D8] =	sst s7  }
0x31: {  	s9 =	sadd.s32 $0xA4100, s13;
	[smem:$0x7D9] =	sst s8  }
0x32: {  	[smem:$0x7DA] =	sst s9;
	s12 =	sadd.s32 $0xA7F80, s13  }
0x33: {  	s14 =	sadd.s32 $0xABE00, s13;
	[smem:$0x7DB] =	sst s12  }
0x34: {  	s15 =	sadd.s32 $0xAFC80, s13;
	[smem:$0x7DC] =	sst s14  }
0x35: {  	s16 =	sadd.s32 $0xB3B00, s13;
	[smem:$0x7DD] =	sst s15  }
0x36: {  	s17 =	sadd.s32 $0xB7980, s13;
	[smem:$0x7DE] =	sst s16  }
0x37: {  	s18 =	sadd.s32 $0xBB800, s13;
	[smem:$0x7DF] =	sst s17  }
0x38: {  	s19 =	sadd.s32 $0xBF680, s13;
	[smem:$0x7E0] =	sst s18  }
0x39: {  	s20 =	sadd.s32 $0xC3500, s13;
	[smem:$0x7E1] =	sst s19  }
0x3a: {  	s21 =	sadd.s32 $0xC7380, s13;
	[smem:$0x7E2] =	sst s20  }
0x3b: {  	s22 =	sadd.s32 $0xCB200, s13;
	[smem:$0x7E3] =	sst s21  }
0x3c: {  	s23 =	sadd.s32 $0xCF080, s13;
	[smem:$0x7E4] =	sst s22  }
0x3d: {  	s24 =	sadd.s32 $0xD2F00, s13;
	[smem:$0x7E5] =	sst s23  }
0x3e: {  	s25 =	sadd.s32 $0xD6D80, s13;
	[smem:$0x7E6] =	sst s24  }
0x3f: {  	s26 =	sadd.s32 $0xDAC00, s13;
	[smem:$0x7E7] =	sst s25  }
0x40: {  	s11 =	smul.u32 $0x186A00, s1;
	s2 =	sadd.s32 $0xDEA80, s13;
	[smem:$0x7E8] =	sst s26  }
0x41: {  	s28 =	sadd.s32 $0x14C080, s13;
	s4 =	sadd.s32 $0xE2900, s13;
	[smem:$0x7E9] =	sst s2  }
0x42: {  	s29 =	sadd.s32 $0x14FF00, s13;
	s5 =	sadd.s32 $0xE6780, s13;
	[smem:$0x7EA] =	sst s4  }
0x43: {  	s30 =	sadd.s32 $0x153D80, s13;
	s6 =	sadd.s32 $0xEA600, s13;
	[smem:$0x7EB] =	sst s5  }
0x44: {  	s31 =	sadd.s32 $0x157C00, s13;
	s7 =	sadd.s32 $0xEE480, s13;
	[smem:$0x7EC] =	sst s6  }
0x45: {  	s1 =	sadd.s32 $0x15BA80, s13;
	s8 =	sadd.s32 $0xF2300, s13;
	[smem:$0x7ED] =	sst s7  }
0x46: {  	s10 =	sadd.s32 s10, s11;
	s9 =	sadd.s32 $0xF6180, s13;
	[smem:$0x7EE] =	sst s8  }
0x47: {  	s11 =	sadd.s32 $0x17AE80, s13;
	[smem:$0x7EF] =	sst s9;
	s12 =	sadd.s32 $0xFA000, s13  }
0x48: {  	s14 =	sadd.s32 $0x101D00, s13;
	s15 =	sadd.s32 $0x105B80, s13  }
0x49: {  	s16 =	sadd.s32 $0x109A00, s13;
	s17 =	sadd.s32 $0x10D880, s13  }
0x4a: {  	s18 =	sadd.s32 $0x111700, s13;
	[smem:$0x7F0] =	sst s12  }
0x4b: {  	s19 =	sadd.s32 $0x115580, s13;
	[smem:$0x7F1] =	sst s14  }
0x4c: {  	s20 =	sadd.s32 $0x119400, s13;
	[smem:$0x7F2] =	sst s15  }
0x4d: {  	s21 =	sadd.s32 $0x11D280, s13;
	[smem:$0x7F3] =	sst s16  }
0x4e: {  	s22 =	sadd.s32 $0x121100, s13;
	[smem:$0x7F4] =	sst s17  }
0x4f: {  	s23 =	sadd.s32 $0x124F80, s13;
	[smem:$0x7F5] =	sst s18  }
0x50: {  	s24 =	sadd.s32 $0x128E00, s13;
	[smem:$0x7F6] =	sst s19  }
0x51: {  	s25 =	sadd.s32 $0x12CC80, s13;
	[smem:$0x7F7] =	sst s20  }
0x52: {  	s26 =	sadd.s32 $0x130B00, s13;
	[smem:$0x7F8] =	sst s21  }
0x53: {  	s5 =	ssub.s32 $0x2, s0;
	s0 =	sadd.s32 $0x15F900, s13;
	[smem:$0x7F9] =	sst s22  }
0x54: {  	s2 =	sadd.s32 $0x163780, s13;
	[smem:$0x7FA] =	sst s23  }
0x55: {  	s4 =	sadd.s32 $0x167600, s13;
	[smem:$0x7FB] =	sst s24  }
0x56: {  	s7 =	sadd.s32 $0xFDE80, s13;
	s8 =	sadd.s32 $0x173180, s13;
	[smem:$0x7FC] =	sst s25  }
0x57: {  	s9 =	sadd.s32 $0x177000, s13;
	[smem:$0x7FD] =	sst s26;
	s21 =	sadd.s32 $0x134980, s13  }
0x58: {  	s22 =	sadd.s32 $0x138800, s13;
	s23 =	sadd.s32 $0x13C680, s13  }
0x59: {  	s24 =	sadd.s32 $0x140500, s13;
	s25 =	sadd.s32 $0x144380, s13  }
0x5a: {  	s26 =	sadd.s32 $0x148200, s13;
	s6 =	sshrl.u32 s5, $0x1;
	s12 =	sadd.s32 $0x17ED00, s13  }
0x5b: {  	s15 =	simm.s32 $0x2;
	s16 =	simm.s32 $0x80;
	s17 =	simm.s32 $0x1  }
0x5c: {  	s18 =	simm.s32 $0x0;
	s14 =	ssub.s32 s5, s6;
	s5 =	sadd.s32 $0x16B480, s13  }
0x5d: {  	s6 =	sadd.s32 $0x16F300, s13;
	s13 =	sadd.s32 $0x182B80, s13;
	s14 =	smax.u32 s14, $0x1  }
.LBB2_1:
0x5e: {  	s19 =	rddreg [dreg:$0x0]  }
0x5f: {  	[tilespmem:s3], [sflag:$0x2] =	stream.linear.gather [hbm4b:s19+s3], $0x80, $0x38;
	[tilespmem:$0x1F480] =	vst v63  }
0x60: {  	_ =	swait.ge [sflag:s15], $0x80  }
0x61: {  	[sflag:s15] =	ssyncset.done $0x0  }
0x62: {  	[sflag:s15] =	ssyncadd.s32 $0xFFFFFF80  }
0x63: {  	v0 =	vld [tilespmem:$0x0];
	_ =	sdelay $0x3  }
0x64: {  	s20 =	simm.s32 $0x1000;
	s19 =	simm.s32 $0x0  }
.LBB2_2:
0x65: {  	p0 =	sne.s32 s20, $0x7C000;
	[tilespmem:s19+$0x400] =	vst v0  }
0x66: {  	[tilespmem:s19+$0x80] =	vst v0  }
0x67: {  	[tilespmem:s19+$0x100] =	vst v0  }
.Ltmp0:
0x68: {  	[tilespmem:s19+$0x180] =	vst v0;
	(pc) =	sbr.rel @p0 .LBB2_2-.Ltmp0, $4  }
0x69: {  	[tilespmem:s19+$0x200] =	vst v0  }
0x6a: {  	[tilespmem:s19+$0x280] =	vst v0  }
0x6b: {  	[tilespmem:s19+$0x300] =	vst v0  }
0x6c: {  	[tilespmem:s19+$0x380] =	vst v0;
	s19 =	sshra.s32 s20, $0x2;
	s20 =	sadd.s32 $0x1000, s20  }
0x6d: {  	[tilespmem:s19+$0x400] =	vst v0  }
0x6e: {  	[tilespmem:s19+$0x80] =	vst v0  }
0x6f: {  	[tilespmem:s19+$0x100] =	vst v0  }
0x70: {  	[tilespmem:s19+$0x180] =	vst v0  }
0x71: {  	[tilespmem:s19+$0x200] =	vst v0  }
0x72: {  	[tilespmem:s19+$0x280] =	vst v0  }
0x73: {  	[tilespmem:s19+$0x300] =	vst v0  }
0x74: {  	[tilespmem:s19+$0x380] =	vst v0  }
0x75: {  	[hbm4b:s10+s3] =	stream.linear.scatter [tilespmem:s16], [sflag:$0x1], $0x1F400, $0x38;
	[tilespmem:$0x1F480] =	vst v63  }
0x76: {  	s20 =	rddreg [dreg:$0x3]  }
0x77: {  	[hbm4b:s20+s3] =	stream.linear.scatter [tilespmem:s16], [sflag:$0x1], $0x1F400, $0x38;
	[tilespmem:$0x1F480] =	vst v63  }
0x78: {  	s20 =	rddreg [dreg:$0x4]  }
0x79: {  	[hbm4b:s20+s3] =	stream.linear.scatter [tilespmem:s16], [sflag:$0x1], $0x1F400, $0x38;
	[tilespmem:$0x1F480] =	vst v63  }
0x7a: {  	s20 =	rddreg [dreg:$0x5]  }
0x7b: {  	[hbm4b:s20+s3] =	stream.linear.scatter [tilespmem:s16], [sflag:$0x1], $0x1F400, $0x38;
	[tilespmem:$0x1F480] =	vst v63  }
0x7c: {  	s20 =	rddreg [dreg:$0x6]  }
0x7d: {  	[hbm4b:s20+s3] =	stream.linear.scatter [tilespmem:s16], [sflag:$0x1], $0x1F400, $0x38;
	[tilespmem:$0x1F480] =	vst v63  }
0x7e: {  	s20 =	rddreg [dreg:$0x7]  }
0x7f: {  	[hbm4b:s20+s3] =	stream.linear.scatter [tilespmem:s16], [sflag:$0x1], $0x1F400, $0x38;
	[tilespmem:$0x1F480] =	vst v63  }
0x80: {  	s20 =	rddreg [dreg:$0x8]  }
0x81: {  	[hbm4b:s20+s3] =	stream.linear.scatter [tilespmem:s16], [sflag:$0x1], $0x1F400, $0x38;
	[tilespmem:$0x1F480] =	vst v63  }
0x82: {  	s20 =	rddreg [dreg:$0x9]  }
0x83: {  	[hbm4b:s20+s3] =	stream.linear.scatter [tilespmem:s16], [sflag:$0x1], $0x1F400, $0x38;
	[tilespmem:$0x1F480] =	vst v63  }
0x84: {  	s20 =	rddreg [dreg:$0xa]  }
0x85: {  	[hbm4b:s20+s3] =	stream.linear.scatter [tilespmem:s16], [sflag:$0x1], $0x1F400, $0x38;
	[tilespmem:$0x1F480] =	vst v63  }
0x86: {  	s20 =	rddreg [dreg:$0xb]  }
0x87: {  	[hbm4b:s20+s3] =	stream.linear.scatter [tilespmem:s16], [sflag:$0x1], $0x1F400, $0x38;
	[tilespmem:$0x1F480] =	vst v63  }
0x88: {  	s20 =	rddreg [dreg:$0xc]  }
0x89: {  	[hbm4b:s20+s3] =	stream.linear.scatter [tilespmem:s16], [sflag:$0x1], $0x1F400, $0x38;
	[tilespmem:$0x1F480] =	vst v63  }
0x8a: {  	s20 =	rddreg [dreg:$0xd]  }
0x8b: {  	[hbm4b:s20+s3] =	stream.linear.scatter [tilespmem:s16], [sflag:$0x1], $0x1F400, $0x38;
	[tilespmem:$0x1F480] =	vst v63  }
0x8c: {  	s20 =	rddreg [dreg:$0xe]  }
0x8d: {  	[hbm4b:s20+s3] =	stream.linear.scatter [tilespmem:s16], [sflag:$0x1], $0x1F400, $0x38;
	[tilespmem:$0x1F480] =	vst v63  }
0x8e: {  	s20 =	rddreg [dreg:$0xf]  }
0x8f: {  	[hbm4b:s20+s3] =	stream.linear.scatter [tilespmem:s16], [sflag:$0x1], $0x1F400, $0x38;
	[tilespmem:$0x1F480] =	vst v63  }
0x90: {  	s20 =	rddreg [dreg:$0x10]  }
0x91: {  	[hbm4b:s20+s3] =	stream.linear.scatter [tilespmem:s16], [sflag:$0x1], $0x1F400, $0x38;
	[tilespmem:$0x1F480] =	vst v63  }
0x92: {  	s20 =	rddreg [dreg:$0x11]  }
0x93: {  	[hbm4b:s20+s3] =	stream.linear.scatter [tilespmem:s16], [sflag:$0x1], $0x1F400, $0x38;
	[tilespmem:$0x1F480] =	vst v63  }
0x94: {  	s20 =	rddreg [dreg:$0x12]  }
0x95: {  	[hbm4b:s20+s3] =	stream.linear.scatter [tilespmem:s16], [sflag:$0x1], $0x1F400, $0x38;
	[tilespmem:$0x1F480] =	vst v63  }
0x96: {  	s20 =	rddreg [dreg:$0x13]  }
0x97: {  	[hbm4b:s20+s3] =	stream.linear.scatter [tilespmem:s16], [sflag:$0x1], $0x1F400, $0x38;
	[tilespmem:$0x1F480] =	vst v63  }
0x98: {  	s20 =	rddreg [dreg:$0x14]  }
0x99: {  	[hbm4b:s20+s3] =	stream.linear.scatter [tilespmem:s16], [sflag:$0x1], $0x1F400, $0x38;
	[tilespmem:$0x1F480] =	vst v63  }
0x9a: {  	s20 =	rddreg [dreg:$0x15]  }
0x9b: {  	[hbm4b:s20+s3] =	stream.linear.scatter [tilespmem:s16], [sflag:$0x1], $0x1F400, $0x38;
	[tilespmem:$0x1F480] =	vst v63  }
0x9c: {  	s20 =	rddreg [dreg:$0x16]  }
0x9d: {  	[hbm4b:s20+s3] =	stream.linear.scatter [tilespmem:s16], [sflag:$0x1], $0x1F400, $0x38;
	[tilespmem:$0x1F480] =	vst v63  }
0x9e: {  	s20 =	rddreg [dreg:$0x17]  }
0x9f: {  	[hbm4b:s20+s3] =	stream.linear.scatter [tilespmem:s16], [sflag:$0x1], $0x1F400, $0x38;
	[tilespmem:$0x1F480] =	vst v63  }
0xa0: {  	s20 =	rddreg [dreg:$0x18]  }
0xa1: {  	[hbm4b:s20+s3] =	stream.linear.scatter [tilespmem:s16], [sflag:$0x1], $0x1F400, $0x38;
	[tilespmem:$0x1F480] =	vst v63  }
0xa2: {  	s20 =	rddreg [dreg:$0x19]  }
0xa3: {  	[hbm4b:s20+s3] =	stream.linear.scatter [tilespmem:s16], [sflag:$0x1], $0x1F400, $0x38;
	[tilespmem:$0x1F480] =	vst v63  }
0xa4: {  	s20 =	rddreg [dreg:$0x1a]  }
0xa5: {  	[hbm4b:s20+s3] =	stream.linear.scatter [tilespmem:s16], [sflag:$0x1], $0x1F400, $0x38;
	[tilespmem:$0x1F480] =	vst v63  }
0xa6: {  	s20 =	rddreg [dreg:$0x1b]  }
0xa7: {  	[hbm4b:s20+s3] =	stream.linear.scatter [tilespmem:s16], [sflag:$0x1], $0x1F400, $0x38;
	[tilespmem:$0x1F480] =	vst v63  }
0xa8: {  	s20 =	rddreg [dreg:$0x1c]  }
0xa9: {  	[hbm4b:s20+s3] =	stream.linear.scatter [tilespmem:s16], [sflag:$0x1], $0x1F400, $0x38;
	[tilespmem:$0x1F480] =	vst v63  }
0xaa: {  	s20 =	rddreg [dreg:$0x1d]  }
0xab: {  	[hbm4b:s20+s3] =	stream.linear.scatter [tilespmem:s16], [sflag:$0x1], $0x1F400, $0x38;
	[tilespmem:$0x1F480] =	vst v63  }
0xac: {  	s20 =	rddreg [dreg:$0x1e]  }
0xad: {  	[hbm4b:s20+s3] =	stream.linear.scatter [tilespmem:s16], [sflag:$0x1], $0x1F400, $0x38;
	[tilespmem:$0x1F480] =	vst v63  }
0xae: {  	s20 =	rddreg [dreg:$0x1f]  }
0xaf: {  	[hbm4b:s20+s3] =	stream.linear.scatter [tilespmem:s16], [sflag:$0x1], $0x1F400, $0x38;
	[tilespmem:$0x1F480] =	vst v63  }
0xb0: {  	s20 =	sld [smem:$0x7CE];
	_ =	sdelay $0x2  }
0xb1: {  	[hbm4b:s20+s3] =	stream.linear.scatter [tilespmem:s16], [sflag:$0x1], $0x1F400, $0x38;
	[tilespmem:$0x1F480] =	vst v63  }
0xb2: {  	s20 =	sld [smem:$0x7CF];
	_ =	sdelay $0x2  }
0xb3: {  	[hbm4b:s20+s3] =	stream.linear.scatter [tilespmem:s16], [sflag:$0x1], $0x1F400, $0x38;
	[tilespmem:$0x1F480] =	vst v63  }
0xb4: {  	s20 =	sld [smem:$0x7D0];
	_ =	sdelay $0x2  }
0xb5: {  	[hbm4b:s20+s3] =	stream.linear.scatter [tilespmem:s16], [sflag:$0x1], $0x1F400, $0x38;
	[tilespmem:$0x1F480] =	vst v63  }
0xb6: {  	s20 =	sld [smem:$0x7D1];
	_ =	sdelay $0x2  }
0xb7: {  	[hbm4b:s20+s3] =	stream.linear.scatter [tilespmem:s16], [sflag:$0x1], $0x1F400, $0x38;
	[tilespmem:$0x1F480] =	vst v63  }
0xb8: {  	s20 =	sld [smem:$0x7D2];
	_ =	sdelay $0x2  }
0xb9: {  	[hbm4b:s20+s3] =	stream.linear.scatter [tilespmem:s16], [sflag:$0x1], $0x1F400, $0x38;
	[tilespmem:$0x1F480] =	vst v63  }
0xba: {  	s20 =	sld [smem:$0x7D3];
	_ =	sdelay $0x2  }
0xbb: {  	[hbm4b:s20+s3] =	stream.linear.scatter [tilespmem:s16], [sflag:$0x1], $0x1F400, $0x38;
	[tilespmem:$0x1F480] =	vst v63  }
0xbc: {  	s20 =	sld [smem:$0x7D4];
	_ =	sdelay $0x2  }
0xbd: {  	[hbm4b:s20+s3] =	stream.linear.scatter [tilespmem:s16], [sflag:$0x1], $0x1F400, $0x38;
	[tilespmem:$0x1F480] =	vst v63  }
0xbe: {  	s20 =	sld [smem:$0x7D5];
	_ =	sdelay $0x2  }
0xbf: {  	[hbm4b:s20+s3] =	stream.linear.scatter [tilespmem:s16], [sflag:$0x1], $0x1F400, $0x38;
	[tilespmem:$0x1F480] =	vst v63  }
0xc0: {  	s20 =	sld [smem:$0x7D6];
	_ =	sdelay $0x2  }
0xc1: {  	[hbm4b:s20+s3] =	stream.linear.scatter [tilespmem:s16], [sflag:$0x1], $0x1F400, $0x38;
	[tilespmem:$0x1F480] =	vst v63  }
0xc2: {  	s20 =	sld [smem:$0x7D7];
	_ =	sdelay $0x2  }
0xc3: {  	[hbm4b:s20+s3] =	stream.linear.scatter [tilespmem:s16], [sflag:$0x1], $0x1F400, $0x38;
	[tilespmem:$0x1F480] =	vst v63  }
0xc4: {  	s20 =	sld [smem:$0x7D8];
	_ =	sdelay $0x2  }
0xc5: {  	[hbm4b:s20+s3] =	stream.linear.scatter [tilespmem:s16], [sflag:$0x1], $0x1F400, $0x38;
	[tilespmem:$0x1F480] =	vst v63  }
0xc6: {  	s20 =	sld [smem:$0x7D9];
	_ =	sdelay $0x2  }
0xc7: {  	[hbm4b:s20+s3] =	stream.linear.scatter [tilespmem:s16], [sflag:$0x1], $0x1F400, $0x38;
	[tilespmem:$0x1F480] =	vst v63  }
0xc8: {  	s20 =	sld [smem:$0x7DA];
	_ =	sdelay $0x2  }
0xc9: {  	[hbm4b:s20+s3] =	stream.linear.scatter [tilespmem:s16], [sflag:$0x1], $0x1F400, $0x38;
	[tilespmem:$0x1F480] =	vst v63  }
0xca: {  	s20 =	sld [smem:$0x7DB];
	_ =	sdelay $0x2  }
0xcb: {  	[hbm4b:s20+s3] =	stream.linear.scatter [tilespmem:s16], [sflag:$0x1], $0x1F400, $0x38;
	[tilespmem:$0x1F480] =	vst v63  }
0xcc: {  	s20 =	sld [smem:$0x7DC];
	_ =	sdelay $0x2  }
0xcd: {  	[hbm4b:s20+s3] =	stream.linear.scatter [tilespmem:s16], [sflag:$0x1], $0x1F400, $0x38;
	[tilespmem:$0x1F480] =	vst v63  }
0xce: {  	s20 =	sld [smem:$0x7DD];
	_ =	sdelay $0x2  }
0xcf: {  	[hbm4b:s20+s3] =	stream.linear.scatter [tilespmem:s16], [sflag:$0x1], $0x1F400, $0x38;
	[tilespmem:$0x1F480] =	vst v63  }
0xd0: {  	s20 =	sld [smem:$0x7DE];
	_ =	sdelay $0x2  }
0xd1: {  	[hbm4b:s20+s3] =	stream.linear.scatter [tilespmem:s16], [sflag:$0x1], $0x1F400, $0x38;
	[tilespmem:$0x1F480] =	vst v63  }
0xd2: {  	s20 =	sld [smem:$0x7DF];
	_ =	sdelay $0x2  }
0xd3: {  	[hbm4b:s20+s3] =	stream.linear.scatter [tilespmem:s16], [sflag:$0x1], $0x1F400, $0x38;
	[tilespmem:$0x1F480] =	vst v63  }
0xd4: {  	s20 =	sld [smem:$0x7E0];
	_ =	sdelay $0x2  }
0xd5: {  	[hbm4b:s20+s3] =	stream.linear.scatter [tilespmem:s16], [sflag:$0x1], $0x1F400, $0x38;
	[tilespmem:$0x1F480] =	vst v63  }
0xd6: {  	s20 =	sld [smem:$0x7E1];
	_ =	sdelay $0x2  }
0xd7: {  	[hbm4b:s20+s3] =	stream.linear.scatter [tilespmem:s16], [sflag:$0x1], $0x1F400, $0x38;
	[tilespmem:$0x1F480] =	vst v63  }
0xd8: {  	s20 =	sld [smem:$0x7E2];
	_ =	sdelay $0x2  }
0xd9: {  	[hbm4b:s20+s3] =	stream.linear.scatter [tilespmem:s16], [sflag:$0x1], $0x1F400, $0x38;
	[tilespmem:$0x1F480] =	vst v63  }
0xda: {  	s20 =	sld [smem:$0x7E3];
	_ =	sdelay $0x2  }
0xdb: {  	[hbm4b:s20+s3] =	stream.linear.scatter [tilespmem:s16], [sflag:$0x1], $0x1F400, $0x38;
	[tilespmem:$0x1F480] =	vst v63  }
0xdc: {  	s20 =	sld [smem:$0x7E4];
	_ =	sdelay $0x2  }
0xdd: {  	[hbm4b:s20+s3] =	stream.linear.scatter [tilespmem:s16], [sflag:$0x1], $0x1F400, $0x38;
	[tilespmem:$0x1F480] =	vst v63  }
0xde: {  	s20 =	sld [smem:$0x7E5];
	_ =	sdelay $0x2  }
0xdf: {  	[hbm4b:s20+s3] =	stream.linear.scatter [tilespmem:s16], [sflag:$0x1], $0x1F400, $0x38;
	[tilespmem:$0x1F480] =	vst v63  }
0xe0: {  	s20 =	sld [smem:$0x7E6];
	_ =	sdelay $0x2  }
0xe1: {  	[hbm4b:s20+s3] =	stream.linear.scatter [tilespmem:s16], [sflag:$0x1], $0x1F400, $0x38;
	[tilespmem:$0x1F480] =	vst v63  }
0xe2: {  	s20 =	sld [smem:$0x7E7];
	_ =	sdelay $0x2  }
0xe3: {  	[hbm4b:s20+s3] =	stream.linear.scatter [tilespmem:s16], [sflag:$0x1], $0x1F400, $0x38;
	[tilespmem:$0x1F480] =	vst v63  }
0xe4: {  	s20 =	sld [smem:$0x7E8];
	_ =	sdelay $0x2  }
0xe5: {  	[hbm4b:s20+s3] =	stream.linear.scatter [tilespmem:s16], [sflag:$0x1], $0x1F400, $0x38;
	[tilespmem:$0x1F480] =	vst v63  }
0xe6: {  	s20 =	sld [smem:$0x7E9];
	_ =	sdelay $0x2  }
0xe7: {  	[hbm4b:s20+s3] =	stream.linear.scatter [tilespmem:s16], [sflag:$0x1], $0x1F400, $0x38;
	[tilespmem:$0x1F480] =	vst v63  }
0xe8: {  	s20 =	sld [smem:$0x7EA];
	_ =	sdelay $0x2  }
0xe9: {  	[hbm4b:s20+s3] =	stream.linear.scatter [tilespmem:s16], [sflag:$0x1], $0x1F400, $0x38;
	[tilespmem:$0x1F480] =	vst v63  }
0xea: {  	s20 =	sld [smem:$0x7EB];
	_ =	sdelay $0x2  }
0xeb: {  	[hbm4b:s20+s3] =	stream.linear.scatter [tilespmem:s16], [sflag:$0x1], $0x1F400, $0x38;
	[tilespmem:$0x1F480] =	vst v63  }
0xec: {  	s20 =	sld [smem:$0x7EC];
	_ =	sdelay $0x2  }
0xed: {  	[hbm4b:s20+s3] =	stream.linear.scatter [tilespmem:s16], [sflag:$0x1], $0x1F400, $0x38;
	[tilespmem:$0x1F480] =	vst v63  }
0xee: {  	s20 =	sld [smem:$0x7ED];
	_ =	sdelay $0x2  }
0xef: {  	[hbm4b:s20+s3] =	stream.linear.scatter [tilespmem:s16], [sflag:$0x1], $0x1F400, $0x38;
	[tilespmem:$0x1F480] =	vst v63  }
0xf0: {  	s20 =	sld [smem:$0x7EE];
	_ =	sdelay $0x2  }
0xf1: {  	[hbm4b:s20+s3] =	stream.linear.scatter [tilespmem:s16], [sflag:$0x1], $0x1F400, $0x38;
	[tilespmem:$0x1F480] =	vst v63  }
0xf2: {  	s20 =	sld [smem:$0x7EF];
	_ =	sdelay $0x2  }
0xf3: {  	[hbm4b:s20+s3] =	stream.linear.scatter [tilespmem:s16], [sflag:$0x1], $0x1F400, $0x38;
	[tilespmem:$0x1F480] =	vst v63  }
0xf4: {  	s20 =	sld [smem:$0x7F0];
	_ =	sdelay $0x2  }
0xf5: {  	[hbm4b:s20+s3] =	stream.linear.scatter [tilespmem:s16], [sflag:$0x1], $0x1F400, $0x38;
	[tilespmem:$0x1F480] =	vst v63  }
0xf6: {  	s20 =	sld [smem:$0x7F1]  }
0xf7: {  	[hbm4b:s7+s3] =	stream.linear.scatter [tilespmem:s16], [sflag:$0x1], $0x1F400, $0x38;
	[tilespmem:$0x1F480] =	vst v63  }
0xf8: {  	_ = 	snop  }
0xf9: {  	[hbm4b:s20+s3] =	stream.linear.scatter [tilespmem:s16], [sflag:$0x1], $0x1F400, $0x38;
	[tilespmem:$0x1F480] =	vst v63  }
0xfa: {  	s20 =	sld [smem:$0x7F2];
	_ =	sdelay $0x2  }
0xfb: {  	[hbm4b:s20+s3] =	stream.linear.scatter [tilespmem:s16], [sflag:$0x1], $0x1F400, $0x38;
	[tilespmem:$0x1F480] =	vst v63  }
0xfc: {  	s20 =	sld [smem:$0x7F3];
	_ =	sdelay $0x2  }
0xfd: {  	[hbm4b:s20+s3] =	stream.linear.scatter [tilespmem:s16], [sflag:$0x1], $0x1F400, $0x38;
	[tilespmem:$0x1F480] =	vst v63  }
0xfe: {  	s20 =	sld [smem:$0x7F4];
	_ =	sdelay $0x2  }
0xff: {  	[hbm4b:s20+s3] =	stream.linear.scatter [tilespmem:s16], [sflag:$0x1], $0x1F400, $0x38;
	[tilespmem:$0x1F480] =	vst v63  }
0x100: {  	s20 =	sld [smem:$0x7F5];
	_ =	sdelay $0x2  }
0x101: {  	[hbm4b:s20+s3] =	stream.linear.scatter [tilespmem:s16], [sflag:$0x1], $0x1F400, $0x38;
	[tilespmem:$0x1F480] =	vst v63  }
0x102: {  	s20 =	sld [smem:$0x7F6];
	_ =	sdelay $0x2  }
0x103: {  	[hbm4b:s20+s3] =	stream.linear.scatter [tilespmem:s16], [sflag:$0x1], $0x1F400, $0x38;
	[tilespmem:$0x1F480] =	vst v63  }
0x104: {  	s20 =	sld [smem:$0x7F7];
	_ =	sdelay $0x2  }
0x105: {  	[hbm4b:s20+s3] =	stream.linear.scatter [tilespmem:s16], [sflag:$0x1], $0x1F400, $0x38;
	[tilespmem:$0x1F480] =	vst v63  }
0x106: {  	s20 =	sld [smem:$0x7F8];
	_ =	sdelay $0x2  }
0x107: {  	[hbm4b:s20+s3] =	stream.linear.scatter [tilespmem:s16], [sflag:$0x1], $0x1F400, $0x38;
	[tilespmem:$0x1F480] =	vst v63  }
0x108: {  	s20 =	sld [smem:$0x7F9];
	_ =	sdelay $0x2  }
0x109: {  	[hbm4b:s20+s3] =	stream.linear.scatter [tilespmem:s16], [sflag:$0x1], $0x1F400, $0x38;
	[tilespmem:$0x1F480] =	vst v63  }
0x10a: {  	s20 =	sld [smem:$0x7FA];
	_ =	sdelay $0x2  }
0x10b: {  	[hbm4b:s20+s3] =	stream.linear.scatter [tilespmem:s16], [sflag:$0x1], $0x1F400, $0x38;
	[tilespmem:$0x1F480] =	vst v63  }
0x10c: {  	s20 =	sld [smem:$0x7FB];
	_ =	sdelay $0x2  }
0x10d: {  	[hbm4b:s20+s3] =	stream.linear.scatter [tilespmem:s16], [sflag:$0x1], $0x1F400, $0x38;
	[tilespmem:$0x1F480] =	vst v63  }
0x10e: {  	s20 =	sld [smem:$0x7FC];
	_ =	sdelay $0x2  }
0x10f: {  	[hbm4b:s20+s3] =	stream.linear.scatter [tilespmem:s16], [sflag:$0x1], $0x1F400, $0x38;
	[tilespmem:$0x1F480] =	vst v63  }
0x110: {  	s20 =	sld [smem:$0x7FD];
	_ =	sdelay $0x2  }
0x111: {  	[hbm4b:s20+s3] =	stream.linear.scatter [tilespmem:s16], [sflag:$0x1], $0x1F400, $0x38;
	[tilespmem:$0x1F480] =	vst v63  }
0x112: {  	_ = 	snop  }
0x113: {  	[hbm4b:s21+s3] =	stream.linear.scatter [tilespmem:s16], [sflag:$0x1], $0x1F400, $0x38;
	[tilespmem:$0x1F480] =	vst v63  }
0x114: {  	_ = 	snop  }
0x115: {  	[hbm4b:s22+s3] =	stream.linear.scatter [tilespmem:s16], [sflag:$0x1], $0x1F400, $0x38;
	[tilespmem:$0x1F480] =	vst v63  }
0x116: {  	_ = 	snop  }
0x117: {  	[hbm4b:s23+s3] =	stream.linear.scatter [tilespmem:s16], [sflag:$0x1], $0x1F400, $0x38;
	[tilespmem:$0x1F480] =	vst v63  }
0x118: {  	_ = 	snop  }
0x119: {  	[hbm4b:s24+s3] =	stream.linear.scatter [tilespmem:s16], [sflag:$0x1], $0x1F400, $0x38;
	[tilespmem:$0x1F480] =	vst v63  }
0x11a: {  	_ = 	snop  }
0x11b: {  	[hbm4b:s25+s3] =	stream.linear.scatter [tilespmem:s16], [sflag:$0x1], $0x1F400, $0x38;
	[tilespmem:$0x1F480] =	vst v63  }
0x11c: {  	_ = 	snop  }
0x11d: {  	[hbm4b:s26+s3] =	stream.linear.scatter [tilespmem:s16], [sflag:$0x1], $0x1F400, $0x38;
	[tilespmem:$0x1F480] =	vst v63  }
0x11e: {  	_ = 	snop  }
0x11f: {  	[hbm4b:s28+s3] =	stream.linear.scatter [tilespmem:s16], [sflag:$0x1], $0x1F400, $0x38;
	[tilespmem:$0x1F480] =	vst v63  }
0x120: {  	_ = 	snop  }
0x121: {  	[hbm4b:s29+s3] =	stream.linear.scatter [tilespmem:s16], [sflag:$0x1], $0x1F400, $0x38;
	[tilespmem:$0x1F480] =	vst v63  }
0x122: {  	_ = 	snop  }
0x123: {  	[hbm4b:s30+s3] =	stream.linear.scatter [tilespmem:s16], [sflag:$0x1], $0x1F400, $0x38;
	[tilespmem:$0x1F480] =	vst v63  }
0x124: {  	_ = 	snop  }
0x125: {  	[hbm4b:s31+s3] =	stream.linear.scatter [tilespmem:s16], [sflag:$0x1], $0x1F400, $0x38;
	[tilespmem:$0x1F480] =	vst v63  }
0x126: {  	_ = 	snop  }
0x127: {  	[hbm4b:s1+s3] =	stream.linear.scatter [tilespmem:s16], [sflag:$0x1], $0x1F400, $0x38;
	[tilespmem:$0x1F480] =	vst v63  }
0x128: {  	_ = 	snop  }
0x129: {  	[hbm4b:s0+s3] =	stream.linear.scatter [tilespmem:s16], [sflag:$0x1], $0x1F400, $0x38;
	[tilespmem:$0x1F480] =	vst v63  }
0x12a: {  	_ = 	snop  }
0x12b: {  	[hbm4b:s2+s3] =	stream.linear.scatter [tilespmem:s16], [sflag:$0x1], $0x1F400, $0x38;
	[tilespmem:$0x1F480] =	vst v63  }
0x12c: {  	_ = 	snop  }
0x12d: {  	[hbm4b:s4+s3] =	stream.linear.scatter [tilespmem:s16], [sflag:$0x1], $0x1F400, $0x38;
	[tilespmem:$0x1F480] =	vst v63  }
0x12e: {  	_ = 	snop  }
0x12f: {  	[hbm4b:s5+s3] =	stream.linear.scatter [tilespmem:s16], [sflag:$0x1], $0x1F400, $0x38;
	[tilespmem:$0x1F480] =	vst v63  }
0x130: {  	_ = 	snop  }
0x131: {  	[hbm4b:s6+s3] =	stream.linear.scatter [tilespmem:s16], [sflag:$0x1], $0x1F400, $0x38;
	[tilespmem:$0x1F480] =	vst v63  }
0x132: {  	_ = 	snop  }
0x133: {  	[hbm4b:s8+s3] =	stream.linear.scatter [tilespmem:s16], [sflag:$0x1], $0x1F400, $0x38;
	[tilespmem:$0x1F480] =	vst v63  }
0x134: {  	_ = 	snop  }
0x135: {  	[hbm4b:s9+s3] =	stream.linear.scatter [tilespmem:s16], [sflag:$0x1], $0x1F400, $0x38;
	[tilespmem:$0x1F480] =	vst v63  }
0x136: {  	_ = 	snop  }
0x137: {  	[hbm4b:s11+s3] =	stream.linear.scatter [tilespmem:s16], [sflag:$0x1], $0x1F400, $0x38;
	[tilespmem:$0x1F480] =	vst v63  }
0x138: {  	_ = 	snop  }
0x139: {  	[hbm4b:s12+s3] =	stream.linear.scatter [tilespmem:s16], [sflag:$0x1], $0x1F400, $0x38;
	[tilespmem:$0x1F480] =	vst v63  }
0x13a: {  	_ = 	snop  }
0x13b: {  	[hbm4b:s13+s3] =	stream.linear.scatter [tilespmem:s16], [sflag:$0x1], $0x1F400, $0x38;
	[tilespmem:$0x1F480] =	vst v63  }
0x13c: {  	_ =	swait.ge [sflag:s17], $0x1F400  }
0x13d: {  	[sflag:s17] =	ssyncset.done $0x0  }
0x13e: {  	[sflag:s17] =	ssyncadd.s32 $0xFFFE0C00  }
0x13f: {  	_ =	swait.ge [sflag:s17], $0x1F400  }
0x140: {  	[sflag:s17] =	ssyncset.done $0x0  }
0x141: {  	[sflag:s17] =	ssyncadd.s32 $0xFFFE0C00  }
0x142: {  	_ =	swait.ge [sflag:s17], $0x1F400  }
0x143: {  	[sflag:s17] =	ssyncset.done $0x0  }
0x144: {  	[sflag:s17] =	ssyncadd.s32 $0xFFFE0C00  }
0x145: {  	_ =	swait.ge [sflag:s17], $0x1F400  }
0x146: {  	[sflag:s17] =	ssyncset.done $0x0  }
0x147: {  	[sflag:s17] =	ssyncadd.s32 $0xFFFE0C00  }
0x148: {  	_ =	swait.ge [sflag:s17], $0x1F400  }
0x149: {  	[sflag:s17] =	ssyncset.done $0x0  }
0x14a: {  	[sflag:s17] =	ssyncadd.s32 $0xFFFE0C00  }
0x14b: {  	_ =	swait.ge [sflag:s17], $0x1F400  }
0x14c: {  	[sflag:s17] =	ssyncset.done $0x0  }
0x14d: {  	[sflag:s17] =	ssyncadd.s32 $0xFFFE0C00  }
0x14e: {  	_ =	swait.ge [sflag:s17], $0x1F400  }
0x14f: {  	[sflag:s17] =	ssyncset.done $0x0  }
0x150: {  	[sflag:s17] =	ssyncadd.s32 $0xFFFE0C00  }
0x151: {  	_ =	swait.ge [sflag:s17], $0x1F400  }
0x152: {  	[sflag:s17] =	ssyncset.done $0x0  }
0x153: {  	[sflag:s17] =	ssyncadd.s32 $0xFFFE0C00  }
0x154: {  	_ =	swait.ge [sflag:s17], $0x1F400  }
0x155: {  	[sflag:s17] =	ssyncset.done $0x0  }
0x156: {  	[sflag:s17] =	ssyncadd.s32 $0xFFFE0C00  }
0x157: {  	_ =	swait.ge [sflag:s17], $0x1F400  }
0x158: {  	[sflag:s17] =	ssyncset.done $0x0  }
0x159: {  	[sflag:s17] =	ssyncadd.s32 $0xFFFE0C00  }
0x15a: {  	_ =	swait.ge [sflag:s17], $0x1F400  }
0x15b: {  	[sflag:s17] =	ssyncset.done $0x0  }
0x15c: {  	[sflag:s17] =	ssyncadd.s32 $0xFFFE0C00  }
0x15d: {  	_ =	swait.ge [sflag:s17], $0x1F400  }
0x15e: {  	[sflag:s17] =	ssyncset.done $0x0  }
0x15f: {  	[sflag:s17] =	ssyncadd.s32 $0xFFFE0C00  }
0x160: {  	_ =	swait.ge [sflag:s17], $0x1F400  }
0x161: {  	[sflag:s17] =	ssyncset.done $0x0  }
0x162: {  	[sflag:s17] =	ssyncadd.s32 $0xFFFE0C00  }
0x163: {  	_ =	swait.ge [sflag:s17], $0x1F400  }
0x164: {  	[sflag:s17] =	ssyncset.done $0x0  }
0x165: {  	[sflag:s17] =	ssyncadd.s32 $0xFFFE0C00  }
0x166: {  	_ =	swait.ge [sflag:s17], $0x1F400  }
0x167: {  	[sflag:s17] =	ssyncset.done $0x0  }
0x168: {  	[sflag:s17] =	ssyncadd.s32 $0xFFFE0C00  }
0x169: {  	_ =	swait.ge [sflag:s17], $0x1F400  }
0x16a: {  	[sflag:s17] =	ssyncset.done $0x0  }
0x16b: {  	[sflag:s17] =	ssyncadd.s32 $0xFFFE0C00  }
0x16c: {  	_ =	swait.ge [sflag:s17], $0x1F400  }
0x16d: {  	[sflag:s17] =	ssyncset.done $0x0  }
0x16e: {  	[sflag:s17] =	ssyncadd.s32 $0xFFFE0C00  }
0x16f: {  	_ =	swait.ge [sflag:s17], $0x1F400  }
0x170: {  	[sflag:s17] =	ssyncset.done $0x0  }
0x171: {  	[sflag:s17] =	ssyncadd.s32 $0xFFFE0C00  }
0x172: {  	_ =	swait.ge [sflag:s17], $0x1F400  }
0x173: {  	[sflag:s17] =	ssyncset.done $0x0  }
0x174: {  	[sflag:s17] =	ssyncadd.s32 $0xFFFE0C00  }
0x175: {  	_ =	swait.ge [sflag:s17], $0x1F400  }
0x176: {  	[sflag:s17] =	ssyncset.done $0x0  }
0x177: {  	[sflag:s17] =	ssyncadd.s32 $0xFFFE0C00  }
0x178: {  	_ =	swait.ge [sflag:s17], $0x1F400  }
0x179: {  	[sflag:s17] =	ssyncset.done $0x0  }
0x17a: {  	[sflag:s17] =	ssyncadd.s32 $0xFFFE0C00  }
0x17b: {  	_ =	swait.ge [sflag:s17], $0x1F400  }
0x17c: {  	[sflag:s17] =	ssyncset.done $0x0  }
0x17d: {  	[sflag:s17] =	ssyncadd.s32 $0xFFFE0C00  }
0x17e: {  	_ =	swait.ge [sflag:s17], $0x1F400  }
0x17f: {  	[sflag:s17] =	ssyncset.done $0x0  }
0x180: {  	[sflag:s17] =	ssyncadd.s32 $0xFFFE0C00  }
0x181: {  	_ =	swait.ge [sflag:s17], $0x1F400  }
0x182: {  	[sflag:s17] =	ssyncset.done $0x0  }
0x183: {  	[sflag:s17] =	ssyncadd.s32 $0xFFFE0C00  }
0x184: {  	_ =	swait.ge [sflag:s17], $0x1F400  }
0x185: {  	[sflag:s17] =	ssyncset.done $0x0  }
0x186: {  	[sflag:s17] =	ssyncadd.s32 $0xFFFE0C00  }
0x187: {  	_ =	swait.ge [sflag:s17], $0x1F400  }
0x188: {  	[sflag:s17] =	ssyncset.done $0x0  }
0x189: {  	[sflag:s17] =	ssyncadd.s32 $0xFFFE0C00  }
0x18a: {  	_ =	swait.ge [sflag:s17], $0x1F400  }
0x18b: {  	[sflag:s17] =	ssyncset.done $0x0  }
0x18c: {  	[sflag:s17] =	ssyncadd.s32 $0xFFFE0C00  }
0x18d: {  	_ =	swait.ge [sflag:s17], $0x1F400  }
0x18e: {  	[sflag:s17] =	ssyncset.done $0x0  }
0x18f: {  	[sflag:s17] =	ssyncadd.s32 $0xFFFE0C00  }
0x190: {  	_ =	swait.ge [sflag:s17], $0x1F400  }
0x191: {  	[sflag:s17] =	ssyncset.done $0x0  }
0x192: {  	[sflag:s17] =	ssyncadd.s32 $0xFFFE0C00  }
0x193: {  	_ =	swait.ge [sflag:s17], $0x1F400  }
0x194: {  	[sflag:s17] =	ssyncset.done $0x0  }
0x195: {  	[sflag:s17] =	ssyncadd.s32 $0xFFFE0C00  }
0x196: {  	_ =	swait.ge [sflag:s17], $0x1F400  }
0x197: {  	[sflag:s17] =	ssyncset.done $0x0  }
0x198: {  	[sflag:s17] =	ssyncadd.s32 $0xFFFE0C00  }
0x199: {  	_ =	swait.ge [sflag:s17], $0x1F400  }
0x19a: {  	[sflag:s17] =	ssyncset.done $0x0  }
0x19b: {  	[sflag:s17] =	ssyncadd.s32 $0xFFFE0C00  }
0x19c: {  	_ =	swait.ge [sflag:s17], $0x1F400  }
0x19d: {  	[sflag:s17] =	ssyncset.done $0x0  }
0x19e: {  	[sflag:s17] =	ssyncadd.s32 $0xFFFE0C00  }
0x19f: {  	_ =	swait.ge [sflag:s17], $0x1F400  }
0x1a0: {  	[sflag:s17] =	ssyncset.done $0x0  }
0x1a1: {  	[sflag:s17] =	ssyncadd.s32 $0xFFFE0C00  }
0x1a2: {  	_ =	swait.ge [sflag:s17], $0x1F400  }
0x1a3: {  	[sflag:s17] =	ssyncset.done $0x0  }
0x1a4: {  	[sflag:s17] =	ssyncadd.s32 $0xFFFE0C00  }
0x1a5: {  	_ =	swait.ge [sflag:s17], $0x1F400  }
0x1a6: {  	[sflag:s17] =	ssyncset.done $0x0  }
0x1a7: {  	[sflag:s17] =	ssyncadd.s32 $0xFFFE0C00  }
0x1a8: {  	_ =	swait.ge [sflag:s17], $0x1F400  }
0x1a9: {  	[sflag:s17] =	ssyncset.done $0x0  }
0x1aa: {  	[sflag:s17] =	ssyncadd.s32 $0xFFFE0C00  }
0x1ab: {  	_ =	swait.ge [sflag:s17], $0x1F400  }
0x1ac: {  	[sflag:s17] =	ssyncset.done $0x0  }
0x1ad: {  	[sflag:s17] =	ssyncadd.s32 $0xFFFE0C00  }
0x1ae: {  	_ =	swait.ge [sflag:s17], $0x1F400  }
0x1af: {  	[sflag:s17] =	ssyncset.done $0x0  }
0x1b0: {  	[sflag:s17] =	ssyncadd.s32 $0xFFFE0C00  }
0x1b1: {  	_ =	swait.ge [sflag:s17], $0x1F400  }
0x1b2: {  	[sflag:s17] =	ssyncset.done $0x0  }
0x1b3: {  	[sflag:s17] =	ssyncadd.s32 $0xFFFE0C00  }
0x1b4: {  	_ =	swait.ge [sflag:s17], $0x1F400  }
0x1b5: {  	[sflag:s17] =	ssyncset.done $0x0  }
0x1b6: {  	[sflag:s17] =	ssyncadd.s32 $0xFFFE0C00  }
0x1b7: {  	_ =	swait.ge [sflag:s17], $0x1F400  }
0x1b8: {  	[sflag:s17] =	ssyncset.done $0x0  }
0x1b9: {  	[sflag:s17] =	ssyncadd.s32 $0xFFFE0C00  }
0x1ba: {  	_ =	swait.ge [sflag:s17], $0x1F400  }
0x1bb: {  	[sflag:s17] =	ssyncset.done $0x0  }
0x1bc: {  	[sflag:s17] =	ssyncadd.s32 $0xFFFE0C00  }
0x1bd: {  	_ =	swait.ge [sflag:s17], $0x1F400  }
0x1be: {  	[sflag:s17] =	ssyncset.done $0x0  }
0x1bf: {  	[sflag:s17] =	ssyncadd.s32 $0xFFFE0C00  }
0x1c0: {  	_ =	swait.ge [sflag:s17], $0x1F400  }
0x1c1: {  	[sflag:s17] =	ssyncset.done $0x0  }
0x1c2: {  	[sflag:s17] =	ssyncadd.s32 $0xFFFE0C00  }
0x1c3: {  	_ =	swait.ge [sflag:s17], $0x1F400  }
0x1c4: {  	[sflag:s17] =	ssyncset.done $0x0  }
0x1c5: {  	[sflag:s17] =	ssyncadd.s32 $0xFFFE0C00  }
0x1c6: {  	_ =	swait.ge [sflag:s17], $0x1F400  }
0x1c7: {  	[sflag:s17] =	ssyncset.done $0x0  }
0x1c8: {  	[sflag:s17] =	ssyncadd.s32 $0xFFFE0C00  }
0x1c9: {  	_ =	swait.ge [sflag:s17], $0x1F400  }
0x1ca: {  	[sflag:s17] =	ssyncset.done $0x0  }
0x1cb: {  	[sflag:s17] =	ssyncadd.s32 $0xFFFE0C00  }
0x1cc: {  	_ =	swait.ge [sflag:s17], $0x1F400  }
0x1cd: {  	[sflag:s17] =	ssyncset.done $0x0  }
0x1ce: {  	[sflag:s17] =	ssyncadd.s32 $0xFFFE0C00  }
0x1cf: {  	_ =	swait.ge [sflag:s17], $0x1F400  }
0x1d0: {  	[sflag:s17] =	ssyncset.done $0x0  }
0x1d1: {  	[sflag:s17] =	ssyncadd.s32 $0xFFFE0C00  }
0x1d2: {  	_ =	swait.ge [sflag:s17], $0x1F400  }
0x1d3: {  	[sflag:s17] =	ssyncset.done $0x0  }
0x1d4: {  	[sflag:s17] =	ssyncadd.s32 $0xFFFE0C00  }
0x1d5: {  	_ =	swait.ge [sflag:s17], $0x1F400  }
0x1d6: {  	[sflag:s17] =	ssyncset.done $0x0  }
0x1d7: {  	[sflag:s17] =	ssyncadd.s32 $0xFFFE0C00  }
0x1d8: {  	_ =	swait.ge [sflag:s17], $0x1F400  }
0x1d9: {  	[sflag:s17] =	ssyncset.done $0x0  }
0x1da: {  	[sflag:s17] =	ssyncadd.s32 $0xFFFE0C00  }
0x1db: {  	_ =	swait.ge [sflag:s17], $0x1F400  }
0x1dc: {  	[sflag:s17] =	ssyncset.done $0x0  }
0x1dd: {  	[sflag:s17] =	ssyncadd.s32 $0xFFFE0C00  }
0x1de: {  	_ =	swait.ge [sflag:s17], $0x1F400  }
0x1df: {  	[sflag:s17] =	ssyncset.done $0x0  }
0x1e0: {  	[sflag:s17] =	ssyncadd.s32 $0xFFFE0C00  }
0x1e1: {  	_ =	swait.ge [sflag:s17], $0x1F400  }
0x1e2: {  	[sflag:s17] =	ssyncset.done $0x0  }
0x1e3: {  	[sflag:s17] =	ssyncadd.s32 $0xFFFE0C00  }
0x1e4: {  	_ =	swait.ge [sflag:s17], $0x1F400  }
0x1e5: {  	[sflag:s17] =	ssyncset.done $0x0  }
0x1e6: {  	[sflag:s17] =	ssyncadd.s32 $0xFFFE0C00  }
0x1e7: {  	_ =	swait.ge [sflag:s17], $0x1F400  }
0x1e8: {  	[sflag:s17] =	ssyncset.done $0x0  }
0x1e9: {  	[sflag:s17] =	ssyncadd.s32 $0xFFFE0C00  }
0x1ea: {  	_ =	swait.ge [sflag:s17], $0x1F400  }
0x1eb: {  	[sflag:s17] =	ssyncset.done $0x0  }
0x1ec: {  	[sflag:s17] =	ssyncadd.s32 $0xFFFE0C00  }
0x1ed: {  	_ =	swait.ge [sflag:s17], $0x1F400  }
0x1ee: {  	[sflag:s17] =	ssyncset.done $0x0  }
0x1ef: {  	[sflag:s17] =	ssyncadd.s32 $0xFFFE0C00  }
0x1f0: {  	_ =	swait.ge [sflag:s17], $0x1F400  }
0x1f1: {  	[sflag:s17] =	ssyncset.done $0x0  }
0x1f2: {  	[sflag:s17] =	ssyncadd.s32 $0xFFFE0C00  }
0x1f3: {  	_ =	swait.ge [sflag:s17], $0x1F400  }
0x1f4: {  	[sflag:s17] =	ssyncset.done $0x0  }
0x1f5: {  	[sflag:s17] =	ssyncadd.s32 $0xFFFE0C00  }
0x1f6: {  	_ =	swait.ge [sflag:s17], $0x1F400  }
0x1f7: {  	[sflag:s17] =	ssyncset.done $0x0  }
0x1f8: {  	[sflag:s17] =	ssyncadd.s32 $0xFFFE0C00  }
0x1f9: {  	_ =	swait.ge [sflag:s17], $0x1F400  }
0x1fa: {  	[sflag:s17] =	ssyncset.done $0x0  }
0x1fb: {  	[sflag:s17] =	ssyncadd.s32 $0xFFFE0C00  }
0x1fc: {  	_ =	swait.ge [sflag:s17], $0x1F400  }
0x1fd: {  	[sflag:s17] =	ssyncset.done $0x0  }
0x1fe: {  	[sflag:s17] =	ssyncadd.s32 $0xFFFE0C00  }
0x1ff: {  	_ =	swait.ge [sflag:s17], $0x1F400  }
0x200: {  	[sflag:s17] =	ssyncset.done $0x0  }
0x201: {  	[sflag:s17] =	ssyncadd.s32 $0xFFFE0C00  }
0x202: {  	_ =	swait.ge [sflag:s17], $0x1F400  }
0x203: {  	[sflag:s17] =	ssyncset.done $0x0  }
0x204: {  	[sflag:s17] =	ssyncadd.s32 $0xFFFE0C00  }
0x205: {  	_ =	swait.ge [sflag:s17], $0x1F400  }
0x206: {  	[sflag:s17] =	ssyncset.done $0x0  }
0x207: {  	[sflag:s17] =	ssyncadd.s32 $0xFFFE0C00  }
0x208: {  	_ =	swait.ge [sflag:s17], $0x1F400  }
0x209: {  	[sflag:s17] =	ssyncset.done $0x0  }
0x20a: {  	[sflag:s17] =	ssyncadd.s32 $0xFFFE0C00  }
0x20b: {  	_ =	swait.ge [sflag:s17], $0x1F400  }
0x20c: {  	[sflag:s17] =	ssyncset.done $0x0  }
0x20d: {  	[sflag:s17] =	ssyncadd.s32 $0xFFFE0C00  }
0x20e: {  	_ =	swait.ge [sflag:s17], $0x1F400  }
0x20f: {  	[sflag:s17] =	ssyncset.done $0x0  }
0x210: {  	[sflag:s17] =	ssyncadd.s32 $0xFFFE0C00  }
0x211: {  	_ =	swait.ge [sflag:s17], $0x1F400  }
0x212: {  	[sflag:s17] =	ssyncset.done $0x0  }
0x213: {  	[sflag:s17] =	ssyncadd.s32 $0xFFFE0C00  }
0x214: {  	_ =	swait.ge [sflag:s17], $0x1F400  }
0x215: {  	[sflag:s17] =	ssyncset.done $0x0  }
0x216: {  	[sflag:s17] =	ssyncadd.s32 $0xFFFE0C00  }
0x217: {  	_ =	swait.ge [sflag:s17], $0x1F400  }
0x218: {  	[sflag:s17] =	ssyncset.done $0x0  }
0x219: {  	[sflag:s17] =	ssyncadd.s32 $0xFFFE0C00  }
0x21a: {  	_ =	swait.ge [sflag:s17], $0x1F400  }
0x21b: {  	[sflag:s17] =	ssyncset.done $0x0  }
0x21c: {  	[sflag:s17] =	ssyncadd.s32 $0xFFFE0C00  }
0x21d: {  	_ =	swait.ge [sflag:s17], $0x1F400  }
0x21e: {  	[sflag:s17] =	ssyncset.done $0x0  }
0x21f: {  	[sflag:s17] =	ssyncadd.s32 $0xFFFE0C00  }
0x220: {  	_ =	swait.ge [sflag:s17], $0x1F400  }
0x221: {  	[sflag:s17] =	ssyncset.done $0x0  }
0x222: {  	[sflag:s17] =	ssyncadd.s32 $0xFFFE0C00  }
0x223: {  	_ =	swait.ge [sflag:s17], $0x1F400  }
0x224: {  	[sflag:s17] =	ssyncset.done $0x0  }
0x225: {  	[sflag:s17] =	ssyncadd.s32 $0xFFFE0C00  }
0x226: {  	_ =	swait.ge [sflag:s17], $0x1F400  }
0x227: {  	[sflag:s17] =	ssyncset.done $0x0  }
0x228: {  	[sflag:s17] =	ssyncadd.s32 $0xFFFE0C00  }
0x229: {  	_ =	swait.ge [sflag:s17], $0x1F400  }
0x22a: {  	[sflag:s17] =	ssyncset.done $0x0  }
0x22b: {  	[sflag:s17] =	ssyncadd.s32 $0xFFFE0C00  }
0x22c: {  	_ =	swait.ge [sflag:s17], $0x1F400  }
0x22d: {  	[sflag:s17] =	ssyncset.done $0x0  }
0x22e: {  	[sflag:s17] =	ssyncadd.s32 $0xFFFE0C00  }
0x22f: {  	_ =	swait.ge [sflag:s17], $0x1F400  }
0x230: {  	[sflag:s17] =	ssyncset.done $0x0  }
0x231: {  	[sflag:s17] =	ssyncadd.s32 $0xFFFE0C00  }
0x232: {  	_ =	swait.ge [sflag:s17], $0x1F400  }
0x233: {  	[sflag:s17] =	ssyncset.done $0x0  }
0x234: {  	[sflag:s17] =	ssyncadd.s32 $0xFFFE0C00  }
0x235: {  	_ =	swait.ge [sflag:s17], $0x1F400  }
0x236: {  	[sflag:s17] =	ssyncset.done $0x0  }
0x237: {  	[sflag:s17] =	ssyncadd.s32 $0xFFFE0C00  }
0x238: {  	_ =	swait.ge [sflag:s17], $0x1F400  }
0x239: {  	[sflag:s17] =	ssyncset.done $0x0  }
0x23a: {  	[sflag:s17] =	ssyncadd.s32 $0xFFFE0C00  }
0x23b: {  	_ =	swait.ge [sflag:s17], $0x1F400  }
0x23c: {  	[sflag:s17] =	ssyncset.done $0x0  }
0x23d: {  	[sflag:s17] =	ssyncadd.s32 $0xFFFE0C00  }
0x23e: {  	_ =	swait.ge [sflag:s17], $0x1F400  }
0x23f: {  	[sflag:s17] =	ssyncset.done $0x0  }
0x240: {  	[sflag:s17] =	ssyncadd.s32 $0xFFFE0C00  }
0x241: {  	_ =	swait.ge [sflag:s17], $0x1F400  }
0x242: {  	[sflag:s17] =	ssyncset.done $0x0  }
0x243: {  	[sflag:s17] =	ssyncadd.s32 $0xFFFE0C00  }
0x244: {  	_ =	swait.ge [sflag:s17], $0x1F400  }
0x245: {  	[sflag:s17] =	ssyncset.done $0x0  }
0x246: {  	[sflag:s17] =	ssyncadd.s32 $0xFFFE0C00  }
0x247: {  	_ =	swait.ge [sflag:s17], $0x1F400  }
0x248: {  	[sflag:s17] =	ssyncset.done $0x0  }
0x249: {  	[sflag:s17] =	ssyncadd.s32 $0xFFFE0C00  }
0x24a: {  	_ =	swait.ge [sflag:s17], $0x1F400  }
0x24b: {  	[sflag:s17] =	ssyncset.done $0x0  }
0x24c: {  	[sflag:s17] =	ssyncadd.s32 $0xFFFE0C00  }
0x24d: {  	_ =	swait.ge [sflag:s17], $0x1F400  }
0x24e: {  	[sflag:s17] =	ssyncset.done $0x0  }
0x24f: {  	[sflag:s17] =	ssyncadd.s32 $0xFFFE0C00  }
0x250: {  	_ =	swait.ge [sflag:s17], $0x1F400  }
0x251: {  	[sflag:s17] =	ssyncset.done $0x0  }
0x252: {  	[sflag:s17] =	ssyncadd.s32 $0xFFFE0C00  }
0x253: {  	_ =	swait.ge [sflag:s17], $0x1F400  }
0x254: {  	[sflag:s17] =	ssyncset.done $0x0  }
0x255: {  	[sflag:s17] =	ssyncadd.s32 $0xFFFE0C00  }
0x256: {  	_ =	swait.ge [sflag:s17], $0x1F400  }
0x257: {  	[sflag:s17] =	ssyncset.done $0x0  }
0x258: {  	[sflag:s17] =	ssyncadd.s32 $0xFFFE0C00  }
0x259: {  	_ =	swait.ge [sflag:s17], $0x1F400  }
0x25a: {  	[sflag:s17] =	ssyncset.done $0x0  }
0x25b: {  	[sflag:s17] =	ssyncadd.s32 $0xFFFE0C00  }
0x25c: {  	_ =	swait.ge [sflag:s17], $0x1F400  }
0x25d: {  	[sflag:s17] =	ssyncset.done $0x0  }
0x25e: {  	[sflag:s17] =	ssyncadd.s32 $0xFFFE0C00  }
0x25f: {  	_ =	swait.ge [sflag:s17], $0x1F400  }
0x260: {  	[sflag:s17] =	ssyncset.done $0x0  }
0x261: {  	s18 =	sadd.s32 $0x1, s18;
	[sflag:s17] =	ssyncadd.s32 $0xFFFE0C00  }
0x262: {  	p0 =	sne.s32 s18, s14;
	_ =	swait.ge [sflag:s17], $0x1F400  }
.Ltmp1:
0x263: {  	[sflag:s17] =	ssyncset.done $0x0;
	(pc) =	sbr.rel @p0 .LBB2_1-.Ltmp1, $4  }
0x264: {  	[sflag:s17] =	ssyncadd.s32 $0xFFFE0C00  }
0x265: {  	_ =	swait.ge [sflag:s17], $0x1F400  }
0x266: {  	[sflag:s17] =	ssyncset.done $0x0  }
0x267: {  	[sflag:s17] =	ssyncadd.s32 $0xFFFE0C00  }
0x268: {  	_ =	sfence.sel $0x180000  }
0x269: {  	[bflag:$0x0] =	sbarrier.arrive $0xFFFF  }
0x26a: {  	_ =	strace $0x90000047  }
0x26b: {  	s0 =	stileid.u32;
	[bflag:$0x2] =	sbarrier.arrive $0xFFFF  }
0x26c: {  	p0 =	sne.s32 s0, $0x0;
	s0 =	rddreg [dreg:$0x2]  }
0x26d: {  	s0 =	sadd.s32 @!p0 $0x100000, s0  }
0x26e: {  	[sflag:s0] =	ssyncadd.tile.s32 @!p0 $0x1;
	_ =	shalt  }
.Lfunc_end2:
_tile_overlayer_lowered:
.L_overlay_start_2:
0x26f: {  	(tag) =	ssettag $0x2  }
0x270: {  	s0 =	rddreg [dreg:$0x0];
	s2 =	stileid.u32  }
0x271: {  	s1 =	rddreg [dreg:$0x1];
	p0 =	sne.s32 s2, $0x0  }
0x272: {  	s3 =	rddreg [dreg:$0x2];
	[bflag:$0x3] =	sbarrier.arrive $0xFFFF;
	s2 =	simm.s32 @!p0 $0x1C02  }
0x273: {  	[timem:s3], [sflag:s2] =	dma.local @!p0 [hbm:s0], s1  }
0x274: {  	s0 =	simm.s32 @!p0 $0x2  }
0x275: {  	_ =	swait.ge @!p0 [sflag:s0], s1  }
0x276: {  	s1 =	ssub.s32 @!p0 $0x0, s1;
	[sflag:s0] =	ssyncset.done @!p0 $0x0  }
0x277: {  	[sflag:s0] =	ssyncadd.s32 @!p0 s1  }
0x278: {  	[bflag:$0x3] =	sbarrier.arrive $0xFFFF  }
0x279: {  	_ =	shalt  }

</sc_bundles>
